<compile_context>
chip_gen: v7x
topology: tpu7x:2x2x1
jax: 0.10.2.dev20260603
libtpu: 0.0.44.dev20260713+nightly
codegen_flags: <defaults>
</compile_context>

<pallas_src>
import functools
import math

import jax
import jax.numpy as jnp
from jax import lax
from jax.experimental import pallas as pl
from jax.experimental.pallas import tpu as pltpu
from jax.experimental.pallas import tpu_sc as plsc

VOCAB = 1000000
D = 64
BATCH = 4096
SEQ = 200
SCALE = math.sqrt(D)

NC = 2
NS = 16
LANES = 16
NW = NC * NS

TOTAL = BATCH * SEQ
PER_W = TOTAL // NW
CHUNK = 128
KPG = 4
G = CHUNK * KPG
NG = PER_W // G
NCHUNK = PER_W // CHUNK


def _emb_body(x_hbm, tab_hbm, out_hbm, idx_v, rows_v, gsem0, gsem1):
    wid = lax.axis_index("s") * NC + lax.axis_index("c")
    gsems = (gsem0, gsem1)
    pltpu.sync_copy(x_hbm.at[wid], idx_v)

    def gather_desc(g, b, j):
        return pltpu.make_async_copy(
            tab_hbm.at[idx_v.at[g * KPG + j]],
            rows_v.at[b, pl.ds(j * CHUNK, CHUNK)],
            gsems[b],
        )

    def fire(g, b):
        for j in range(KPG):
            gather_desc(g, b, j).start()

    def process(g, b, do_fire):
        for j in range(KPG):
            gather_desc(g, b, j).wait()

        def mrow(r, _):
            for q in range(D // LANES):
                sl = pl.ds(q * LANES, LANES)
                rows_v[b, r, sl] = rows_v[b, r, sl] * SCALE
            return ()

        lax.fori_loop(0, G, mrow, (), unroll=8)
        pltpu.sync_copy(
            rows_v.at[b],
            out_hbm.at[pl.ds(wid * PER_W + g * G, G), pl.ds(0, D)])
        if do_fire:
            fire(g + 2, b)

    fire(0, 0)
    fire(1, 1)

    def step(t, _):
        process(2 * t, 0, True)
        process(2 * t + 1, 1, True)
        return ()

    lax.fori_loop(0, NG // 2 - 1, step, ())
    process(NG - 2, 0, False)
    process(NG - 1, 1, False)


@jax.jit
def _emb_lookup(x2d, emb_table):
    mesh = plsc.VectorSubcoreMesh(core_axis_name="c", subcore_axis_name="s")
    k = functools.partial(
        pl.kernel,
        out_type=jax.ShapeDtypeStruct((TOTAL, 128), jnp.float32),
        mesh=mesh,
        scratch_types=[
            pltpu.VMEM((NCHUNK, CHUNK), jnp.int32),
            pltpu.VMEM((2, G, D), jnp.float32),
            pltpu.SemaphoreType.DMA,
            pltpu.SemaphoreType.DMA,
        ],
        compiler_params=pltpu.CompilerParams(use_tc_tiling_on_sc=False),
    )(_emb_body)
    return k(x2d, emb_table)


def kernel(x, emb_table):
    x2d = x.astype(jnp.int32).reshape(NW, NCHUNK, CHUNK)
    out = _emb_lookup(x2d, emb_table)
    return out[:, :D].reshape(BATCH, SEQ, D)

# --- scband reference (transcript-rebuilt; emitter-appended) ---
"""Pipeline reference for scband-embeddings-5987184411223 (READ-ONLY COPY).

The authoritative reference and input builder live on the scoring server;
editing this copy changes nothing except your own understanding.
"""

import jax, jax.numpy as jnp
import numpy as np
import math

VOCAB = 1000000
D_MODEL = 64
BATCH = 4096
SEQ = 200

def setup_inputs(seed: int = 0) -> dict:
    key = jax.random.key(seed)
    k_idx, k_tab = jax.random.split(key)
    x = jax.random.randint(k_idx, (BATCH, SEQ), 0, VOCAB, dtype=jnp.int64 if jax.config.jax_enable_x64 else jnp.int32)
    emb_table = jax.random.normal(k_tab, (VOCAB, D_MODEL), dtype=jnp.float32)
    return {"x": x, "emb_table": emb_table}

def reference(x, emb_table):
    # Embeddings.forward: self.emb(x) * sqrt(d_model)
    out = jnp.take(emb_table, x, axis=0) * math.sqrt(D_MODEL)
    return out

if __name__ == "__main__":
    import jax
    _d = setup_inputs()
    print(jax.jit(kernel)(*tuple(_d.values())))

</pallas_src>

<mosaic_0001>
#map = affine_map<(d0, d1) -> (0, 0, 0)>
#map1 = affine_map<(d0, d1) -> (0, 0)>
module attributes {stable_mosaic.version = 14 : i64} {
  func.func @_emb_body(%arg0: i32, %arg1: i32, %arg2: memref<32x200x128xi32, #tpu.memory_space<hbm>>, %arg3: memref<1000000x64xf32, #tpu.memory_space<hbm>>, %arg4: memref<819200x128xf32, #tpu.memory_space<hbm>>, %arg5: memref<200x128xi32, #tpu.memory_space<vmem>>, %arg6: memref<2x512x64xf32, #tpu.memory_space<vmem>>, %arg7: memref<!tpu.dma_semaphore, #tpu.memory_space<semaphore_mem>>, %arg8: memref<!tpu.dma_semaphore, #tpu.memory_space<semaphore_mem>>) attributes {dimension_semantics = [#tpu.dimension_semantics<core_parallel>, #tpu.dimension_semantics<subcore_parallel>], iteration_bounds = array<i64: 2, 16>, scalar_prefetch = 0 : i64, scratch_operands = 4 : i64, tpu.core_type = #tpu.core_type<sc_vector_subcore>, window_params = [{transform_indices = #map}, {transform_indices = #map1}, {transform_indices = #map1}]} {
    %mul3A = arith.constant 2 : i32
    %mul3A_0 = arith.muli %arg1, %mul3A : i32
    %add3A = arith.addi %mul3A_0, %arg0 : i32
    "tpu.region"() ({
      %run_scoped3A_214 = tpu.sem_alloc : memref<!tpu.dma_semaphore, #tpu.memory_space<semaphore_mem>>
      %dma_start3A_215 = arith.constant 0 : i32
      %dma_start3A_216 = arith.constant 0 : i32
      %dma_start3A_217 = tpu.memref_slice %arg2[%add3A, %dma_start3A_215, %dma_start3A_216] : memref<32x200x128xi32, #tpu.memory_space<hbm>> -> memref<1x200x128xi32, #tpu.memory_space<hbm>>
      %dma_start3A_218 = tpu.memref_squeeze %dma_start3A_217 : memref<1x200x128xi32, #tpu.memory_space<hbm>> -> memref<200x128xi32, #tpu.memory_space<hbm>>
      %dma_start3A_219 = arith.constant 0 : i32
      %dma_start3A_220 = arith.constant 0 : i32
      %dma_start3A_221 = tpu.memref_slice %arg2[%add3A, %dma_start3A_219, %dma_start3A_220] : memref<32x200x128xi32, #tpu.memory_space<hbm>> -> memref<1x200x128xi32, #tpu.memory_space<hbm>>
      %dma_start3A_222 = tpu.memref_squeeze %dma_start3A_221 : memref<1x200x128xi32, #tpu.memory_space<hbm>> -> memref<200x128xi32, #tpu.memory_space<hbm>>
      tpu.enqueue_dma source(%dma_start3A_222 : memref<200x128xi32, #tpu.memory_space<hbm>>) target(%arg5 : memref<200x128xi32, #tpu.memory_space<vmem>>) target_semaphore(%run_scoped3A_214 : memref<!tpu.dma_semaphore, #tpu.memory_space<semaphore_mem>>)
      %dma_wait3A_223 = arith.constant 0 : i32
      %dma_wait3A_224 = arith.constant 0 : i32
      %dma_wait3A_225 = tpu.memref_slice %arg2[%add3A, %dma_wait3A_223, %dma_wait3A_224] : memref<32x200x128xi32, #tpu.memory_space<hbm>> -> memref<1x200x128xi32, #tpu.memory_space<hbm>>
      %dma_wait3A_226 = tpu.memref_squeeze %dma_wait3A_225 : memref<1x200x128xi32, #tpu.memory_space<hbm>> -> memref<200x128xi32, #tpu.memory_space<hbm>>
      %dma_wait3A_227 = arith.constant 0 : i32
      %dma_wait3A_228 = arith.constant 0 : i32
      %dma_wait3A_229 = tpu.memref_slice %arg2[%add3A, %dma_wait3A_227, %dma_wait3A_228] : memref<32x200x128xi32, #tpu.memory_space<hbm>> -> memref<1x200x128xi32, #tpu.memory_space<hbm>>
      %dma_wait3A_230 = tpu.memref_squeeze %dma_wait3A_229 : memref<1x200x128xi32, #tpu.memory_space<hbm>> -> memref<200x128xi32, #tpu.memory_space<hbm>>
      tpu.wait_dma2 semaphore(%run_scoped3A_214 : memref<!tpu.dma_semaphore, #tpu.memory_space<semaphore_mem>>) src(%dma_wait3A_230 : memref<200x128xi32, #tpu.memory_space<hbm>>) dst(%arg5 : memref<200x128xi32, #tpu.memory_space<vmem>>)
      tpu.yield
    }) : () -> ()
    %dma_start3A = arith.constant 0 : i32
    %dma_start3A_1 = arith.constant 0 : i32
    %dma_start3A_2 = arith.constant 0 : i32
    %dma_start3A_3 = arith.constant 0 : i32
    %dma_start3A_4 = tpu.memref_slice %arg6[%dma_start3A_1, %dma_start3A_2, %dma_start3A_3] : memref<2x512x64xf32, #tpu.memory_space<vmem>> -> memref<1x128x64xf32, #tpu.memory_space<vmem>>
    %dma_start3A_5 = tpu.memref_squeeze %dma_start3A_4 : memref<1x128x64xf32, #tpu.memory_space<vmem>> -> memref<128x64xf32, #tpu.memory_space<vmem>>
    %dma_start3A_6 = arith.constant 0 : i32
    %dma_start3A_7 = tpu.memref_slice %arg5[%dma_start3A, %dma_start3A_6] : memref<200x128xi32, #tpu.memory_space<vmem>> -> memref<1x128xi32, #tpu.memory_space<vmem>>
    %dma_start3A_8 = tpu.memref_squeeze %dma_start3A_7 : memref<1x128xi32, #tpu.memory_space<vmem>> -> memref<128xi32, #tpu.memory_space<vmem>>
    %dma_start3A_9 = arith.constant 0 : i32
    %dma_start3A_10 = arith.constant 0 : i32
    %dma_start3A_11 = tpu.memref_slice %arg3[%dma_start3A_9, %dma_start3A_10] : memref<1000000x64xf32, #tpu.memory_space<hbm>> -> memref<1000000x64xf32, #tpu.memory_space<hbm>>
    tpu.enqueue_indirect_dma source(%dma_start3A_11 : memref<1000000x64xf32, #tpu.memory_space<hbm>>) target(%dma_start3A_5 : memref<128x64xf32, #tpu.memory_space<vmem>>) offsets(%dma_start3A_8 : memref<128xi32, #tpu.memory_space<vmem>>) semaphore(%arg7 : memref<!tpu.dma_semaphore, #tpu.memory_space<semaphore_mem>>)
    %dma_start3A_12 = arith.constant 1 : i32
    %dma_start3A_13 = arith.constant 0 : i32
    %dma_start3A_14 = arith.constant 128 : i32
    %dma_start3A_15 = arith.constant 0 : i32
    %dma_start3A_16 = tpu.memref_slice %arg6[%dma_start3A_13, %dma_start3A_14, %dma_start3A_15] : memref<2x512x64xf32, #tpu.memory_space<vmem>> -> memref<1x128x64xf32, #tpu.memory_space<vmem>>
    %dma_start3A_17 = tpu.memref_squeeze %dma_start3A_16 : memref<1x128x64xf32, #tpu.memory_space<vmem>> -> memref<128x64xf32, #tpu.memory_space<vmem>>
    %dma_start3A_18 = arith.constant 0 : i32
    %dma_start3A_19 = tpu.memref_slice %arg5[%dma_start3A_12, %dma_start3A_18] : memref<200x128xi32, #tpu.memory_space<vmem>> -> memref<1x128xi32, #tpu.memory_space<vmem>>
    %dma_start3A_20 = tpu.memref_squeeze %dma_start3A_19 : memref<1x128xi32, #tpu.memory_space<vmem>> -> memref<128xi32, #tpu.memory_space<vmem>>
    %dma_start3A_21 = arith.constant 0 : i32
    %dma_start3A_22 = arith.constant 0 : i32
    %dma_start3A_23 = tpu.memref_slice %arg3[%dma_start3A_21, %dma_start3A_22] : memref<1000000x64xf32, #tpu.memory_space<hbm>> -> memref<1000000x64xf32, #tpu.memory_space<hbm>>
    tpu.enqueue_indirect_dma source(%dma_start3A_23 : memref<1000000x64xf32, #tpu.memory_space<hbm>>) target(%dma_start3A_17 : memref<128x64xf32, #tpu.memory_space<vmem>>) offsets(%dma_start3A_20 : memref<128xi32, #tpu.memory_space<vmem>>) semaphore(%arg7 : memref<!tpu.dma_semaphore, #tpu.memory_space<semaphore_mem>>)
    %dma_start3A_24 = arith.constant 2 : i32
    %dma_start3A_25 = arith.constant 0 : i32
    %dma_start3A_26 = arith.constant 256 : i32
    %dma_start3A_27 = arith.constant 0 : i32
    %dma_start3A_28 = tpu.memref_slice %arg6[%dma_start3A_25, %dma_start3A_26, %dma_start3A_27] : memref<2x512x64xf32, #tpu.memory_space<vmem>> -> memref<1x128x64xf32, #tpu.memory_space<vmem>>
    %dma_start3A_29 = tpu.memref_squeeze %dma_start3A_28 : memref<1x128x64xf32, #tpu.memory_space<vmem>> -> memref<128x64xf32, #tpu.memory_space<vmem>>
    %dma_start3A_30 = arith.constant 0 : i32
    %dma_start3A_31 = tpu.memref_slice %arg5[%dma_start3A_24, %dma_start3A_30] : memref<200x128xi32, #tpu.memory_space<vmem>> -> memref<1x128xi32, #tpu.memory_space<vmem>>
    %dma_start3A_32 = tpu.memref_squeeze %dma_start3A_31 : memref<1x128xi32, #tpu.memory_space<vmem>> -> memref<128xi32, #tpu.memory_space<vmem>>
    %dma_start3A_33 = arith.constant 0 : i32
    %dma_start3A_34 = arith.constant 0 : i32
    %dma_start3A_35 = tpu.memref_slice %arg3[%dma_start3A_33, %dma_start3A_34] : memref<1000000x64xf32, #tpu.memory_space<hbm>> -> memref<1000000x64xf32, #tpu.memory_space<hbm>>
    tpu.enqueue_indirect_dma source(%dma_start3A_35 : memref<1000000x64xf32, #tpu.memory_space<hbm>>) target(%dma_start3A_29 : memref<128x64xf32, #tpu.memory_space<vmem>>) offsets(%dma_start3A_32 : memref<128xi32, #tpu.memory_space<vmem>>) semaphore(%arg7 : memref<!tpu.dma_semaphore, #tpu.memory_space<semaphore_mem>>)
    %dma_start3A_36 = arith.constant 3 : i32
    %dma_start3A_37 = arith.constant 0 : i32
    %dma_start3A_38 = arith.constant 384 : i32
    %dma_start3A_39 = arith.constant 0 : i32
    %dma_start3A_40 = tpu.memref_slice %arg6[%dma_start3A_37, %dma_start3A_38, %dma_start3A_39] : memref<2x512x64xf32, #tpu.memory_space<vmem>> -> memref<1x128x64xf32, #tpu.memory_space<vmem>>
    %dma_start3A_41 = tpu.memref_squeeze %dma_start3A_40 : memref<1x128x64xf32, #tpu.memory_space<vmem>> -> memref<128x64xf32, #tpu.memory_space<vmem>>
    %dma_start3A_42 = arith.constant 0 : i32
    %dma_start3A_43 = tpu.memref_slice %arg5[%dma_start3A_36, %dma_start3A_42] : memref<200x128xi32, #tpu.memory_space<vmem>> -> memref<1x128xi32, #tpu.memory_space<vmem>>
    %dma_start3A_44 = tpu.memref_squeeze %dma_start3A_43 : memref<1x128xi32, #tpu.memory_space<vmem>> -> memref<128xi32, #tpu.memory_space<vmem>>
    %dma_start3A_45 = arith.constant 0 : i32
    %dma_start3A_46 = arith.constant 0 : i32
    %dma_start3A_47 = tpu.memref_slice %arg3[%dma_start3A_45, %dma_start3A_46] : memref<1000000x64xf32, #tpu.memory_space<hbm>> -> memref<1000000x64xf32, #tpu.memory_space<hbm>>
    tpu.enqueue_indirect_dma source(%dma_start3A_47 : memref<1000000x64xf32, #tpu.memory_space<hbm>>) target(%dma_start3A_41 : memref<128x64xf32, #tpu.memory_space<vmem>>) offsets(%dma_start3A_44 : memref<128xi32, #tpu.memory_space<vmem>>) semaphore(%arg7 : memref<!tpu.dma_semaphore, #tpu.memory_space<semaphore_mem>>)
    %dma_start3A_48 = arith.constant 4 : i32
    %dma_start3A_49 = arith.constant 1 : i32
    %dma_start3A_50 = arith.constant 0 : i32
    %dma_start3A_51 = arith.constant 0 : i32
    %dma_start3A_52 = tpu.memref_slice %arg6[%dma_start3A_49, %dma_start3A_50, %dma_start3A_51] : memref<2x512x64xf32, #tpu.memory_space<vmem>> -> memref<1x128x64xf32, #tpu.memory_space<vmem>>
    %dma_start3A_53 = tpu.memref_squeeze %dma_start3A_52 : memref<1x128x64xf32, #tpu.memory_space<vmem>> -> memref<128x64xf32, #tpu.memory_space<vmem>>
    %dma_start3A_54 = arith.constant 0 : i32
    %dma_start3A_55 = tpu.memref_slice %arg5[%dma_start3A_48, %dma_start3A_54] : memref<200x128xi32, #tpu.memory_space<vmem>> -> memref<1x128xi32, #tpu.memory_space<vmem>>
    %dma_start3A_56 = tpu.memref_squeeze %dma_start3A_55 : memref<1x128xi32, #tpu.memory_space<vmem>> -> memref<128xi32, #tpu.memory_space<vmem>>
    %dma_start3A_57 = arith.constant 0 : i32
    %dma_start3A_58 = arith.constant 0 : i32
    %dma_start3A_59 = tpu.memref_slice %arg3[%dma_start3A_57, %dma_start3A_58] : memref<1000000x64xf32, #tpu.memory_space<hbm>> -> memref<1000000x64xf32, #tpu.memory_space<hbm>>
    tpu.enqueue_indirect_dma source(%dma_start3A_59 : memref<1000000x64xf32, #tpu.memory_space<hbm>>) target(%dma_start3A_53 : memref<128x64xf32, #tpu.memory_space<vmem>>) offsets(%dma_start3A_56 : memref<128xi32, #tpu.memory_space<vmem>>) semaphore(%arg8 : memref<!tpu.dma_semaphore, #tpu.memory_space<semaphore_mem>>)
    %dma_start3A_60 = arith.constant 5 : i32
    %dma_start3A_61 = arith.constant 1 : i32
    %dma_start3A_62 = arith.constant 128 : i32
    %dma_start3A_63 = arith.constant 0 : i32
    %dma_start3A_64 = tpu.memref_slice %arg6[%dma_start3A_61, %dma_start3A_62, %dma_start3A_63] : memref<2x512x64xf32, #tpu.memory_space<vmem>> -> memref<1x128x64xf32, #tpu.memory_space<vmem>>
    %dma_start3A_65 = tpu.memref_squeeze %dma_start3A_64 : memref<1x128x64xf32, #tpu.memory_space<vmem>> -> memref<128x64xf32, #tpu.memory_space<vmem>>
    %dma_start3A_66 = arith.constant 0 : i32
    %dma_start3A_67 = tpu.memref_slice %arg5[%dma_start3A_60, %dma_start3A_66] : memref<200x128xi32, #tpu.memory_space<vmem>> -> memref<1x128xi32, #tpu.memory_space<vmem>>
    %dma_start3A_68 = tpu.memref_squeeze %dma_start3A_67 : memref<1x128xi32, #tpu.memory_space<vmem>> -> memref<128xi32, #tpu.memory_space<vmem>>
    %dma_start3A_69 = arith.constant 0 : i32
    %dma_start3A_70 = arith.constant 0 : i32
    %dma_start3A_71 = tpu.memref_slice %arg3[%dma_start3A_69, %dma_start3A_70] : memref<1000000x64xf32, #tpu.memory_space<hbm>> -> memref<1000000x64xf32, #tpu.memory_space<hbm>>
    tpu.enqueue_indirect_dma source(%dma_start3A_71 : memref<1000000x64xf32, #tpu.memory_space<hbm>>) target(%dma_start3A_65 : memref<128x64xf32, #tpu.memory_space<vmem>>) offsets(%dma_start3A_68 : memref<128xi32, #tpu.memory_space<vmem>>) semaphore(%arg8 : memref<!tpu.dma_semaphore, #tpu.memory_space<semaphore_mem>>)
    %dma_start3A_72 = arith.constant 6 : i32
    %dma_start3A_73 = arith.constant 1 : i32
    %dma_start3A_74 = arith.constant 256 : i32
    %dma_start3A_75 = arith.constant 0 : i32
    %dma_start3A_76 = tpu.memref_slice %arg6[%dma_start3A_73, %dma_start3A_74, %dma_start3A_75] : memref<2x512x64xf32, #tpu.memory_space<vmem>> -> memref<1x128x64xf32, #tpu.memory_space<vmem>>
    %dma_start3A_77 = tpu.memref_squeeze %dma_start3A_76 : memref<1x128x64xf32, #tpu.memory_space<vmem>> -> memref<128x64xf32, #tpu.memory_space<vmem>>
    %dma_start3A_78 = arith.constant 0 : i32
    %dma_start3A_79 = tpu.memref_slice %arg5[%dma_start3A_72, %dma_start3A_78] : memref<200x128xi32, #tpu.memory_space<vmem>> -> memref<1x128xi32, #tpu.memory_space<vmem>>
    %dma_start3A_80 = tpu.memref_squeeze %dma_start3A_79 : memref<1x128xi32, #tpu.memory_space<vmem>> -> memref<128xi32, #tpu.memory_space<vmem>>
    %dma_start3A_81 = arith.constant 0 : i32
    %dma_start3A_82 = arith.constant 0 : i32
    %dma_start3A_83 = tpu.memref_slice %arg3[%dma_start3A_81, %dma_start3A_82] : memref<1000000x64xf32, #tpu.memory_space<hbm>> -> memref<1000000x64xf32, #tpu.memory_space<hbm>>
    tpu.enqueue_indirect_dma source(%dma_start3A_83 : memref<1000000x64xf32, #tpu.memory_space<hbm>>) target(%dma_start3A_77 : memref<128x64xf32, #tpu.memory_space<vmem>>) offsets(%dma_start3A_80 : memref<128xi32, #tpu.memory_space<vmem>>) semaphore(%arg8 : memref<!tpu.dma_semaphore, #tpu.memory_space<semaphore_mem>>)
    %dma_start3A_84 = arith.constant 7 : i32
    %dma_start3A_85 = arith.constant 1 : i32
    %dma_start3A_86 = arith.constant 384 : i32
    %dma_start3A_87 = arith.constant 0 : i32
    %dma_start3A_88 = tpu.memref_slice %arg6[%dma_start3A_85, %dma_start3A_86, %dma_start3A_87] : memref<2x512x64xf32, #tpu.memory_space<vmem>> -> memref<1x128x64xf32, #tpu.memory_space<vmem>>
    %dma_start3A_89 = tpu.memref_squeeze %dma_start3A_88 : memref<1x128x64xf32, #tpu.memory_space<vmem>> -> memref<128x64xf32, #tpu.memory_space<vmem>>
    %dma_start3A_90 = arith.constant 0 : i32
    %dma_start3A_91 = tpu.memref_slice %arg5[%dma_start3A_84, %dma_start3A_90] : memref<200x128xi32, #tpu.memory_space<vmem>> -> memref<1x128xi32, #tpu.memory_space<vmem>>
    %dma_start3A_92 = tpu.memref_squeeze %dma_start3A_91 : memref<1x128xi32, #tpu.memory_space<vmem>> -> memref<128xi32, #tpu.memory_space<vmem>>
    %dma_start3A_93 = arith.constant 0 : i32
    %dma_start3A_94 = arith.constant 0 : i32
    %dma_start3A_95 = tpu.memref_slice %arg3[%dma_start3A_93, %dma_start3A_94] : memref<1000000x64xf32, #tpu.memory_space<hbm>> -> memref<1000000x64xf32, #tpu.memory_space<hbm>>
    tpu.enqueue_indirect_dma source(%dma_start3A_95 : memref<1000000x64xf32, #tpu.memory_space<hbm>>) target(%dma_start3A_89 : memref<128x64xf32, #tpu.memory_space<vmem>>) offsets(%dma_start3A_92 : memref<128xi32, #tpu.memory_space<vmem>>) semaphore(%arg8 : memref<!tpu.dma_semaphore, #tpu.memory_space<semaphore_mem>>)
    %scan3A = arith.constant 0 : i32
    %scan3A_96 = arith.constant 24 : i32
    %scan3A_97 = arith.addi %scan3A, %scan3A_96 : i32
    %scan3A_98 = arith.constant 1 : i32
    scf.for %scan3A_214 = %scan3A to %scan3A_97 step %scan3A_98  : i32 {
      %mul3A_215 = arith.constant 2 : i32
      %mul3A_216 = arith.muli %mul3A_215, %scan3A_214 : i32
      %mul3A_217 = arith.constant 4 : i32
      %mul3A_218 = arith.muli %mul3A_216, %mul3A_217 : i32
      %add3A_219 = arith.constant 0 : i32
      %add3A_220 = arith.addi %mul3A_218, %add3A_219 : i32
      %dma_wait3A_221 = arith.constant 0 : i32
      %dma_wait3A_222 = arith.constant 0 : i32
      %dma_wait3A_223 = arith.constant 0 : i32
      %dma_wait3A_224 = tpu.memref_slice %arg6[%dma_wait3A_221, %dma_wait3A_222, %dma_wait3A_223] : memref<2x512x64xf32, #tpu.memory_space<vmem>> -> memref<1x128x64xf32, #tpu.memory_space<vmem>>
      %dma_wait3A_225 = tpu.memref_squeeze %dma_wait3A_224 : memref<1x128x64xf32, #tpu.memory_space<vmem>> -> memref<128x64xf32, #tpu.memory_space<vmem>>
      %dma_wait3A_226 = arith.constant 0 : i32
      %dma_wait3A_227 = tpu.memref_slice %arg5[%add3A_220, %dma_wait3A_226] : memref<200x128xi32, #tpu.memory_space<vmem>> -> memref<1x128xi32, #tpu.memory_space<vmem>>
      %dma_wait3A_228 = tpu.memref_squeeze %dma_wait3A_227 : memref<1x128xi32, #tpu.memory_space<vmem>> -> memref<128xi32, #tpu.memory_space<vmem>>
      %dma_wait3A_229 = arith.constant 0 : i32
      %dma_wait3A_230 = arith.constant 0 : i32
      %dma_wait3A_231 = tpu.memref_slice %arg3[%dma_wait3A_229, %dma_wait3A_230] : memref<1000000x64xf32, #tpu.memory_space<hbm>> -> memref<1000000x64xf32, #tpu.memory_space<hbm>>
      tpu.wait_indirect_dma semaphore(%arg7 : memref<!tpu.dma_semaphore, #tpu.memory_space<semaphore_mem>>) src(%dma_wait3A_231 : memref<1000000x64xf32, #tpu.memory_space<hbm>>) dst(%dma_wait3A_225 : memref<128x64xf32, #tpu.memory_space<vmem>>)
      %mul3A_232 = arith.constant 4 : i32
      %mul3A_233 = arith.muli %mul3A_216, %mul3A_232 : i32
      %add3A_234 = arith.constant 1 : i32
      %add3A_235 = arith.addi %mul3A_233, %add3A_234 : i32
      %dma_wait3A_236 = arith.constant 0 : i32
      %dma_wait3A_237 = arith.constant 128 : i32
      %dma_wait3A_238 = arith.constant 0 : i32
      %dma_wait3A_239 = tpu.memref_slice %arg6[%dma_wait3A_236, %dma_wait3A_237, %dma_wait3A_238] : memref<2x512x64xf32, #tpu.memory_space<vmem>> -> memref<1x128x64xf32, #tpu.memory_space<vmem>>
      %dma_wait3A_240 = tpu.memref_squeeze %dma_wait3A_239 : memref<1x128x64xf32, #tpu.memory_space<vmem>> -> memref<128x64xf32, #tpu.memory_space<vmem>>
      %dma_wait3A_241 = arith.constant 0 : i32
      %dma_wait3A_242 = tpu.memref_slice %arg5[%add3A_235, %dma_wait3A_241] : memref<200x128xi32, #tpu.memory_space<vmem>> -> memref<1x128xi32, #tpu.memory_space<vmem>>
      %dma_wait3A_243 = tpu.memref_squeeze %dma_wait3A_242 : memref<1x128xi32, #tpu.memory_space<vmem>> -> memref<128xi32, #tpu.memory_space<vmem>>
      %dma_wait3A_244 = arith.constant 0 : i32
      %dma_wait3A_245 = arith.constant 0 : i32
      %dma_wait3A_246 = tpu.memref_slice %arg3[%dma_wait3A_244, %dma_wait3A_245] : memref<1000000x64xf32, #tpu.memory_space<hbm>> -> memref<1000000x64xf32, #tpu.memory_space<hbm>>
      tpu.wait_indirect_dma semaphore(%arg7 : memref<!tpu.dma_semaphore, #tpu.memory_space<semaphore_mem>>) src(%dma_wait3A_246 : memref<1000000x64xf32, #tpu.memory_space<hbm>>) dst(%dma_wait3A_240 : memref<128x64xf32, #tpu.memory_space<vmem>>)
      %mul3A_247 = arith.constant 4 : i32
      %mul3A_248 = arith.muli %mul3A_216, %mul3A_247 : i32
      %add3A_249 = arith.constant 2 : i32
      %add3A_250 = arith.addi %mul3A_248, %add3A_249 : i32
      %dma_wait3A_251 = arith.constant 0 : i32
      %dma_wait3A_252 = arith.constant 256 : i32
      %dma_wait3A_253 = arith.constant 0 : i32
      %dma_wait3A_254 = tpu.memref_slice %arg6[%dma_wait3A_251, %dma_wait3A_252, %dma_wait3A_253] : memref<2x512x64xf32, #tpu.memory_space<vmem>> -> memref<1x128x64xf32, #tpu.memory_space<vmem>>
      %dma_wait3A_255 = tpu.memref_squeeze %dma_wait3A_254 : memref<1x128x64xf32, #tpu.memory_space<vmem>> -> memref<128x64xf32, #tpu.memory_space<vmem>>
      %dma_wait3A_256 = arith.constant 0 : i32
      %dma_wait3A_257 = tpu.memref_slice %arg5[%add3A_250, %dma_wait3A_256] : memref<200x128xi32, #tpu.memory_space<vmem>> -> memref<1x128xi32, #tpu.memory_space<vmem>>
      %dma_wait3A_258 = tpu.memref_squeeze %dma_wait3A_257 : memref<1x128xi32, #tpu.memory_space<vmem>> -> memref<128xi32, #tpu.memory_space<vmem>>
      %dma_wait3A_259 = arith.constant 0 : i32
      %dma_wait3A_260 = arith.constant 0 : i32
      %dma_wait3A_261 = tpu.memref_slice %arg3[%dma_wait3A_259, %dma_wait3A_260] : memref<1000000x64xf32, #tpu.memory_space<hbm>> -> memref<1000000x64xf32, #tpu.memory_space<hbm>>
      tpu.wait_indirect_dma semaphore(%arg7 : memref<!tpu.dma_semaphore, #tpu.memory_space<semaphore_mem>>) src(%dma_wait3A_261 : memref<1000000x64xf32, #tpu.memory_space<hbm>>) dst(%dma_wait3A_255 : memref<128x64xf32, #tpu.memory_space<vmem>>)
      %mul3A_262 = arith.constant 4 : i32
      %mul3A_263 = arith.muli %mul3A_216, %mul3A_262 : i32
      %add3A_264 = arith.constant 3 : i32
      %add3A_265 = arith.addi %mul3A_263, %add3A_264 : i32
      %dma_wait3A_266 = arith.constant 0 : i32
      %dma_wait3A_267 = arith.constant 384 : i32
      %dma_wait3A_268 = arith.constant 0 : i32
      %dma_wait3A_269 = tpu.memref_slice %arg6[%dma_wait3A_266, %dma_wait3A_267, %dma_wait3A_268] : memref<2x512x64xf32, #tpu.memory_space<vmem>> -> memref<1x128x64xf32, #tpu.memory_space<vmem>>
      %dma_wait3A_270 = tpu.memref_squeeze %dma_wait3A_269 : memref<1x128x64xf32, #tpu.memory_space<vmem>> -> memref<128x64xf32, #tpu.memory_space<vmem>>
      %dma_wait3A_271 = arith.constant 0 : i32
      %dma_wait3A_272 = tpu.memref_slice %arg5[%add3A_265, %dma_wait3A_271] : memref<200x128xi32, #tpu.memory_space<vmem>> -> memref<1x128xi32, #tpu.memory_space<vmem>>
      %dma_wait3A_273 = tpu.memref_squeeze %dma_wait3A_272 : memref<1x128xi32, #tpu.memory_space<vmem>> -> memref<128xi32, #tpu.memory_space<vmem>>
      %dma_wait3A_274 = arith.constant 0 : i32
      %dma_wait3A_275 = arith.constant 0 : i32
      %dma_wait3A_276 = tpu.memref_slice %arg3[%dma_wait3A_274, %dma_wait3A_275] : memref<1000000x64xf32, #tpu.memory_space<hbm>> -> memref<1000000x64xf32, #tpu.memory_space<hbm>>
      tpu.wait_indirect_dma semaphore(%arg7 : memref<!tpu.dma_semaphore, #tpu.memory_space<semaphore_mem>>) src(%dma_wait3A_276 : memref<1000000x64xf32, #tpu.memory_space<hbm>>) dst(%dma_wait3A_270 : memref<128x64xf32, #tpu.memory_space<vmem>>)
      %scan3A_277 = arith.constant 0 : i32
      %scan3A_278 = arith.constant 512 : i32
      %scan3A_279 = arith.addi %scan3A_277, %scan3A_278 : i32
      %scan3A_280 = arith.constant 8 : i32
      scf.for %scan3A_487 = %scan3A_277 to %scan3A_279 step %scan3A_280  : i32 {
        %get3A = arith.constant 0 : i32
        %get3A_488 = arith.index_cast %get3A : i32 to index
        %get3A_489 = arith.index_cast %scan3A_487 : i32 to index
        %get3A_490 = arith.constant 0 : index
        %get3A_491 = tpu.vector_load %arg6[%get3A_488, %get3A_489, %get3A_490] {strides = array<i32>} : memref<2x512x64xf32, #tpu.memory_space<vmem>>, vector<1x1x16xf32>,
        %get3A_492 = vector.shape_cast %get3A_491 : vector<1x1x16xf32> to vector<16xf32>
        %mul3A_493 = arith.constant 8.000000e+00 : f32
        %mul3A_494 = vector.broadcast %mul3A_493 : f32 to vector<16xf32>
        %mul3A_495 = arith.mulf %get3A_492, %mul3A_494 : vector<16xf32>
        %swap3A = arith.constant 0 : i32
        %swap3A_496 = arith.index_cast %swap3A : i32 to index
        %swap3A_497 = arith.index_cast %scan3A_487 : i32 to index
        %swap3A_498 = arith.constant 0 : index
        %swap3A_499 = tpu.vector_load %arg6[%swap3A_496, %swap3A_497, %swap3A_498] {strides = array<i32>} : memref<2x512x64xf32, #tpu.memory_space<vmem>>, vector<1x1x16xf32>,
        %swap3A_500 = vector.shape_cast %swap3A_499 : vector<1x1x16xf32> to vector<16xf32>
        %swap3A_501 = vector.shape_cast %mul3A_495 : vector<16xf32> to vector<1x1x16xf32>
        tpu.vector_store %arg6[%swap3A_496, %swap3A_497, %swap3A_498], %swap3A_501 {strides = array<i32>} : memref<2x512x64xf32, #tpu.memory_space<vmem>>, vector<1x1x16xf32>,
        %get3A_502 = arith.constant 0 : i32
        %get3A_503 = arith.index_cast %get3A_502 : i32 to index
        %get3A_504 = arith.index_cast %scan3A_487 : i32 to index
        %get3A_505 = arith.constant 16 : index
        %get3A_506 = tpu.vector_load %arg6[%get3A_503, %get3A_504, %get3A_505] {strides = array<i32>} : memref<2x512x64xf32, #tpu.memory_space<vmem>>, vector<1x1x16xf32>,
        %get3A_507 = vector.shape_cast %get3A_506 : vector<1x1x16xf32> to vector<16xf32>
        %mul3A_508 = arith.constant 8.000000e+00 : f32
        %mul3A_509 = vector.broadcast %mul3A_508 : f32 to vector<16xf32>
        %mul3A_510 = arith.mulf %get3A_507, %mul3A_509 : vector<16xf32>
        %swap3A_511 = arith.constant 0 : i32
        %swap3A_512 = arith.index_cast %swap3A_511 : i32 to index
        %swap3A_513 = arith.index_cast %scan3A_487 : i32 to index
        %swap3A_514 = arith.constant 16 : index
        %swap3A_515 = tpu.vector_load %arg6[%swap3A_512, %swap3A_513, %swap3A_514] {strides = array<i32>} : memref<2x512x64xf32, #tpu.memory_space<vmem>>, vector<1x1x16xf32>,
        %swap3A_516 = vector.shape_cast %swap3A_515 : vector<1x1x16xf32> to vector<16xf32>
        %swap3A_517 = vector.shape_cast %mul3A_510 : vector<16xf32> to vector<1x1x16xf32>
        tpu.vector_store %arg6[%swap3A_512, %swap3A_513, %swap3A_514], %swap3A_517 {strides = array<i32>} : memref<2x512x64xf32, #tpu.memory_space<vmem>>, vector<1x1x16xf32>,
        %get3A_518 = arith.constant 0 : i32
        %get3A_519 = arith.index_cast %get3A_518 : i32 to index
        %get3A_520 = arith.index_cast %scan3A_487 : i32 to index
        %get3A_521 = arith.constant 32 : index
        %get3A_522 = tpu.vector_load %arg6[%get3A_519, %get3A_520, %get3A_521] {strides = array<i32>} : memref<2x512x64xf32, #tpu.memory_space<vmem>>, vector<1x1x16xf32>,
        %get3A_523 = vector.shape_cast %get3A_522 : vector<1x1x16xf32> to vector<16xf32>
        %mul3A_524 = arith.constant 8.000000e+00 : f32
        %mul3A_525 = vector.broadcast %mul3A_524 : f32 to vector<16xf32>
        %mul3A_526 = arith.mulf %get3A_523, %mul3A_525 : vector<16xf32>
        %swap3A_527 = arith.constant 0 : i32
        %swap3A_528 = arith.index_cast %swap3A_527 : i32 to index
        %swap3A_529 = arith.index_cast %scan3A_487 : i32 to index
        %swap3A_530 = arith.constant 32 : index
        %swap3A_531 = tpu.vector_load %arg6[%swap3A_528, %swap3A_529, %swap3A_530] {strides = array<i32>} : memref<2x512x64xf32, #tpu.memory_space<vmem>>, vector<1x1x16xf32>,
        %swap3A_532 = vector.shape_cast %swap3A_531 : vector<1x1x16xf32> to vector<16xf32>
        %swap3A_533 = vector.shape_cast %mul3A_526 : vector<16xf32> to vector<1x1x16xf32>
        tpu.vector_store %arg6[%swap3A_528, %swap3A_529, %swap3A_530], %swap3A_533 {strides = array<i32>} : memref<2x512x64xf32, #tpu.memory_space<vmem>>, vector<1x1x16xf32>,
        %get3A_534 = arith.constant 0 : i32
        %get3A_535 = arith.index_cast %get3A_534 : i32 to index
        %get3A_536 = arith.index_cast %scan3A_487 : i32 to index
        %get3A_537 = arith.constant 48 : index
        %get3A_538 = tpu.vector_load %arg6[%get3A_535, %get3A_536, %get3A_537] {strides = array<i32>} : memref<2x512x64xf32, #tpu.memory_space<vmem>>, vector<1x1x16xf32>,
        %get3A_539 = vector.shape_cast %get3A_538 : vector<1x1x16xf32> to vector<16xf32>
        %mul3A_540 = arith.constant 8.000000e+00 : f32
        %mul3A_541 = vector.broadcast %mul3A_540 : f32 to vector<16xf32>
        %mul3A_542 = arith.mulf %get3A_539, %mul3A_541 : vector<16xf32>
        %swap3A_543 = arith.constant 0 : i32
        %swap3A_544 = arith.index_cast %swap3A_543 : i32 to index
        %swap3A_545 = arith.index_cast %scan3A_487 : i32 to index
        %swap3A_546 = arith.constant 48 : index
        %swap3A_547 = tpu.vector_load %arg6[%swap3A_544, %swap3A_545, %swap3A_546] {strides = array<i32>} : memref<2x512x64xf32, #tpu.memory_space<vmem>>, vector<1x1x16xf32>,
        %swap3A_548 = vector.shape_cast %swap3A_547 : vector<1x1x16xf32> to vector<16xf32>
        %swap3A_549 = vector.shape_cast %mul3A_542 : vector<16xf32> to vector<1x1x16xf32>
        tpu.vector_store %arg6[%swap3A_544, %swap3A_545, %swap3A_546], %swap3A_549 {strides = array<i32>} : memref<2x512x64xf32, #tpu.memory_space<vmem>>, vector<1x1x16xf32>,
        %scan3A_550 = arith.constant 1 : i32
        %scan3A_551 = arith.addi %scan3A_487, %scan3A_550 : i32
        %get3A_552 = arith.constant 0 : i32
        %get3A_553 = arith.index_cast %get3A_552 : i32 to index
        %get3A_554 = arith.index_cast %scan3A_551 : i32 to index
        %get3A_555 = arith.constant 0 : index
        %get3A_556 = tpu.vector_load %arg6[%get3A_553, %get3A_554, %get3A_555] {strides = array<i32>} : memref<2x512x64xf32, #tpu.memory_space<vmem>>, vector<1x1x16xf32>,
        %get3A_557 = vector.shape_cast %get3A_556 : vector<1x1x16xf32> to vector<16xf32>
        %mul3A_558 = arith.constant 8.000000e+00 : f32
        %mul3A_559 = vector.broadcast %mul3A_558 : f32 to vector<16xf32>
        %mul3A_560 = arith.mulf %get3A_557, %mul3A_559 : vector<16xf32>
        %swap3A_561 = arith.constant 0 : i32
        %swap3A_562 = arith.index_cast %swap3A_561 : i32 to index
        %swap3A_563 = arith.index_cast %scan3A_551 : i32 to index
        %swap3A_564 = arith.constant 0 : index
        %swap3A_565 = tpu.vector_load %arg6[%swap3A_562, %swap3A_563, %swap3A_564] {strides = array<i32>} : memref<2x512x64xf32, #tpu.memory_space<vmem>>, vector<1x1x16xf32>,
        %swap3A_566 = vector.shape_cast %swap3A_565 : vector<1x1x16xf32> to vector<16xf32>
        %swap3A_567 = vector.shape_cast %mul3A_560 : vector<16xf32> to vector<1x1x16xf32>
        tpu.vector_store %arg6[%swap3A_562, %swap3A_563, %swap3A_564], %swap3A_567 {strides = array<i32>} : memref<2x512x64xf32, #tpu.memory_space<vmem>>, vector<1x1x16xf32>,
        %get3A_568 = arith.constant 0 : i32
        %get3A_569 = arith.index_cast %get3A_568 : i32 to index
        %get3A_570 = arith.index_cast %scan3A_551 : i32 to index
        %get3A_571 = arith.constant 16 : index
        %get3A_572 = tpu.vector_load %arg6[%get3A_569, %get3A_570, %get3A_571] {strides = array<i32>} : memref<2x512x64xf32, #tpu.memory_space<vmem>>, vector<1x1x16xf32>,
        %get3A_573 = vector.shape_cast %get3A_572 : vector<1x1x16xf32> to vector<16xf32>
        %mul3A_574 = arith.constant 8.000000e+00 : f32
        %mul3A_575 = vector.broadcast %mul3A_574 : f32 to vector<16xf32>
        %mul3A_576 = arith.mulf %get3A_573, %mul3A_575 : vector<16xf32>
        %swap3A_577 = arith.constant 0 : i32
        %swap3A_578 = arith.index_cast %swap3A_577 : i32 to index
        %swap3A_579 = arith.index_cast %scan3A_551 : i32 to index
        %swap3A_580 = arith.constant 16 : index
        %swap3A_581 = tpu.vector_load %arg6[%swap3A_578, %swap3A_579, %swap3A_580] {strides = array<i32>} : memref<2x512x64xf32, #tpu.memory_space<vmem>>, vector<1x1x16xf32>,
        %swap3A_582 = vector.shape_cast %swap3A_581 : vector<1x1x16xf32> to vector<16xf32>
        %swap3A_583 = vector.shape_cast %mul3A_576 : vector<16xf32> to vector<1x1x16xf32>
        tpu.vector_store %arg6[%swap3A_578, %swap3A_579, %swap3A_580], %swap3A_583 {strides = array<i32>} : memref<2x512x64xf32, #tpu.memory_space<vmem>>, vector<1x1x16xf32>,
        %get3A_584 = arith.constant 0 : i32
        %get3A_585 = arith.index_cast %get3A_584 : i32 to index
        %get3A_586 = arith.index_cast %scan3A_551 : i32 to index
        %get3A_587 = arith.constant 32 : index
        %get3A_588 = tpu.vector_load %arg6[%get3A_585, %get3A_586, %get3A_587] {strides = array<i32>} : memref<2x512x64xf32, #tpu.memory_space<vmem>>, vector<1x1x16xf32>,
        %get3A_589 = vector.shape_cast %get3A_588 : vector<1x1x16xf32> to vector<16xf32>
        %mul3A_590 = arith.constant 8.000000e+00 : f32
        %mul3A_591 = vector.broadcast %mul3A_590 : f32 to vector<16xf32>
        %mul3A_592 = arith.mulf %get3A_589, %mul3A_591 : vector<16xf32>
        %swap3A_593 = arith.constant 0 : i32
        %swap3A_594 = arith.index_cast %swap3A_593 : i32 to index
        %swap3A_595 = arith.index_cast %scan3A_551 : i32 to index
        %swap3A_596 = arith.constant 32 : index
        %swap3A_597 = tpu.vector_load %arg6[%swap3A_594, %swap3A_595, %swap3A_596] {strides = array<i32>} : memref<2x512x64xf32, #tpu.memory_space<vmem>>, vector<1x1x16xf32>,
        %swap3A_598 = vector.shape_cast %swap3A_597 : vector<1x1x16xf32> to vector<16xf32>
        %swap3A_599 = vector.shape_cast %mul3A_592 : vector<16xf32> to vector<1x1x16xf32>
        tpu.vector_store %arg6[%swap3A_594, %swap3A_595, %swap3A_596], %swap3A_599 {strides = array<i32>} : memref<2x512x64xf32, #tpu.memory_space<vmem>>, vector<1x1x16xf32>,
        %get3A_600 = arith.constant 0 : i32
        %get3A_601 = arith.index_cast %get3A_600 : i32 to index
        %get3A_602 = arith.index_cast %scan3A_551 : i32 to index
        %get3A_603 = arith.constant 48 : index
        %get3A_604 = tpu.vector_load %arg6[%get3A_601, %get3A_602, %get3A_603] {strides = array<i32>} : memref<2x512x64xf32, #tpu.memory_space<vmem>>, vector<1x1x16xf32>,
        %get3A_605 = vector.shape_cast %get3A_604 : vector<1x1x16xf32> to vector<16xf32>
        %mul3A_606 = arith.constant 8.000000e+00 : f32
        %mul3A_607 = vector.broadcast %mul3A_606 : f32 to vector<16xf32>
        %mul3A_608 = arith.mulf %get3A_605, %mul3A_607 : vector<16xf32>
        %swap3A_609 = arith.constant 0 : i32
        %swap3A_610 = arith.index_cast %swap3A_609 : i32 to index
        %swap3A_611 = arith.index_cast %scan3A_551 : i32 to index
        %swap3A_612 = arith.constant 48 : index
        %swap3A_613 = tpu.vector_load %arg6[%swap3A_610, %swap3A_611, %swap3A_612] {strides = array<i32>} : memref<2x512x64xf32, #tpu.memory_space<vmem>>, vector<1x1x16xf32>,
        %swap3A_614 = vector.shape_cast %swap3A_613 : vector<1x1x16xf32> to vector<16xf32>
        %swap3A_615 = vector.shape_cast %mul3A_608 : vector<16xf32> to vector<1x1x16xf32>
        tpu.vector_store %arg6[%swap3A_610, %swap3A_611, %swap3A_612], %swap3A_615 {strides = array<i32>} : memref<2x512x64xf32, #tpu.memory_space<vmem>>, vector<1x1x16xf32>,
        %scan3A_616 = arith.constant 2 : i32
        %scan3A_617 = arith.addi %scan3A_487, %scan3A_616 : i32
        %get3A_618 = arith.constant 0 : i32
        %get3A_619 = arith.index_cast %get3A_618 : i32 to index
        %get3A_620 = arith.index_cast %scan3A_617 : i32 to index
        %get3A_621 = arith.constant 0 : index
        %get3A_622 = tpu.vector_load %arg6[%get3A_619, %get3A_620, %get3A_621] {strides = array<i32>} : memref<2x512x64xf32, #tpu.memory_space<vmem>>, vector<1x1x16xf32>,
        %get3A_623 = vector.shape_cast %get3A_622 : vector<1x1x16xf32> to vector<16xf32>
        %mul3A_624 = arith.constant 8.000000e+00 : f32
        %mul3A_625 = vector.broadcast %mul3A_624 : f32 to vector<16xf32>
        %mul3A_626 = arith.mulf %get3A_623, %mul3A_625 : vector<16xf32>
        %swap3A_627 = arith.constant 0 : i32
        %swap3A_628 = arith.index_cast %swap3A_627 : i32 to index
        %swap3A_629 = arith.index_cast %scan3A_617 : i32 to index
        %swap3A_630 = arith.constant 0 : index
        %swap3A_631 = tpu.vector_load %arg6[%swap3A_628, %swap3A_629, %swap3A_630] {strides = array<i32>} : memref<2x512x64xf32, #tpu.memory_space<vmem>>, vector<1x1x16xf32>,
        %swap3A_632 = vector.shape_cast %swap3A_631 : vector<1x1x16xf32> to vector<16xf32>
        %swap3A_633 = vector.shape_cast %mul3A_626 : vector<16xf32> to vector<1x1x16xf32>
        tpu.vector_store %arg6[%swap3A_628, %swap3A_629, %swap3A_630], %swap3A_633 {strides = array<i32>} : memref<2x512x64xf32, #tpu.memory_space<vmem>>, vector<1x1x16xf32>,
        %get3A_634 = arith.constant 0 : i32
        %get3A_635 = arith.index_cast %get3A_634 : i32 to index
        %get3A_636 = arith.index_cast %scan3A_617 : i32 to index
        %get3A_637 = arith.constant 16 : index
        %get3A_638 = tpu.vector_load %arg6[%get3A_635, %get3A_636, %get3A_637] {strides = array<i32>} : memref<2x512x64xf32, #tpu.memory_space<vmem>>, vector<1x1x16xf32>,
        %get3A_639 = vector.shape_cast %get3A_638 : vector<1x1x16xf32> to vector<16xf32>
        %mul3A_640 = arith.constant 8.000000e+00 : f32
        %mul3A_641 = vector.broadcast %mul3A_640 : f32 to vector<16xf32>
        %mul3A_642 = arith.mulf %get3A_639, %mul3A_641 : vector<16xf32>
        %swap3A_643 = arith.constant 0 : i32
        %swap3A_644 = arith.index_cast %swap3A_643 : i32 to index
        %swap3A_645 = arith.index_cast %scan3A_617 : i32 to index
        %swap3A_646 = arith.constant 16 : index
        %swap3A_647 = tpu.vector_load %arg6[%swap3A_644, %swap3A_645, %swap3A_646] {strides = array<i32>} : memref<2x512x64xf32, #tpu.memory_space<vmem>>, vector<1x1x16xf32>,
        %swap3A_648 = vector.shape_cast %swap3A_647 : vector<1x1x16xf32> to vector<16xf32>
        %swap3A_649 = vector.shape_cast %mul3A_642 : vector<16xf32> to vector<1x1x16xf32>
        tpu.vector_store %arg6[%swap3A_644, %swap3A_645, %swap3A_646], %swap3A_649 {strides = array<i32>} : memref<2x512x64xf32, #tpu.memory_space<vmem>>, vector<1x1x16xf32>,
        %get3A_650 = arith.constant 0 : i32
        %get3A_651 = arith.index_cast %get3A_650 : i32 to index
        %get3A_652 = arith.index_cast %scan3A_617 : i32 to index
        %get3A_653 = arith.constant 32 : index
        %get3A_654 = tpu.vector_load %arg6[%get3A_651, %get3A_652, %get3A_653] {strides = array<i32>} : memref<2x512x64xf32, #tpu.memory_space<vmem>>, vector<1x1x16xf32>,
        %get3A_655 = vector.shape_cast %get3A_654 : vector<1x1x16xf32> to vector<16xf32>
        %mul3A_656 = arith.constant 8.000000e+00 : f32
        %mul3A_657 = vector.broadcast %mul3A_656 : f32 to vector<16xf32>
        %mul3A_658 = arith.mulf %get3A_655, %mul3A_657 : vector<16xf32>
        %swap3A_659 = arith.constant 0 : i32
        %swap3A_660 = arith.index_cast %swap3A_659 : i32 to index
        %swap3A_661 = arith.index_cast %scan3A_617 : i32 to index
        %swap3A_662 = arith.constant 32 : index
        %swap3A_663 = tpu.vector_load %arg6[%swap3A_660, %swap3A_661, %swap3A_662] {strides = array<i32>} : memref<2x512x64xf32, #tpu.memory_space<vmem>>, vector<1x1x16xf32>,
        %swap3A_664 = vector.shape_cast %swap3A_663 : vector<1x1x16xf32> to vector<16xf32>
        %swap3A_665 = vector.shape_cast %mul3A_658 : vector<16xf32> to vector<1x1x16xf32>
        tpu.vector_store %arg6[%swap3A_660, %swap3A_661, %swap3A_662], %swap3A_665 {strides = array<i32>} : memref<2x512x64xf32, #tpu.memory_space<vmem>>, vector<1x1x16xf32>,
        %get3A_666 = arith.constant 0 : i32
        %get3A_667 = arith.index_cast %get3A_666 : i32 to index
        %get3A_668 = arith.index_cast %scan3A_617 : i32 to index
        %get3A_669 = arith.constant 48 : index
        %get3A_670 = tpu.vector_load %arg6[%get3A_667, %get3A_668, %get3A_669] {strides = array<i32>} : memref<2x512x64xf32, #tpu.memory_space<vmem>>, vector<1x1x16xf32>,
        %get3A_671 = vector.shape_cast %get3A_670 : vector<1x1x16xf32> to vector<16xf32>
        %mul3A_672 = arith.constant 8.000000e+00 : f32
        %mul3A_673 = vector.broadcast %mul3A_672 : f32 to vector<16xf32>
        %mul3A_674 = arith.mulf %get3A_671, %mul3A_673 : vector<16xf32>
        %swap3A_675 = arith.constant 0 : i32
        %swap3A_676 = arith.index_cast %swap3A_675 : i32 to index
        %swap3A_677 = arith.index_cast %scan3A_617 : i32 to index
        %swap3A_678 = arith.constant 48 : index
        %swap3A_679 = tpu.vector_load %arg6[%swap3A_676, %swap3A_677, %swap3A_678] {strides = array<i32>} : memref<2x512x64xf32, #tpu.memory_space<vmem>>, vector<1x1x16xf32>,
        %swap3A_680 = vector.shape_cast %swap3A_679 : vector<1x1x16xf32> to vector<16xf32>
        %swap3A_681 = vector.shape_cast %mul3A_674 : vector<16xf32> to vector<1x1x16xf32>
        tpu.vector_store %arg6[%swap3A_676, %swap3A_677, %swap3A_678], %swap3A_681 {strides = array<i32>} : memref<2x512x64xf32, #tpu.memory_space<vmem>>, vector<1x1x16xf32>,
        %scan3A_682 = arith.constant 3 : i32
        %scan3A_683 = arith.addi %scan3A_487, %scan3A_682 : i32
        %get3A_684 = arith.constant 0 : i32
        %get3A_685 = arith.index_cast %get3A_684 : i32 to index
        %get3A_686 = arith.index_cast %scan3A_683 : i32 to index
        %get3A_687 = arith.constant 0 : index
        %get3A_688 = tpu.vector_load %arg6[%get3A_685, %get3A_686, %get3A_687] {strides = array<i32>} : memref<2x512x64xf32, #tpu.memory_space<vmem>>, vector<1x1x16xf32>,
        %get3A_689 = vector.shape_cast %get3A_688 : vector<1x1x16xf32> to vector<16xf32>
        %mul3A_690 = arith.constant 8.000000e+00 : f32
        %mul3A_691 = vector.broadcast %mul3A_690 : f32 to vector<16xf32>
        %mul3A_692 = arith.mulf %get3A_689, %mul3A_691 : vector<16xf32>
        %swap3A_693 = arith.constant 0 : i32
        %swap3A_694 = arith.index_cast %swap3A_693 : i32 to index
        %swap3A_695 = arith.index_cast %scan3A_683 : i32 to index
        %swap3A_696 = arith.constant 0 : index
        %swap3A_697 = tpu.vector_load %arg6[%swap3A_694, %swap3A_695, %swap3A_696] {strides = array<i32>} : memref<2x512x64xf32, #tpu.memory_space<vmem>>, vector<1x1x16xf32>,
        %swap3A_698 = vector.shape_cast %swap3A_697 : vector<1x1x16xf32> to vector<16xf32>
        %swap3A_699 = vector.shape_cast %mul3A_692 : vector<16xf32> to vector<1x1x16xf32>
        tpu.vector_store %arg6[%swap3A_694, %swap3A_695, %swap3A_696], %swap3A_699 {strides = array<i32>} : memref<2x512x64xf32, #tpu.memory_space<vmem>>, vector<1x1x16xf32>,
        %get3A_700 = arith.constant 0 : i32
        %get3A_701 = arith.index_cast %get3A_700 : i32 to index
        %get3A_702 = arith.index_cast %scan3A_683 : i32 to index
        %get3A_703 = arith.constant 16 : index
        %get3A_704 = tpu.vector_load %arg6[%get3A_701, %get3A_702, %get3A_703] {strides = array<i32>} : memref<2x512x64xf32, #tpu.memory_space<vmem>>, vector<1x1x16xf32>,
        %get3A_705 = vector.shape_cast %get3A_704 : vector<1x1x16xf32> to vector<16xf32>
        %mul3A_706 = arith.constant 8.000000e+00 : f32
        %mul3A_707 = vector.broadcast %mul3A_706 : f32 to vector<16xf32>
        %mul3A_708 = arith.mulf %get3A_705, %mul3A_707 : vector<16xf32>
        %swap3A_709 = arith.constant 0 : i32
        %swap3A_710 = arith.index_cast %swap3A_709 : i32 to index
        %swap3A_711 = arith.index_cast %scan3A_683 : i32 to index
        %swap3A_712 = arith.constant 16 : index
        %swap3A_713 = tpu.vector_load %arg6[%swap3A_710, %swap3A_711, %swap3A_712] {strides = array<i32>} : memref<2x512x64xf32, #tpu.memory_space<vmem>>, vector<1x1x16xf32>,
        %swap3A_714 = vector.shape_cast %swap3A_713 : vector<1x1x16xf32> to vector<16xf32>
        %swap3A_715 = vector.shape_cast %mul3A_708 : vector<16xf32> to vector<1x1x16xf32>
        tpu.vector_store %arg6[%swap3A_710, %swap3A_711, %swap3A_712], %swap3A_715 {strides = array<i32>} : memref<2x512x64xf32, #tpu.memory_space<vmem>>, vector<1x1x16xf32>,
        %get3A_716 = arith.constant 0 : i32
        %get3A_717 = arith.index_cast %get3A_716 : i32 to index
        %get3A_718 = arith.index_cast %scan3A_683 : i32 to index
        %get3A_719 = arith.constant 32 : index
        %get3A_720 = tpu.vector_load %arg6[%get3A_717, %get3A_718, %get3A_719] {strides = array<i32>} : memref<2x512x64xf32, #tpu.memory_space<vmem>>, vector<1x1x16xf32>,
        %get3A_721 = vector.shape_cast %get3A_720 : vector<1x1x16xf32> to vector<16xf32>
        %mul3A_722 = arith.constant 8.000000e+00 : f32
        %mul3A_723 = vector.broadcast %mul3A_722 : f32 to vector<16xf32>
        %mul3A_724 = arith.mulf %get3A_721, %mul3A_723 : vector<16xf32>
        %swap3A_725 = arith.constant 0 : i32
        %swap3A_726 = arith.index_cast %swap3A_725 : i32 to index
        %swap3A_727 = arith.index_cast %scan3A_683 : i32 to index
        %swap3A_728 = arith.constant 32 : index
        %swap3A_729 = tpu.vector_load %arg6[%swap3A_726, %swap3A_727, %swap3A_728] {strides = array<i32>} : memref<2x512x64xf32, #tpu.memory_space<vmem>>, vector<1x1x16xf32>,
        %swap3A_730 = vector.shape_cast %swap3A_729 : vector<1x1x16xf32> to vector<16xf32>
        %swap3A_731 = vector.shape_cast %mul3A_724 : vector<16xf32> to vector<1x1x16xf32>
        tpu.vector_store %arg6[%swap3A_726, %swap3A_727, %swap3A_728], %swap3A_731 {strides = array<i32>} : memref<2x512x64xf32, #tpu.memory_space<vmem>>, vector<1x1x16xf32>,
        %get3A_732 = arith.constant 0 : i32
        %get3A_733 = arith.index_cast %get3A_732 : i32 to index
        %get3A_734 = arith.index_cast %scan3A_683 : i32 to index
        %get3A_735 = arith.constant 48 : index
        %get3A_736 = tpu.vector_load %arg6[%get3A_733, %get3A_734, %get3A_735] {strides = array<i32>} : memref<2x512x64xf32, #tpu.memory_space<vmem>>, vector<1x1x16xf32>,
        %get3A_737 = vector.shape_cast %get3A_736 : vector<1x1x16xf32> to vector<16xf32>
        %mul3A_738 = arith.constant 8.000000e+00 : f32
        %mul3A_739 = vector.broadcast %mul3A_738 : f32 to vector<16xf32>
        %mul3A_740 = arith.mulf %get3A_737, %mul3A_739 : vector<16xf32>
        %swap3A_741 = arith.constant 0 : i32
        %swap3A_742 = arith.index_cast %swap3A_741 : i32 to index
        %swap3A_743 = arith.index_cast %scan3A_683 : i32 to index
        %swap3A_744 = arith.constant 48 : index
        %swap3A_745 = tpu.vector_load %arg6[%swap3A_742, %swap3A_743, %swap3A_744] {strides = array<i32>} : memref<2x512x64xf32, #tpu.memory_space<vmem>>, vector<1x1x16xf32>,
        %swap3A_746 = vector.shape_cast %swap3A_745 : vector<1x1x16xf32> to vector<16xf32>
        %swap3A_747 = vector.shape_cast %mul3A_740 : vector<16xf32> to vector<1x1x16xf32>
        tpu.vector_store %arg6[%swap3A_742, %swap3A_743, %swap3A_744], %swap3A_747 {strides = array<i32>} : memref<2x512x64xf32, #tpu.memory_space<vmem>>, vector<1x1x16xf32>,
        %scan3A_748 = arith.constant 4 : i32
        %scan3A_749 = arith.addi %scan3A_487, %scan3A_748 : i32
        %get3A_750 = arith.constant 0 : i32
        %get3A_751 = arith.index_cast %get3A_750 : i32 to index
        %get3A_752 = arith.index_cast %scan3A_749 : i32 to index
        %get3A_753 = arith.constant 0 : index
        %get3A_754 = tpu.vector_load %arg6[%get3A_751, %get3A_752, %get3A_753] {strides = array<i32>} : memref<2x512x64xf32, #tpu.memory_space<vmem>>, vector<1x1x16xf32>,
        %get3A_755 = vector.shape_cast %get3A_754 : vector<1x1x16xf32> to vector<16xf32>
        %mul3A_756 = arith.constant 8.000000e+00 : f32
        %mul3A_757 = vector.broadcast %mul3A_756 : f32 to vector<16xf32>
        %mul3A_758 = arith.mulf %get3A_755, %mul3A_757 : vector<16xf32>
        %swap3A_759 = arith.constant 0 : i32
        %swap3A_760 = arith.index_cast %swap3A_759 : i32 to index
        %swap3A_761 = arith.index_cast %scan3A_749 : i32 to index
        %swap3A_762 = arith.constant 0 : index
        %swap3A_763 = tpu.vector_load %arg6[%swap3A_760, %swap3A_761, %swap3A_762] {strides = array<i32>} : memref<2x512x64xf32, #tpu.memory_space<vmem>>, vector<1x1x16xf32>,
        %swap3A_764 = vector.shape_cast %swap3A_763 : vector<1x1x16xf32> to vector<16xf32>
        %swap3A_765 = vector.shape_cast %mul3A_758 : vector<16xf32> to vector<1x1x16xf32>
        tpu.vector_store %arg6[%swap3A_760, %swap3A_761, %swap3A_762], %swap3A_765 {strides = array<i32>} : memref<2x512x64xf32, #tpu.memory_space<vmem>>, vector<1x1x16xf32>,
        %get3A_766 = arith.constant 0 : i32
        %get3A_767 = arith.index_cast %get3A_766 : i32 to index
        %get3A_768 = arith.index_cast %scan3A_749 : i32 to index
        %get3A_769 = arith.constant 16 : index
        %get3A_770 = tpu.vector_load %arg6[%get3A_767, %get3A_768, %get3A_769] {strides = array<i32>} : memref<2x512x64xf32, #tpu.memory_space<vmem>>, vector<1x1x16xf32>,
        %get3A_771 = vector.shape_cast %get3A_770 : vector<1x1x16xf32> to vector<16xf32>
        %mul3A_772 = arith.constant 8.000000e+00 : f32
        %mul3A_773 = vector.broadcast %mul3A_772 : f32 to vector<16xf32>
        %mul3A_774 = arith.mulf %get3A_771, %mul3A_773 : vector<16xf32>
        %swap3A_775 = arith.constant 0 : i32
        %swap3A_776 = arith.index_cast %swap3A_775 : i32 to index
        %swap3A_777 = arith.index_cast %scan3A_749 : i32 to index
        %swap3A_778 = arith.constant 16 : index
        %swap3A_779 = tpu.vector_load %arg6[%swap3A_776, %swap3A_777, %swap3A_778] {strides = array<i32>} : memref<2x512x64xf32, #tpu.memory_space<vmem>>, vector<1x1x16xf32>,
        %swap3A_780 = vector.shape_cast %swap3A_779 : vector<1x1x16xf32> to vector<16xf32>
        %swap3A_781 = vector.shape_cast %mul3A_774 : vector<16xf32> to vector<1x1x16xf32>
        tpu.vector_store %arg6[%swap3A_776, %swap3A_777, %swap3A_778], %swap3A_781 {strides = array<i32>} : memref<2x512x64xf32, #tpu.memory_space<vmem>>, vector<1x1x16xf32>,
        %get3A_782 = arith.constant 0 : i32
        %get3A_783 = arith.index_cast %get3A_782 : i32 to index
        %get3A_784 = arith.index_cast %scan3A_749 : i32 to index
        %get3A_785 = arith.constant 32 : index
        %get3A_786 = tpu.vector_load %arg6[%get3A_783, %get3A_784, %get3A_785] {strides = array<i32>} : memref<2x512x64xf32, #tpu.memory_space<vmem>>, vector<1x1x16xf32>,
        %get3A_787 = vector.shape_cast %get3A_786 : vector<1x1x16xf32> to vector<16xf32>
        %mul3A_788 = arith.constant 8.000000e+00 : f32
        %mul3A_789 = vector.broadcast %mul3A_788 : f32 to vector<16xf32>
        %mul3A_790 = arith.mulf %get3A_787, %mul3A_789 : vector<16xf32>
        %swap3A_791 = arith.constant 0 : i32
        %swap3A_792 = arith.index_cast %swap3A_791 : i32 to index
        %swap3A_793 = arith.index_cast %scan3A_749 : i32 to index
        %swap3A_794 = arith.constant 32 : index
        %swap3A_795 = tpu.vector_load %arg6[%swap3A_792, %swap3A_793, %swap3A_794] {strides = array<i32>} : memref<2x512x64xf32, #tpu.memory_space<vmem>>, vector<1x1x16xf32>,
        %swap3A_796 = vector.shape_cast %swap3A_795 : vector<1x1x16xf32> to vector<16xf32>
        %swap3A_797 = vector.shape_cast %mul3A_790 : vector<16xf32> to vector<1x1x16xf32>
        tpu.vector_store %arg6[%swap3A_792, %swap3A_793, %swap3A_794], %swap3A_797 {strides = array<i32>} : memref<2x512x64xf32, #tpu.memory_space<vmem>>, vector<1x1x16xf32>,
        %get3A_798 = arith.constant 0 : i32
        %get3A_799 = arith.index_cast %get3A_798 : i32 to index
        %get3A_800 = arith.index_cast %scan3A_749 : i32 to index
        %get3A_801 = arith.constant 48 : index
        %get3A_802 = tpu.vector_load %arg6[%get3A_799, %get3A_800, %get3A_801] {strides = array<i32>} : memref<2x512x64xf32, #tpu.memory_space<vmem>>, vector<1x1x16xf32>,
        %get3A_803 = vector.shape_cast %get3A_802 : vector<1x1x16xf32> to vector<16xf32>
        %mul3A_804 = arith.constant 8.000000e+00 : f32
        %mul3A_805 = vector.broadcast %mul3A_804 : f32 to vector<16xf32>
        %mul3A_806 = arith.mulf %get3A_803, %mul3A_805 : vector<16xf32>
        %swap3A_807 = arith.constant 0 : i32
        %swap3A_808 = arith.index_cast %swap3A_807 : i32 to index
        %swap3A_809 = arith.index_cast %scan3A_749 : i32 to index
        %swap3A_810 = arith.constant 48 : index
        %swap3A_811 = tpu.vector_load %arg6[%swap3A_808, %swap3A_809, %swap3A_810] {strides = array<i32>} : memref<2x512x64xf32, #tpu.memory_space<vmem>>, vector<1x1x16xf32>,
        %swap3A_812 = vector.shape_cast %swap3A_811 : vector<1x1x16xf32> to vector<16xf32>
        %swap3A_813 = vector.shape_cast %mul3A_806 : vector<16xf32> to vector<1x1x16xf32>
        tpu.vector_store %arg6[%swap3A_808, %swap3A_809, %swap3A_810], %swap3A_813 {strides = array<i32>} : memref<2x512x64xf32, #tpu.memory_space<vmem>>, vector<1x1x16xf32>,
        %scan3A_814 = arith.constant 5 : i32
        %scan3A_815 = arith.addi %scan3A_487, %scan3A_814 : i32
        %get3A_816 = arith.constant 0 : i32
        %get3A_817 = arith.index_cast %get3A_816 : i32 to index
        %get3A_818 = arith.index_cast %scan3A_815 : i32 to index
        %get3A_819 = arith.constant 0 : index
        %get3A_820 = tpu.vector_load %arg6[%get3A_817, %get3A_818, %get3A_819] {strides = array<i32>} : memref<2x512x64xf32, #tpu.memory_space<vmem>>, vector<1x1x16xf32>,
        %get3A_821 = vector.shape_cast %get3A_820 : vector<1x1x16xf32> to vector<16xf32>
        %mul3A_822 = arith.constant 8.000000e+00 : f32
        %mul3A_823 = vector.broadcast %mul3A_822 : f32 to vector<16xf32>
        %mul3A_824 = arith.mulf %get3A_821, %mul3A_823 : vector<16xf32>
        %swap3A_825 = arith.constant 0 : i32
        %swap3A_826 = arith.index_cast %swap3A_825 : i32 to index
        %swap3A_827 = arith.index_cast %scan3A_815 : i32 to index
        %swap3A_828 = arith.constant 0 : index
        %swap3A_829 = tpu.vector_load %arg6[%swap3A_826, %swap3A_827, %swap3A_828] {strides = array<i32>} : memref<2x512x64xf32, #tpu.memory_space<vmem>>, vector<1x1x16xf32>,
        %swap3A_830 = vector.shape_cast %swap3A_829 : vector<1x1x16xf32> to vector<16xf32>
        %swap3A_831 = vector.shape_cast %mul3A_824 : vector<16xf32> to vector<1x1x16xf32>
        tpu.vector_store %arg6[%swap3A_826, %swap3A_827, %swap3A_828], %swap3A_831 {strides = array<i32>} : memref<2x512x64xf32, #tpu.memory_space<vmem>>, vector<1x1x16xf32>,
        %get3A_832 = arith.constant 0 : i32
        %get3A_833 = arith.index_cast %get3A_832 : i32 to index
        %get3A_834 = arith.index_cast %scan3A_815 : i32 to index
        %get3A_835 = arith.constant 16 : index
        %get3A_836 = tpu.vector_load %arg6[%get3A_833, %get3A_834, %get3A_835] {strides = array<i32>} : memref<2x512x64xf32, #tpu.memory_space<vmem>>, vector<1x1x16xf32>,
        %get3A_837 = vector.shape_cast %get3A_836 : vector<1x1x16xf32> to vector<16xf32>
        %mul3A_838 = arith.constant 8.000000e+00 : f32
        %mul3A_839 = vector.broadcast %mul3A_838 : f32 to vector<16xf32>
        %mul3A_840 = arith.mulf %get3A_837, %mul3A_839 : vector<16xf32>
        %swap3A_841 = arith.constant 0 : i32
        %swap3A_842 = arith.index_cast %swap3A_841 : i32 to index
        %swap3A_843 = arith.index_cast %scan3A_815 : i32 to index
        %swap3A_844 = arith.constant 16 : index
        %swap3A_845 = tpu.vector_load %arg6[%swap3A_842, %swap3A_843, %swap3A_844] {strides = array<i32>} : memref<2x512x64xf32, #tpu.memory_space<vmem>>, vector<1x1x16xf32>,
        %swap3A_846 = vector.shape_cast %swap3A_845 : vector<1x1x16xf32> to vector<16xf32>
        %swap3A_847 = vector.shape_cast %mul3A_840 : vector<16xf32> to vector<1x1x16xf32>
        tpu.vector_store %arg6[%swap3A_842, %swap3A_843, %swap3A_844], %swap3A_847 {strides = array<i32>} : memref<2x512x64xf32, #tpu.memory_space<vmem>>, vector<1x1x16xf32>,
        %get3A_848 = arith.constant 0 : i32
        %get3A_849 = arith.index_cast %get3A_848 : i32 to index
        %get3A_850 = arith.index_cast %scan3A_815 : i32 to index
        %get3A_851 = arith.constant 32 : index
        %get3A_852 = tpu.vector_load %arg6[%get3A_849, %get3A_850, %get3A_851] {strides = array<i32>} : memref<2x512x64xf32, #tpu.memory_space<vmem>>, vector<1x1x16xf32>,
        %get3A_853 = vector.shape_cast %get3A_852 : vector<1x1x16xf32> to vector<16xf32>
        %mul3A_854 = arith.constant 8.000000e+00 : f32
        %mul3A_855 = vector.broadcast %mul3A_854 : f32 to vector<16xf32>
        %mul3A_856 = arith.mulf %get3A_853, %mul3A_855 : vector<16xf32>
        %swap3A_857 = arith.constant 0 : i32
        %swap3A_858 = arith.index_cast %swap3A_857 : i32 to index
        %swap3A_859 = arith.index_cast %scan3A_815 : i32 to index
        %swap3A_860 = arith.constant 32 : index
        %swap3A_861 = tpu.vector_load %arg6[%swap3A_858, %swap3A_859, %swap3A_860] {strides = array<i32>} : memref<2x512x64xf32, #tpu.memory_space<vmem>>, vector<1x1x16xf32>,
        %swap3A_862 = vector.shape_cast %swap3A_861 : vector<1x1x16xf32> to vector<16xf32>
        %swap3A_863 = vector.shape_cast %mul3A_856 : vector<16xf32> to vector<1x1x16xf32>
        tpu.vector_store %arg6[%swap3A_858, %swap3A_859, %swap3A_860], %swap3A_863 {strides = array<i32>} : memref<2x512x64xf32, #tpu.memory_space<vmem>>, vector<1x1x16xf32>,
        %get3A_864 = arith.constant 0 : i32
        %get3A_865 = arith.index_cast %get3A_864 : i32 to index
        %get3A_866 = arith.index_cast %scan3A_815 : i32 to index
        %get3A_867 = arith.constant 48 : index
        %get3A_868 = tpu.vector_load %arg6[%get3A_865, %get3A_866, %get3A_867] {strides = array<i32>} : memref<2x512x64xf32, #tpu.memory_space<vmem>>, vector<1x1x16xf32>,
        %get3A_869 = vector.shape_cast %get3A_868 : vector<1x1x16xf32> to vector<16xf32>
        %mul3A_870 = arith.constant 8.000000e+00 : f32
        %mul3A_871 = vector.broadcast %mul3A_870 : f32 to vector<16xf32>
        %mul3A_872 = arith.mulf %get3A_869, %mul3A_871 : vector<16xf32>
        %swap3A_873 = arith.constant 0 : i32
        %swap3A_874 = arith.index_cast %swap3A_873 : i32 to index
        %swap3A_875 = arith.index_cast %scan3A_815 : i32 to index
        %swap3A_876 = arith.constant 48 : index
        %swap3A_877 = tpu.vector_load %arg6[%swap3A_874, %swap3A_875, %swap3A_876] {strides = array<i32>} : memref<2x512x64xf32, #tpu.memory_space<vmem>>, vector<1x1x16xf32>,
        %swap3A_878 = vector.shape_cast %swap3A_877 : vector<1x1x16xf32> to vector<16xf32>
        %swap3A_879 = vector.shape_cast %mul3A_872 : vector<16xf32> to vector<1x1x16xf32>
        tpu.vector_store %arg6[%swap3A_874, %swap3A_875, %swap3A_876], %swap3A_879 {strides = array<i32>} : memref<2x512x64xf32, #tpu.memory_space<vmem>>, vector<1x1x16xf32>,
        %scan3A_880 = arith.constant 6 : i32
        %scan3A_881 = arith.addi %scan3A_487, %scan3A_880 : i32
        %get3A_882 = arith.constant 0 : i32
        %get3A_883 = arith.index_cast %get3A_882 : i32 to index
        %get3A_884 = arith.index_cast %scan3A_881 : i32 to index
        %get3A_885 = arith.constant 0 : index
        %get3A_886 = tpu.vector_load %arg6[%get3A_883, %get3A_884, %get3A_885] {strides = array<i32>} : memref<2x512x64xf32, #tpu.memory_space<vmem>>, vector<1x1x16xf32>,
        %get3A_887 = vector.shape_cast %get3A_886 : vector<1x1x16xf32> to vector<16xf32>
        %mul3A_888 = arith.constant 8.000000e+00 : f32
        %mul3A_889 = vector.broadcast %mul3A_888 : f32 to vector<16xf32>
        %mul3A_890 = arith.mulf %get3A_887, %mul3A_889 : vector<16xf32>
        %swap3A_891 = arith.constant 0 : i32
        %swap3A_892 = arith.index_cast %swap3A_891 : i32 to index
        %swap3A_893 = arith.index_cast %scan3A_881 : i32 to index
        %swap3A_894 = arith.constant 0 : index
        %swap3A_895 = tpu.vector_load %arg6[%swap3A_892, %swap3A_893, %swap3A_894] {strides = array<i32>} : memref<2x512x64xf32, #tpu.memory_space<vmem>>, vector<1x1x16xf32>,
        %swap3A_896 = vector.shape_cast %swap3A_895 : vector<1x1x16xf32> to vector<16xf32>
        %swap3A_897 = vector.shape_cast %mul3A_890 : vector<16xf32> to vector<1x1x16xf32>
        tpu.vector_store %arg6[%swap3A_892, %swap3A_893, %swap3A_894], %swap3A_897 {strides = array<i32>} : memref<2x512x64xf32, #tpu.memory_space<vmem>>, vector<1x1x16xf32>,
        %get3A_898 = arith.constant 0 : i32
        %get3A_899 = arith.index_cast %get3A_898 : i32 to index
        %get3A_900 = arith.index_cast %scan3A_881 : i32 to index
        %get3A_901 = arith.constant 16 : index
        %get3A_902 = tpu.vector_load %arg6[%get3A_899, %get3A_900, %get3A_901] {strides = array<i32>} : memref<2x512x64xf32, #tpu.memory_space<vmem>>, vector<1x1x16xf32>,
        %get3A_903 = vector.shape_cast %get3A_902 : vector<1x1x16xf32> to vector<16xf32>
        %mul3A_904 = arith.constant 8.000000e+00 : f32
        %mul3A_905 = vector.broadcast %mul3A_904 : f32 to vector<16xf32>
        %mul3A_906 = arith.mulf %get3A_903, %mul3A_905 : vector<16xf32>
        %swap3A_907 = arith.constant 0 : i32
        %swap3A_908 = arith.index_cast %swap3A_907 : i32 to index
        %swap3A_909 = arith.index_cast %scan3A_881 : i32 to index
        %swap3A_910 = arith.constant 16 : index
        %swap3A_911 = tpu.vector_load %arg6[%swap3A_908, %swap3A_909, %swap3A_910] {strides = array<i32>} : memref<2x512x64xf32, #tpu.memory_space<vmem>>, vector<1x1x16xf32>,
        %swap3A_912 = vector.shape_cast %swap3A_911 : vector<1x1x16xf32> to vector<16xf32>
        %swap3A_913 = vector.shape_cast %mul3A_906 : vector<16xf32> to vector<1x1x16xf32>
        tpu.vector_store %arg6[%swap3A_908, %swap3A_909, %swap3A_910], %swap3A_913 {strides = array<i32>} : memref<2x512x64xf32, #tpu.memory_space<vmem>>, vector<1x1x16xf32>,
        %get3A_914 = arith.constant 0 : i32
        %get3A_915 = arith.index_cast %get3A_914 : i32 to index
        %get3A_916 = arith.index_cast %scan3A_881 : i32 to index
        %get3A_917 = arith.constant 32 : index
        %get3A_918 = tpu.vector_load %arg6[%get3A_915, %get3A_916, %get3A_917] {strides = array<i32>} : memref<2x512x64xf32, #tpu.memory_space<vmem>>, vector<1x1x16xf32>,
        %get3A_919 = vector.shape_cast %get3A_918 : vector<1x1x16xf32> to vector<16xf32>
        %mul3A_920 = arith.constant 8.000000e+00 : f32
        %mul3A_921 = vector.broadcast %mul3A_920 : f32 to vector<16xf32>
        %mul3A_922 = arith.mulf %get3A_919, %mul3A_921 : vector<16xf32>
        %swap3A_923 = arith.constant 0 : i32
        %swap3A_924 = arith.index_cast %swap3A_923 : i32 to index
        %swap3A_925 = arith.index_cast %scan3A_881 : i32 to index
        %swap3A_926 = arith.constant 32 : index
        %swap3A_927 = tpu.vector_load %arg6[%swap3A_924, %swap3A_925, %swap3A_926] {strides = array<i32>} : memref<2x512x64xf32, #tpu.memory_space<vmem>>, vector<1x1x16xf32>,
        %swap3A_928 = vector.shape_cast %swap3A_927 : vector<1x1x16xf32> to vector<16xf32>
        %swap3A_929 = vector.shape_cast %mul3A_922 : vector<16xf32> to vector<1x1x16xf32>
        tpu.vector_store %arg6[%swap3A_924, %swap3A_925, %swap3A_926], %swap3A_929 {strides = array<i32>} : memref<2x512x64xf32, #tpu.memory_space<vmem>>, vector<1x1x16xf32>,
        %get3A_930 = arith.constant 0 : i32
        %get3A_931 = arith.index_cast %get3A_930 : i32 to index
        %get3A_932 = arith.index_cast %scan3A_881 : i32 to index
        %get3A_933 = arith.constant 48 : index
        %get3A_934 = tpu.vector_load %arg6[%get3A_931, %get3A_932, %get3A_933] {strides = array<i32>} : memref<2x512x64xf32, #tpu.memory_space<vmem>>, vector<1x1x16xf32>,
        %get3A_935 = vector.shape_cast %get3A_934 : vector<1x1x16xf32> to vector<16xf32>
        %mul3A_936 = arith.constant 8.000000e+00 : f32
        %mul3A_937 = vector.broadcast %mul3A_936 : f32 to vector<16xf32>
        %mul3A_938 = arith.mulf %get3A_935, %mul3A_937 : vector<16xf32>
        %swap3A_939 = arith.constant 0 : i32
        %swap3A_940 = arith.index_cast %swap3A_939 : i32 to index
        %swap3A_941 = arith.index_cast %scan3A_881 : i32 to index
        %swap3A_942 = arith.constant 48 : index
        %swap3A_943 = tpu.vector_load %arg6[%swap3A_940, %swap3A_941, %swap3A_942] {strides = array<i32>} : memref<2x512x64xf32, #tpu.memory_space<vmem>>, vector<1x1x16xf32>,
        %swap3A_944 = vector.shape_cast %swap3A_943 : vector<1x1x16xf32> to vector<16xf32>
        %swap3A_945 = vector.shape_cast %mul3A_938 : vector<16xf32> to vector<1x1x16xf32>
        tpu.vector_store %arg6[%swap3A_940, %swap3A_941, %swap3A_942], %swap3A_945 {strides = array<i32>} : memref<2x512x64xf32, #tpu.memory_space<vmem>>, vector<1x1x16xf32>,
        %scan3A_946 = arith.constant 7 : i32
        %scan3A_947 = arith.addi %scan3A_487, %scan3A_946 : i32
        %get3A_948 = arith.constant 0 : i32
        %get3A_949 = arith.index_cast %get3A_948 : i32 to index
        %get3A_950 = arith.index_cast %scan3A_947 : i32 to index
        %get3A_951 = arith.constant 0 : index
        %get3A_952 = tpu.vector_load %arg6[%get3A_949, %get3A_950, %get3A_951] {strides = array<i32>} : memref<2x512x64xf32, #tpu.memory_space<vmem>>, vector<1x1x16xf32>,
        %get3A_953 = vector.shape_cast %get3A_952 : vector<1x1x16xf32> to vector<16xf32>
        %mul3A_954 = arith.constant 8.000000e+00 : f32
        %mul3A_955 = vector.broadcast %mul3A_954 : f32 to vector<16xf32>
        %mul3A_956 = arith.mulf %get3A_953, %mul3A_955 : vector<16xf32>
        %swap3A_957 = arith.constant 0 : i32
        %swap3A_958 = arith.index_cast %swap3A_957 : i32 to index
        %swap3A_959 = arith.index_cast %scan3A_947 : i32 to index
        %swap3A_960 = arith.constant 0 : index
        %swap3A_961 = tpu.vector_load %arg6[%swap3A_958, %swap3A_959, %swap3A_960] {strides = array<i32>} : memref<2x512x64xf32, #tpu.memory_space<vmem>>, vector<1x1x16xf32>,
        %swap3A_962 = vector.shape_cast %swap3A_961 : vector<1x1x16xf32> to vector<16xf32>
        %swap3A_963 = vector.shape_cast %mul3A_956 : vector<16xf32> to vector<1x1x16xf32>
        tpu.vector_store %arg6[%swap3A_958, %swap3A_959, %swap3A_960], %swap3A_963 {strides = array<i32>} : memref<2x512x64xf32, #tpu.memory_space<vmem>>, vector<1x1x16xf32>,
        %get3A_964 = arith.constant 0 : i32
        %get3A_965 = arith.index_cast %get3A_964 : i32 to index
        %get3A_966 = arith.index_cast %scan3A_947 : i32 to index
        %get3A_967 = arith.constant 16 : index
        %get3A_968 = tpu.vector_load %arg6[%get3A_965, %get3A_966, %get3A_967] {strides = array<i32>} : memref<2x512x64xf32, #tpu.memory_space<vmem>>, vector<1x1x16xf32>,
        %get3A_969 = vector.shape_cast %get3A_968 : vector<1x1x16xf32> to vector<16xf32>
        %mul3A_970 = arith.constant 8.000000e+00 : f32
        %mul3A_971 = vector.broadcast %mul3A_970 : f32 to vector<16xf32>
        %mul3A_972 = arith.mulf %get3A_969, %mul3A_971 : vector<16xf32>
        %swap3A_973 = arith.constant 0 : i32
        %swap3A_974 = arith.index_cast %swap3A_973 : i32 to index
        %swap3A_975 = arith.index_cast %scan3A_947 : i32 to index
        %swap3A_976 = arith.constant 16 : index
        %swap3A_977 = tpu.vector_load %arg6[%swap3A_974, %swap3A_975, %swap3A_976] {strides = array<i32>} : memref<2x512x64xf32, #tpu.memory_space<vmem>>, vector<1x1x16xf32>,
        %swap3A_978 = vector.shape_cast %swap3A_977 : vector<1x1x16xf32> to vector<16xf32>
        %swap3A_979 = vector.shape_cast %mul3A_972 : vector<16xf32> to vector<1x1x16xf32>
        tpu.vector_store %arg6[%swap3A_974, %swap3A_975, %swap3A_976], %swap3A_979 {strides = array<i32>} : memref<2x512x64xf32, #tpu.memory_space<vmem>>, vector<1x1x16xf32>,
        %get3A_980 = arith.constant 0 : i32
        %get3A_981 = arith.index_cast %get3A_980 : i32 to index
        %get3A_982 = arith.index_cast %scan3A_947 : i32 to index
        %get3A_983 = arith.constant 32 : index
        %get3A_984 = tpu.vector_load %arg6[%get3A_981, %get3A_982, %get3A_983] {strides = array<i32>} : memref<2x512x64xf32, #tpu.memory_space<vmem>>, vector<1x1x16xf32>,
        %get3A_985 = vector.shape_cast %get3A_984 : vector<1x1x16xf32> to vector<16xf32>
        %mul3A_986 = arith.constant 8.000000e+00 : f32
        %mul3A_987 = vector.broadcast %mul3A_986 : f32 to vector<16xf32>
        %mul3A_988 = arith.mulf %get3A_985, %mul3A_987 : vector<16xf32>
        %swap3A_989 = arith.constant 0 : i32
        %swap3A_990 = arith.index_cast %swap3A_989 : i32 to index
        %swap3A_991 = arith.index_cast %scan3A_947 : i32 to index
        %swap3A_992 = arith.constant 32 : index
        %swap3A_993 = tpu.vector_load %arg6[%swap3A_990, %swap3A_991, %swap3A_992] {strides = array<i32>} : memref<2x512x64xf32, #tpu.memory_space<vmem>>, vector<1x1x16xf32>,
        %swap3A_994 = vector.shape_cast %swap3A_993 : vector<1x1x16xf32> to vector<16xf32>
        %swap3A_995 = vector.shape_cast %mul3A_988 : vector<16xf32> to vector<1x1x16xf32>
        tpu.vector_store %arg6[%swap3A_990, %swap3A_991, %swap3A_992], %swap3A_995 {strides = array<i32>} : memref<2x512x64xf32, #tpu.memory_space<vmem>>, vector<1x1x16xf32>,
        %get3A_996 = arith.constant 0 : i32
        %get3A_997 = arith.index_cast %get3A_996 : i32 to index
        %get3A_998 = arith.index_cast %scan3A_947 : i32 to index
        %get3A_999 = arith.constant 48 : index
        %get3A_1000 = tpu.vector_load %arg6[%get3A_997, %get3A_998, %get3A_999] {strides = array<i32>} : memref<2x512x64xf32, #tpu.memory_space<vmem>>, vector<1x1x16xf32>,
        %get3A_1001 = vector.shape_cast %get3A_1000 : vector<1x1x16xf32> to vector<16xf32>
        %mul3A_1002 = arith.constant 8.000000e+00 : f32
        %mul3A_1003 = vector.broadcast %mul3A_1002 : f32 to vector<16xf32>
        %mul3A_1004 = arith.mulf %get3A_1001, %mul3A_1003 : vector<16xf32>
        %swap3A_1005 = arith.constant 0 : i32
        %swap3A_1006 = arith.index_cast %swap3A_1005 : i32 to index
        %swap3A_1007 = arith.index_cast %scan3A_947 : i32 to index
        %swap3A_1008 = arith.constant 48 : index
        %swap3A_1009 = tpu.vector_load %arg6[%swap3A_1006, %swap3A_1007, %swap3A_1008] {strides = array<i32>} : memref<2x512x64xf32, #tpu.memory_space<vmem>>, vector<1x1x16xf32>,
        %swap3A_1010 = vector.shape_cast %swap3A_1009 : vector<1x1x16xf32> to vector<16xf32>
        %swap3A_1011 = vector.shape_cast %mul3A_1004 : vector<16xf32> to vector<1x1x16xf32>
        tpu.vector_store %arg6[%swap3A_1006, %swap3A_1007, %swap3A_1008], %swap3A_1011 {strides = array<i32>} : memref<2x512x64xf32, #tpu.memory_space<vmem>>, vector<1x1x16xf32>,
      }
      %scan3A_281 = arith.constant 512 : i32
      %mul3A_282 = arith.constant 25600 : i32
      %mul3A_283 = arith.muli %add3A, %mul3A_282 : i32
      %mul3A_284 = arith.constant 512 : i32
      %mul3A_285 = arith.muli %mul3A_216, %mul3A_284 : i32
      %add3A_286 = arith.addi %mul3A_283, %mul3A_285 : i32
      %run_scoped3A_287 = arith.constant 0 : i32
      "tpu.region"() ({
        %run_scoped3A_487 = tpu.sem_alloc : memref<!tpu.dma_semaphore, #tpu.memory_space<semaphore_mem>>
        %dma_start3A_488 = arith.constant 0 : i32
        %dma_start3A_489 = arith.constant 0 : i32
        %dma_start3A_490 = tpu.memref_slice %arg6[%run_scoped3A_287, %dma_start3A_488, %dma_start3A_489] : memref<2x512x64xf32, #tpu.memory_space<vmem>> -> memref<1x512x64xf32, #tpu.memory_space<vmem>>
        %dma_start3A_491 = tpu.memref_squeeze %dma_start3A_490 : memref<1x512x64xf32, #tpu.memory_space<vmem>> -> memref<512x64xf32, #tpu.memory_space<vmem>>
        %dma_start3A_492 = arith.constant 0 : i32
        %dma_start3A_493 = tpu.memref_slice %arg4[%add3A_286, %dma_start3A_492] : memref<819200x128xf32, #tpu.memory_space<hbm>> -> memref<512x64xf32, #tpu.memory_space<hbm>>
        %dma_start3A_494 = arith.constant 0 : i32
        %dma_start3A_495 = tpu.memref_slice %arg4[%add3A_286, %dma_start3A_494] : memref<819200x128xf32, #tpu.memory_space<hbm>> -> memref<512x64xf32, #tpu.memory_space<hbm>>
        %dma_start3A_496 = arith.constant 0 : i32
        %dma_start3A_497 = arith.constant 0 : i32
        %dma_start3A_498 = tpu.memref_slice %arg6[%run_scoped3A_287, %dma_start3A_496, %dma_start3A_497] : memref<2x512x64xf32, #tpu.memory_space<vmem>> -> memref<1x512x64xf32, #tpu.memory_space<vmem>>
        %dma_start3A_499 = tpu.memref_squeeze %dma_start3A_498 : memref<1x512x64xf32, #tpu.memory_space<vmem>> -> memref<512x64xf32, #tpu.memory_space<vmem>>
        tpu.enqueue_dma source(%dma_start3A_499 : memref<512x64xf32, #tpu.memory_space<vmem>>) target(%dma_start3A_495 : memref<512x64xf32, #tpu.memory_space<hbm>>) target_semaphore(%run_scoped3A_487 : memref<!tpu.dma_semaphore, #tpu.memory_space<semaphore_mem>>)
        %dma_wait3A_500 = arith.constant 0 : i32
        %dma_wait3A_501 = arith.constant 0 : i32
        %dma_wait3A_502 = tpu.memref_slice %arg6[%run_scoped3A_287, %dma_wait3A_500, %dma_wait3A_501] : memref<2x512x64xf32, #tpu.memory_space<vmem>> -> memref<1x512x64xf32, #tpu.memory_space<vmem>>
        %dma_wait3A_503 = tpu.memref_squeeze %dma_wait3A_502 : memref<1x512x64xf32, #tpu.memory_space<vmem>> -> memref<512x64xf32, #tpu.memory_space<vmem>>
        %dma_wait3A_504 = arith.constant 0 : i32
        %dma_wait3A_505 = tpu.memref_slice %arg4[%add3A_286, %dma_wait3A_504] : memref<819200x128xf32, #tpu.memory_space<hbm>> -> memref<512x64xf32, #tpu.memory_space<hbm>>
        %dma_wait3A_506 = arith.constant 0 : i32
        %dma_wait3A_507 = tpu.memref_slice %arg4[%add3A_286, %dma_wait3A_506] : memref<819200x128xf32, #tpu.memory_space<hbm>> -> memref<512x64xf32, #tpu.memory_space<hbm>>
        %dma_wait3A_508 = arith.constant 0 : i32
        %dma_wait3A_509 = arith.constant 0 : i32
        %dma_wait3A_510 = tpu.memref_slice %arg6[%run_scoped3A_287, %dma_wait3A_508, %dma_wait3A_509] : memref<2x512x64xf32, #tpu.memory_space<vmem>> -> memref<1x512x64xf32, #tpu.memory_space<vmem>>
        %dma_wait3A_511 = tpu.memref_squeeze %dma_wait3A_510 : memref<1x512x64xf32, #tpu.memory_space<vmem>> -> memref<512x64xf32, #tpu.memory_space<vmem>>
        tpu.wait_dma2 semaphore(%run_scoped3A_487 : memref<!tpu.dma_semaphore, #tpu.memory_space<semaphore_mem>>) src(%dma_wait3A_511 : memref<512x64xf32, #tpu.memory_space<vmem>>) dst(%dma_wait3A_507 : memref<512x64xf32, #tpu.memory_space<hbm>>)
        tpu.yield
      }) : () -> ()
      %add3A_288 = arith.constant 2 : i32
      %add3A_289 = arith.addi %mul3A_216, %add3A_288 : i32
      %mul3A_290 = arith.constant 4 : i32
      %mul3A_291 = arith.muli %add3A_289, %mul3A_290 : i32
      %add3A_292 = arith.constant 0 : i32
      %add3A_293 = arith.addi %mul3A_291, %add3A_292 : i32
      %dma_start3A_294 = arith.constant 0 : i32
      %dma_start3A_295 = arith.constant 0 : i32
      %dma_start3A_296 = arith.constant 0 : i32
      %dma_start3A_297 = tpu.memref_slice %arg6[%dma_start3A_294, %dma_start3A_295, %dma_start3A_296] : memref<2x512x64xf32, #tpu.memory_space<vmem>> -> memref<1x128x64xf32, #tpu.memory_space<vmem>>
      %dma_start3A_298 = tpu.memref_squeeze %dma_start3A_297 : memref<1x128x64xf32, #tpu.memory_space<vmem>> -> memref<128x64xf32, #tpu.memory_space<vmem>>
      %dma_start3A_299 = arith.constant 0 : i32
      %dma_start3A_300 = tpu.memref_slice %arg5[%add3A_293, %dma_start3A_299] : memref<200x128xi32, #tpu.memory_space<vmem>> -> memref<1x128xi32, #tpu.memory_space<vmem>>
      %dma_start3A_301 = tpu.memref_squeeze %dma_start3A_300 : memref<1x128xi32, #tpu.memory_space<vmem>> -> memref<128xi32, #tpu.memory_space<vmem>>
      %dma_start3A_302 = arith.constant 0 : i32
      %dma_start3A_303 = arith.constant 0 : i32
      %dma_start3A_304 = tpu.memref_slice %arg3[%dma_start3A_302, %dma_start3A_303] : memref<1000000x64xf32, #tpu.memory_space<hbm>> -> memref<1000000x64xf32, #tpu.memory_space<hbm>>
      tpu.enqueue_indirect_dma source(%dma_start3A_304 : memref<1000000x64xf32, #tpu.memory_space<hbm>>) target(%dma_start3A_298 : memref<128x64xf32, #tpu.memory_space<vmem>>) offsets(%dma_start3A_301 : memref<128xi32, #tpu.memory_space<vmem>>) semaphore(%arg7 : memref<!tpu.dma_semaphore, #tpu.memory_space<semaphore_mem>>)
      %mul3A_305 = arith.constant 4 : i32
      %mul3A_306 = arith.muli %add3A_289, %mul3A_305 : i32
      %add3A_307 = arith.constant 1 : i32
      %add3A_308 = arith.addi %mul3A_306, %add3A_307 : i32
      %dma_start3A_309 = arith.constant 0 : i32
      %dma_start3A_310 = arith.constant 128 : i32
      %dma_start3A_311 = arith.constant 0 : i32
      %dma_start3A_312 = tpu.memref_slice %arg6[%dma_start3A_309, %dma_start3A_310, %dma_start3A_311] : memref<2x512x64xf32, #tpu.memory_space<vmem>> -> memref<1x128x64xf32, #tpu.memory_space<vmem>>
      %dma_start3A_313 = tpu.memref_squeeze %dma_start3A_312 : memref<1x128x64xf32, #tpu.memory_space<vmem>> -> memref<128x64xf32, #tpu.memory_space<vmem>>
      %dma_start3A_314 = arith.constant 0 : i32
      %dma_start3A_315 = tpu.memref_slice %arg5[%add3A_308, %dma_start3A_314] : memref<200x128xi32, #tpu.memory_space<vmem>> -> memref<1x128xi32, #tpu.memory_space<vmem>>
      %dma_start3A_316 = tpu.memref_squeeze %dma_start3A_315 : memref<1x128xi32, #tpu.memory_space<vmem>> -> memref<128xi32, #tpu.memory_space<vmem>>
      %dma_start3A_317 = arith.constant 0 : i32
      %dma_start3A_318 = arith.constant 0 : i32
      %dma_start3A_319 = tpu.memref_slice %arg3[%dma_start3A_317, %dma_start3A_318] : memref<1000000x64xf32, #tpu.memory_space<hbm>> -> memref<1000000x64xf32, #tpu.memory_space<hbm>>
      tpu.enqueue_indirect_dma source(%dma_start3A_319 : memref<1000000x64xf32, #tpu.memory_space<hbm>>) target(%dma_start3A_313 : memref<128x64xf32, #tpu.memory_space<vmem>>) offsets(%dma_start3A_316 : memref<128xi32, #tpu.memory_space<vmem>>) semaphore(%arg7 : memref<!tpu.dma_semaphore, #tpu.memory_space<semaphore_mem>>)
      %mul3A_320 = arith.constant 4 : i32
      %mul3A_321 = arith.muli %add3A_289, %mul3A_320 : i32
      %add3A_322 = arith.constant 2 : i32
      %add3A_323 = arith.addi %mul3A_321, %add3A_322 : i32
      %dma_start3A_324 = arith.constant 0 : i32
      %dma_start3A_325 = arith.constant 256 : i32
      %dma_start3A_326 = arith.constant 0 : i32
      %dma_start3A_327 = tpu.memref_slice %arg6[%dma_start3A_324, %dma_start3A_325, %dma_start3A_326] : memref<2x512x64xf32, #tpu.memory_space<vmem>> -> memref<1x128x64xf32, #tpu.memory_space<vmem>>
      %dma_start3A_328 = tpu.memref_squeeze %dma_start3A_327 : memref<1x128x64xf32, #tpu.memory_space<vmem>> -> memref<128x64xf32, #tpu.memory_space<vmem>>
      %dma_start3A_329 = arith.constant 0 : i32
      %dma_start3A_330 = tpu.memref_slice %arg5[%add3A_323, %dma_start3A_329] : memref<200x128xi32, #tpu.memory_space<vmem>> -> memref<1x128xi32, #tpu.memory_space<vmem>>
      %dma_start3A_331 = tpu.memref_squeeze %dma_start3A_330 : memref<1x128xi32, #tpu.memory_space<vmem>> -> memref<128xi32, #tpu.memory_space<vmem>>
      %dma_start3A_332 = arith.constant 0 : i32
      %dma_start3A_333 = arith.constant 0 : i32
      %dma_start3A_334 = tpu.memref_slice %arg3[%dma_start3A_332, %dma_start3A_333] : memref<1000000x64xf32, #tpu.memory_space<hbm>> -> memref<1000000x64xf32, #tpu.memory_space<hbm>>
      tpu.enqueue_indirect_dma source(%dma_start3A_334 : memref<1000000x64xf32, #tpu.memory_space<hbm>>) target(%dma_start3A_328 : memref<128x64xf32, #tpu.memory_space<vmem>>) offsets(%dma_start3A_331 : memref<128xi32, #tpu.memory_space<vmem>>) semaphore(%arg7 : memref<!tpu.dma_semaphore, #tpu.memory_space<semaphore_mem>>)
      %mul3A_335 = arith.constant 4 : i32
      %mul3A_336 = arith.muli %add3A_289, %mul3A_335 : i32
      %add3A_337 = arith.constant 3 : i32
      %add3A_338 = arith.addi %mul3A_336, %add3A_337 : i32
      %dma_start3A_339 = arith.constant 0 : i32
      %dma_start3A_340 = arith.constant 384 : i32
      %dma_start3A_341 = arith.constant 0 : i32
      %dma_start3A_342 = tpu.memref_slice %arg6[%dma_start3A_339, %dma_start3A_340, %dma_start3A_341] : memref<2x512x64xf32, #tpu.memory_space<vmem>> -> memref<1x128x64xf32, #tpu.memory_space<vmem>>
      %dma_start3A_343 = tpu.memref_squeeze %dma_start3A_342 : memref<1x128x64xf32, #tpu.memory_space<vmem>> -> memref<128x64xf32, #tpu.memory_space<vmem>>
      %dma_start3A_344 = arith.constant 0 : i32
      %dma_start3A_345 = tpu.memref_slice %arg5[%add3A_338, %dma_start3A_344] : memref<200x128xi32, #tpu.memory_space<vmem>> -> memref<1x128xi32, #tpu.memory_space<vmem>>
      %dma_start3A_346 = tpu.memref_squeeze %dma_start3A_345 : memref<1x128xi32, #tpu.memory_space<vmem>> -> memref<128xi32, #tpu.memory_space<vmem>>
      %dma_start3A_347 = arith.constant 0 : i32
      %dma_start3A_348 = arith.constant 0 : i32
      %dma_start3A_349 = tpu.memref_slice %arg3[%dma_start3A_347, %dma_start3A_348] : memref<1000000x64xf32, #tpu.memory_space<hbm>> -> memref<1000000x64xf32, #tpu.memory_space<hbm>>
      tpu.enqueue_indirect_dma source(%dma_start3A_349 : memref<1000000x64xf32, #tpu.memory_space<hbm>>) target(%dma_start3A_343 : memref<128x64xf32, #tpu.memory_space<vmem>>) offsets(%dma_start3A_346 : memref<128xi32, #tpu.memory_space<vmem>>) semaphore(%arg7 : memref<!tpu.dma_semaphore, #tpu.memory_space<semaphore_mem>>)
      %mul3A_350 = arith.constant 2 : i32
      %mul3A_351 = arith.muli %mul3A_350, %scan3A_214 : i32
      %add3A_352 = arith.constant 1 : i32
      %add3A_353 = arith.addi %mul3A_351, %add3A_352 : i32
      %mul3A_354 = arith.constant 4 : i32
      %mul3A_355 = arith.muli %add3A_353, %mul3A_354 : i32
      %add3A_356 = arith.constant 0 : i32
      %add3A_357 = arith.addi %mul3A_355, %add3A_356 : i32
      %dma_wait3A_358 = arith.constant 1 : i32
      %dma_wait3A_359 = arith.constant 0 : i32
      %dma_wait3A_360 = arith.constant 0 : i32
      %dma_wait3A_361 = tpu.memref_slice %arg6[%dma_wait3A_358, %dma_wait3A_359, %dma_wait3A_360] : memref<2x512x64xf32, #tpu.memory_space<vmem>> -> memref<1x128x64xf32, #tpu.memory_space<vmem>>
      %dma_wait3A_362 = tpu.memref_squeeze %dma_wait3A_361 : memref<1x128x64xf32, #tpu.memory_space<vmem>> -> memref<128x64xf32, #tpu.memory_space<vmem>>
      %dma_wait3A_363 = arith.constant 0 : i32
      %dma_wait3A_364 = tpu.memref_slice %arg5[%add3A_357, %dma_wait3A_363] : memref<200x128xi32, #tpu.memory_space<vmem>> -> memref<1x128xi32, #tpu.memory_space<vmem>>
      %dma_wait3A_365 = tpu.memref_squeeze %dma_wait3A_364 : memref<1x128xi32, #tpu.memory_space<vmem>> -> memref<128xi32, #tpu.memory_space<vmem>>
      %dma_wait3A_366 = arith.constant 0 : i32
      %dma_wait3A_367 = arith.constant 0 : i32
      %dma_wait3A_368 = tpu.memref_slice %arg3[%dma_wait3A_366, %dma_wait3A_367] : memref<1000000x64xf32, #tpu.memory_space<hbm>> -> memref<1000000x64xf32, #tpu.memory_space<hbm>>
      tpu.wait_indirect_dma semaphore(%arg8 : memref<!tpu.dma_semaphore, #tpu.memory_space<semaphore_mem>>) src(%dma_wait3A_368 : memref<1000000x64xf32, #tpu.memory_space<hbm>>) dst(%dma_wait3A_362 : memref<128x64xf32, #tpu.memory_space<vmem>>)
      %mul3A_369 = arith.constant 4 : i32
      %mul3A_370 = arith.muli %add3A_353, %mul3A_369 : i32
      %add3A_371 = arith.constant 1 : i32
      %add3A_372 = arith.addi %mul3A_370, %add3A_371 : i32
      %dma_wait3A_373 = arith.constant 1 : i32
      %dma_wait3A_374 = arith.constant 128 : i32
      %dma_wait3A_375 = arith.constant 0 : i32
      %dma_wait3A_376 = tpu.memref_slice %arg6[%dma_wait3A_373, %dma_wait3A_374, %dma_wait3A_375] : memref<2x512x64xf32, #tpu.memory_space<vmem>> -> memref<1x128x64xf32, #tpu.memory_space<vmem>>
      %dma_wait3A_377 = tpu.memref_squeeze %dma_wait3A_376 : memref<1x128x64xf32, #tpu.memory_space<vmem>> -> memref<128x64xf32, #tpu.memory_space<vmem>>
      %dma_wait3A_378 = arith.constant 0 : i32
      %dma_wait3A_379 = tpu.memref_slice %arg5[%add3A_372, %dma_wait3A_378] : memref<200x128xi32, #tpu.memory_space<vmem>> -> memref<1x128xi32, #tpu.memory_space<vmem>>
      %dma_wait3A_380 = tpu.memref_squeeze %dma_wait3A_379 : memref<1x128xi32, #tpu.memory_space<vmem>> -> memref<128xi32, #tpu.memory_space<vmem>>
      %dma_wait3A_381 = arith.constant 0 : i32
      %dma_wait3A_382 = arith.constant 0 : i32
      %dma_wait3A_383 = tpu.memref_slice %arg3[%dma_wait3A_381, %dma_wait3A_382] : memref<1000000x64xf32, #tpu.memory_space<hbm>> -> memref<1000000x64xf32, #tpu.memory_space<hbm>>
      tpu.wait_indirect_dma semaphore(%arg8 : memref<!tpu.dma_semaphore, #tpu.memory_space<semaphore_mem>>) src(%dma_wait3A_383 : memref<1000000x64xf32, #tpu.memory_space<hbm>>) dst(%dma_wait3A_377 : memref<128x64xf32, #tpu.memory_space<vmem>>)
      %mul3A_384 = arith.constant 4 : i32
      %mul3A_385 = arith.muli %add3A_353, %mul3A_384 : i32
      %add3A_386 = arith.constant 2 : i32
      %add3A_387 = arith.addi %mul3A_385, %add3A_386 : i32
      %dma_wait3A_388 = arith.constant 1 : i32
      %dma_wait3A_389 = arith.constant 256 : i32
      %dma_wait3A_390 = arith.constant 0 : i32
      %dma_wait3A_391 = tpu.memref_slice %arg6[%dma_wait3A_388, %dma_wait3A_389, %dma_wait3A_390] : memref<2x512x64xf32, #tpu.memory_space<vmem>> -> memref<1x128x64xf32, #tpu.memory_space<vmem>>
      %dma_wait3A_392 = tpu.memref_squeeze %dma_wait3A_391 : memref<1x128x64xf32, #tpu.memory_space<vmem>> -> memref<128x64xf32, #tpu.memory_space<vmem>>
      %dma_wait3A_393 = arith.constant 0 : i32
      %dma_wait3A_394 = tpu.memref_slice %arg5[%add3A_387, %dma_wait3A_393] : memref<200x128xi32, #tpu.memory_space<vmem>> -> memref<1x128xi32, #tpu.memory_space<vmem>>
      %dma_wait3A_395 = tpu.memref_squeeze %dma_wait3A_394 : memref<1x128xi32, #tpu.memory_space<vmem>> -> memref<128xi32, #tpu.memory_space<vmem>>
      %dma_wait3A_396 = arith.constant 0 : i32
      %dma_wait3A_397 = arith.constant 0 : i32
      %dma_wait3A_398 = tpu.memref_slice %arg3[%dma_wait3A_396, %dma_wait3A_397] : memref<1000000x64xf32, #tpu.memory_space<hbm>> -> memref<1000000x64xf32, #tpu.memory_space<hbm>>
      tpu.wait_indirect_dma semaphore(%arg8 : memref<!tpu.dma_semaphore, #tpu.memory_space<semaphore_mem>>) src(%dma_wait3A_398 : memref<1000000x64xf32, #tpu.memory_space<hbm>>) dst(%dma_wait3A_392 : memref<128x64xf32, #tpu.memory_space<vmem>>)
      %mul3A_399 = arith.constant 4 : i32
      %mul3A_400 = arith.muli %add3A_353, %mul3A_399 : i32
      %add3A_401 = arith.constant 3 : i32
      %add3A_402 = arith.addi %mul3A_400, %add3A_401 : i32
      %dma_wait3A_403 = arith.constant 1 : i32
      %dma_wait3A_404 = arith.constant 384 : i32
      %dma_wait3A_405 = arith.constant 0 : i32
      %dma_wait3A_406 = tpu.memref_slice %arg6[%dma_wait3A_403, %dma_wait3A_404, %dma_wait3A_405] : memref<2x512x64xf32, #tpu.memory_space<vmem>> -> memref<1x128x64xf32, #tpu.memory_space<vmem>>
      %dma_wait3A_407 = tpu.memref_squeeze %dma_wait3A_406 : memref<1x128x64xf32, #tpu.memory_space<vmem>> -> memref<128x64xf32, #tpu.memory_space<vmem>>
      %dma_wait3A_408 = arith.constant 0 : i32
      %dma_wait3A_409 = tpu.memref_slice %arg5[%add3A_402, %dma_wait3A_408] : memref<200x128xi32, #tpu.memory_space<vmem>> -> memref<1x128xi32, #tpu.memory_space<vmem>>
      %dma_wait3A_410 = tpu.memref_squeeze %dma_wait3A_409 : memref<1x128xi32, #tpu.memory_space<vmem>> -> memref<128xi32, #tpu.memory_space<vmem>>
      %dma_wait3A_411 = arith.constant 0 : i32
      %dma_wait3A_412 = arith.constant 0 : i32
      %dma_wait3A_413 = tpu.memref_slice %arg3[%dma_wait3A_411, %dma_wait3A_412] : memref<1000000x64xf32, #tpu.memory_space<hbm>> -> memref<1000000x64xf32, #tpu.memory_space<hbm>>
      tpu.wait_indirect_dma semaphore(%arg8 : memref<!tpu.dma_semaphore, #tpu.memory_space<semaphore_mem>>) src(%dma_wait3A_413 : memref<1000000x64xf32, #tpu.memory_space<hbm>>) dst(%dma_wait3A_407 : memref<128x64xf32, #tpu.memory_space<vmem>>)
      %scan3A_414 = arith.constant 0 : i32
      %scan3A_415 = arith.constant 512 : i32
      %scan3A_416 = arith.addi %scan3A_414, %scan3A_415 : i32
      %scan3A_417 = arith.constant 8 : i32
      scf.for %scan3A_487 = %scan3A_414 to %scan3A_416 step %scan3A_417  : i32 {
        %get3A = arith.constant 1 : i32
        %get3A_488 = arith.index_cast %get3A : i32 to index
        %get3A_489 = arith.index_cast %scan3A_487 : i32 to index
        %get3A_490 = arith.constant 0 : index
        %get3A_491 = tpu.vector_load %arg6[%get3A_488, %get3A_489, %get3A_490] {strides = array<i32>} : memref<2x512x64xf32, #tpu.memory_space<vmem>>, vector<1x1x16xf32>,
        %get3A_492 = vector.shape_cast %get3A_491 : vector<1x1x16xf32> to vector<16xf32>
        %mul3A_493 = arith.constant 8.000000e+00 : f32
        %mul3A_494 = vector.broadcast %mul3A_493 : f32 to vector<16xf32>
        %mul3A_495 = arith.mulf %get3A_492, %mul3A_494 : vector<16xf32>
        %swap3A = arith.constant 1 : i32
        %swap3A_496 = arith.index_cast %swap3A : i32 to index
        %swap3A_497 = arith.index_cast %scan3A_487 : i32 to index
        %swap3A_498 = arith.constant 0 : index
        %swap3A_499 = tpu.vector_load %arg6[%swap3A_496, %swap3A_497, %swap3A_498] {strides = array<i32>} : memref<2x512x64xf32, #tpu.memory_space<vmem>>, vector<1x1x16xf32>,
        %swap3A_500 = vector.shape_cast %swap3A_499 : vector<1x1x16xf32> to vector<16xf32>
        %swap3A_501 = vector.shape_cast %mul3A_495 : vector<16xf32> to vector<1x1x16xf32>
        tpu.vector_store %arg6[%swap3A_496, %swap3A_497, %swap3A_498], %swap3A_501 {strides = array<i32>} : memref<2x512x64xf32, #tpu.memory_space<vmem>>, vector<1x1x16xf32>,
        %get3A_502 = arith.constant 1 : i32
        %get3A_503 = arith.index_cast %get3A_502 : i32 to index
        %get3A_504 = arith.index_cast %scan3A_487 : i32 to index
        %get3A_505 = arith.constant 16 : index
        %get3A_506 = tpu.vector_load %arg6[%get3A_503, %get3A_504, %get3A_505] {strides = array<i32>} : memref<2x512x64xf32, #tpu.memory_space<vmem>>, vector<1x1x16xf32>,
        %get3A_507 = vector.shape_cast %get3A_506 : vector<1x1x16xf32> to vector<16xf32>
        %mul3A_508 = arith.constant 8.000000e+00 : f32
        %mul3A_509 = vector.broadcast %mul3A_508 : f32 to vector<16xf32>
        %mul3A_510 = arith.mulf %get3A_507, %mul3A_509 : vector<16xf32>
        %swap3A_511 = arith.constant 1 : i32
        %swap3A_512 = arith.index_cast %swap3A_511 : i32 to index
        %swap3A_513 = arith.index_cast %scan3A_487 : i32 to index
        %swap3A_514 = arith.constant 16 : index
        %swap3A_515 = tpu.vector_load %arg6[%swap3A_512, %swap3A_513, %swap3A_514] {strides = array<i32>} : memref<2x512x64xf32, #tpu.memory_space<vmem>>, vector<1x1x16xf32>,
        %swap3A_516 = vector.shape_cast %swap3A_515 : vector<1x1x16xf32> to vector<16xf32>
        %swap3A_517 = vector.shape_cast %mul3A_510 : vector<16xf32> to vector<1x1x16xf32>
        tpu.vector_store %arg6[%swap3A_512, %swap3A_513, %swap3A_514], %swap3A_517 {strides = array<i32>} : memref<2x512x64xf32, #tpu.memory_space<vmem>>, vector<1x1x16xf32>,
        %get3A_518 = arith.constant 1 : i32
        %get3A_519 = arith.index_cast %get3A_518 : i32 to index
        %get3A_520 = arith.index_cast %scan3A_487 : i32 to index
        %get3A_521 = arith.constant 32 : index
        %get3A_522 = tpu.vector_load %arg6[%get3A_519, %get3A_520, %get3A_521] {strides = array<i32>} : memref<2x512x64xf32, #tpu.memory_space<vmem>>, vector<1x1x16xf32>,
        %get3A_523 = vector.shape_cast %get3A_522 : vector<1x1x16xf32> to vector<16xf32>
        %mul3A_524 = arith.constant 8.000000e+00 : f32
        %mul3A_525 = vector.broadcast %mul3A_524 : f32 to vector<16xf32>
        %mul3A_526 = arith.mulf %get3A_523, %mul3A_525 : vector<16xf32>
        %swap3A_527 = arith.constant 1 : i32
        %swap3A_528 = arith.index_cast %swap3A_527 : i32 to index
        %swap3A_529 = arith.index_cast %scan3A_487 : i32 to index
        %swap3A_530 = arith.constant 32 : index
        %swap3A_531 = tpu.vector_load %arg6[%swap3A_528, %swap3A_529, %swap3A_530] {strides = array<i32>} : memref<2x512x64xf32, #tpu.memory_space<vmem>>, vector<1x1x16xf32>,
        %swap3A_532 = vector.shape_cast %swap3A_531 : vector<1x1x16xf32> to vector<16xf32>
        %swap3A_533 = vector.shape_cast %mul3A_526 : vector<16xf32> to vector<1x1x16xf32>
        tpu.vector_store %arg6[%swap3A_528, %swap3A_529, %swap3A_530], %swap3A_533 {strides = array<i32>} : memref<2x512x64xf32, #tpu.memory_space<vmem>>, vector<1x1x16xf32>,
        %get3A_534 = arith.constant 1 : i32
        %get3A_535 = arith.index_cast %get3A_534 : i32 to index
        %get3A_536 = arith.index_cast %scan3A_487 : i32 to index
        %get3A_537 = arith.constant 48 : index
        %get3A_538 = tpu.vector_load %arg6[%get3A_535, %get3A_536, %get3A_537] {strides = array<i32>} : memref<2x512x64xf32, #tpu.memory_space<vmem>>, vector<1x1x16xf32>,
        %get3A_539 = vector.shape_cast %get3A_538 : vector<1x1x16xf32> to vector<16xf32>
        %mul3A_540 = arith.constant 8.000000e+00 : f32
        %mul3A_541 = vector.broadcast %mul3A_540 : f32 to vector<16xf32>
        %mul3A_542 = arith.mulf %get3A_539, %mul3A_541 : vector<16xf32>
        %swap3A_543 = arith.constant 1 : i32
        %swap3A_544 = arith.index_cast %swap3A_543 : i32 to index
        %swap3A_545 = arith.index_cast %scan3A_487 : i32 to index
        %swap3A_546 = arith.constant 48 : index
        %swap3A_547 = tpu.vector_load %arg6[%swap3A_544, %swap3A_545, %swap3A_546] {strides = array<i32>} : memref<2x512x64xf32, #tpu.memory_space<vmem>>, vector<1x1x16xf32>,
        %swap3A_548 = vector.shape_cast %swap3A_547 : vector<1x1x16xf32> to vector<16xf32>
        %swap3A_549 = vector.shape_cast %mul3A_542 : vector<16xf32> to vector<1x1x16xf32>
        tpu.vector_store %arg6[%swap3A_544, %swap3A_545, %swap3A_546], %swap3A_549 {strides = array<i32>} : memref<2x512x64xf32, #tpu.memory_space<vmem>>, vector<1x1x16xf32>,
        %scan3A_550 = arith.constant 1 : i32
        %scan3A_551 = arith.addi %scan3A_487, %scan3A_550 : i32
        %get3A_552 = arith.constant 1 : i32
        %get3A_553 = arith.index_cast %get3A_552 : i32 to index
        %get3A_554 = arith.index_cast %scan3A_551 : i32 to index
        %get3A_555 = arith.constant 0 : index
        %get3A_556 = tpu.vector_load %arg6[%get3A_553, %get3A_554, %get3A_555] {strides = array<i32>} : memref<2x512x64xf32, #tpu.memory_space<vmem>>, vector<1x1x16xf32>,
        %get3A_557 = vector.shape_cast %get3A_556 : vector<1x1x16xf32> to vector<16xf32>
        %mul3A_558 = arith.constant 8.000000e+00 : f32
        %mul3A_559 = vector.broadcast %mul3A_558 : f32 to vector<16xf32>
        %mul3A_560 = arith.mulf %get3A_557, %mul3A_559 : vector<16xf32>
        %swap3A_561 = arith.constant 1 : i32
        %swap3A_562 = arith.index_cast %swap3A_561 : i32 to index
        %swap3A_563 = arith.index_cast %scan3A_551 : i32 to index
        %swap3A_564 = arith.constant 0 : index
        %swap3A_565 = tpu.vector_load %arg6[%swap3A_562, %swap3A_563, %swap3A_564] {strides = array<i32>} : memref<2x512x64xf32, #tpu.memory_space<vmem>>, vector<1x1x16xf32>,
        %swap3A_566 = vector.shape_cast %swap3A_565 : vector<1x1x16xf32> to vector<16xf32>
        %swap3A_567 = vector.shape_cast %mul3A_560 : vector<16xf32> to vector<1x1x16xf32>
        tpu.vector_store %arg6[%swap3A_562, %swap3A_563, %swap3A_564], %swap3A_567 {strides = array<i32>} : memref<2x512x64xf32, #tpu.memory_space<vmem>>, vector<1x1x16xf32>,
        %get3A_568 = arith.constant 1 : i32
        %get3A_569 = arith.index_cast %get3A_568 : i32 to index
        %get3A_570 = arith.index_cast %scan3A_551 : i32 to index
        %get3A_571 = arith.constant 16 : index
        %get3A_572 = tpu.vector_load %arg6[%get3A_569, %get3A_570, %get3A_571] {strides = array<i32>} : memref<2x512x64xf32, #tpu.memory_space<vmem>>, vector<1x1x16xf32>,
        %get3A_573 = vector.shape_cast %get3A_572 : vector<1x1x16xf32> to vector<16xf32>
        %mul3A_574 = arith.constant 8.000000e+00 : f32
        %mul3A_575 = vector.broadcast %mul3A_574 : f32 to vector<16xf32>
        %mul3A_576 = arith.mulf %get3A_573, %mul3A_575 : vector<16xf32>
        %swap3A_577 = arith.constant 1 : i32
        %swap3A_578 = arith.index_cast %swap3A_577 : i32 to index
        %swap3A_579 = arith.index_cast %scan3A_551 : i32 to index
        %swap3A_580 = arith.constant 16 : index
        %swap3A_581 = tpu.vector_load %arg6[%swap3A_578, %swap3A_579, %swap3A_580] {strides = array<i32>} : memref<2x512x64xf32, #tpu.memory_space<vmem>>, vector<1x1x16xf32>,
        %swap3A_582 = vector.shape_cast %swap3A_581 : vector<1x1x16xf32> to vector<16xf32>
        %swap3A_583 = vector.shape_cast %mul3A_576 : vector<16xf32> to vector<1x1x16xf32>
        tpu.vector_store %arg6[%swap3A_578, %swap3A_579, %swap3A_580], %swap3A_583 {strides = array<i32>} : memref<2x512x64xf32, #tpu.memory_space<vmem>>, vector<1x1x16xf32>,
        %get3A_584 = arith.constant 1 : i32
        %get3A_585 = arith.index_cast %get3A_584 : i32 to index
        %get3A_586 = arith.index_cast %scan3A_551 : i32 to index
        %get3A_587 = arith.constant 32 : index
        %get3A_588 = tpu.vector_load %arg6[%get3A_585, %get3A_586, %get3A_587] {strides = array<i32>} : memref<2x512x64xf32, #tpu.memory_space<vmem>>, vector<1x1x16xf32>,
        %get3A_589 = vector.shape_cast %get3A_588 : vector<1x1x16xf32> to vector<16xf32>
        %mul3A_590 = arith.constant 8.000000e+00 : f32
        %mul3A_591 = vector.broadcast %mul3A_590 : f32 to vector<16xf32>
        %mul3A_592 = arith.mulf %get3A_589, %mul3A_591 : vector<16xf32>
        %swap3A_593 = arith.constant 1 : i32
        %swap3A_594 = arith.index_cast %swap3A_593 : i32 to index
        %swap3A_595 = arith.index_cast %scan3A_551 : i32 to index
        %swap3A_596 = arith.constant 32 : index
        %swap3A_597 = tpu.vector_load %arg6[%swap3A_594, %swap3A_595, %swap3A_596] {strides = array<i32>} : memref<2x512x64xf32, #tpu.memory_space<vmem>>, vector<1x1x16xf32>,
        %swap3A_598 = vector.shape_cast %swap3A_597 : vector<1x1x16xf32> to vector<16xf32>
        %swap3A_599 = vector.shape_cast %mul3A_592 : vector<16xf32> to vector<1x1x16xf32>
        tpu.vector_store %arg6[%swap3A_594, %swap3A_595, %swap3A_596], %swap3A_599 {strides = array<i32>} : memref<2x512x64xf32, #tpu.memory_space<vmem>>, vector<1x1x16xf32>,
        %get3A_600 = arith.constant 1 : i32
        %get3A_601 = arith.index_cast %get3A_600 : i32 to index
        %get3A_602 = arith.index_cast %scan3A_551 : i32 to index
        %get3A_603 = arith.constant 48 : index
        %get3A_604 = tpu.vector_load %arg6[%get3A_601, %get3A_602, %get3A_603] {strides = array<i32>} : memref<2x512x64xf32, #tpu.memory_space<vmem>>, vector<1x1x16xf32>,
        %get3A_605 = vector.shape_cast %get3A_604 : vector<1x1x16xf32> to vector<16xf32>
        %mul3A_606 = arith.constant 8.000000e+00 : f32
        %mul3A_607 = vector.broadcast %mul3A_606 : f32 to vector<16xf32>
        %mul3A_608 = arith.mulf %get3A_605, %mul3A_607 : vector<16xf32>
        %swap3A_609 = arith.constant 1 : i32
        %swap3A_610 = arith.index_cast %swap3A_609 : i32 to index
        %swap3A_611 = arith.index_cast %scan3A_551 : i32 to index
        %swap3A_612 = arith.constant 48 : index
        %swap3A_613 = tpu.vector_load %arg6[%swap3A_610, %swap3A_611, %swap3A_612] {strides = array<i32>} : memref<2x512x64xf32, #tpu.memory_space<vmem>>, vector<1x1x16xf32>,
        %swap3A_614 = vector.shape_cast %swap3A_613 : vector<1x1x16xf32> to vector<16xf32>
        %swap3A_615 = vector.shape_cast %mul3A_608 : vector<16xf32> to vector<1x1x16xf32>
        tpu.vector_store %arg6[%swap3A_610, %swap3A_611, %swap3A_612], %swap3A_615 {strides = array<i32>} : memref<2x512x64xf32, #tpu.memory_space<vmem>>, vector<1x1x16xf32>,
        %scan3A_616 = arith.constant 2 : i32
        %scan3A_617 = arith.addi %scan3A_487, %scan3A_616 : i32
        %get3A_618 = arith.constant 1 : i32
        %get3A_619 = arith.index_cast %get3A_618 : i32 to index
        %get3A_620 = arith.index_cast %scan3A_617 : i32 to index
        %get3A_621 = arith.constant 0 : index
        %get3A_622 = tpu.vector_load %arg6[%get3A_619, %get3A_620, %get3A_621] {strides = array<i32>} : memref<2x512x64xf32, #tpu.memory_space<vmem>>, vector<1x1x16xf32>,
        %get3A_623 = vector.shape_cast %get3A_622 : vector<1x1x16xf32> to vector<16xf32>
        %mul3A_624 = arith.constant 8.000000e+00 : f32
        %mul3A_625 = vector.broadcast %mul3A_624 : f32 to vector<16xf32>
        %mul3A_626 = arith.mulf %get3A_623, %mul3A_625 : vector<16xf32>
        %swap3A_627 = arith.constant 1 : i32
        %swap3A_628 = arith.index_cast %swap3A_627 : i32 to index
        %swap3A_629 = arith.index_cast %scan3A_617 : i32 to index
        %swap3A_630 = arith.constant 0 : index
        %swap3A_631 = tpu.vector_load %arg6[%swap3A_628, %swap3A_629, %swap3A_630] {strides = array<i32>} : memref<2x512x64xf32, #tpu.memory_space<vmem>>, vector<1x1x16xf32>,
        %swap3A_632 = vector.shape_cast %swap3A_631 : vector<1x1x16xf32> to vector<16xf32>
        %swap3A_633 = vector.shape_cast %mul3A_626 : vector<16xf32> to vector<1x1x16xf32>
        tpu.vector_store %arg6[%swap3A_628, %swap3A_629, %swap3A_630], %swap3A_633 {strides = array<i32>} : memref<2x512x64xf32, #tpu.memory_space<vmem>>, vector<1x1x16xf32>,
        %get3A_634 = arith.constant 1 : i32
        %get3A_635 = arith.index_cast %get3A_634 : i32 to index
        %get3A_636 = arith.index_cast %scan3A_617 : i32 to index
        %get3A_637 = arith.constant 16 : index
        %get3A_638 = tpu.vector_load %arg6[%get3A_635, %get3A_636, %get3A_637] {strides = array<i32>} : memref<2x512x64xf32, #tpu.memory_space<vmem>>, vector<1x1x16xf32>,
        %get3A_639 = vector.shape_cast %get3A_638 : vector<1x1x16xf32> to vector<16xf32>
        %mul3A_640 = arith.constant 8.000000e+00 : f32
        %mul3A_641 = vector.broadcast %mul3A_640 : f32 to vector<16xf32>
        %mul3A_642 = arith.mulf %get3A_639, %mul3A_641 : vector<16xf32>
        %swap3A_643 = arith.constant 1 : i32
        %swap3A_644 = arith.index_cast %swap3A_643 : i32 to index
        %swap3A_645 = arith.index_cast %scan3A_617 : i32 to index
        %swap3A_646 = arith.constant 16 : index
        %swap3A_647 = tpu.vector_load %arg6[%swap3A_644, %swap3A_645, %swap3A_646] {strides = array<i32>} : memref<2x512x64xf32, #tpu.memory_space<vmem>>, vector<1x1x16xf32>,
        %swap3A_648 = vector.shape_cast %swap3A_647 : vector<1x1x16xf32> to vector<16xf32>
        %swap3A_649 = vector.shape_cast %mul3A_642 : vector<16xf32> to vector<1x1x16xf32>
        tpu.vector_store %arg6[%swap3A_644, %swap3A_645, %swap3A_646], %swap3A_649 {strides = array<i32>} : memref<2x512x64xf32, #tpu.memory_space<vmem>>, vector<1x1x16xf32>,
        %get3A_650 = arith.constant 1 : i32
        %get3A_651 = arith.index_cast %get3A_650 : i32 to index
        %get3A_652 = arith.index_cast %scan3A_617 : i32 to index
        %get3A_653 = arith.constant 32 : index
        %get3A_654 = tpu.vector_load %arg6[%get3A_651, %get3A_652, %get3A_653] {strides = array<i32>} : memref<2x512x64xf32, #tpu.memory_space<vmem>>, vector<1x1x16xf32>,
        %get3A_655 = vector.shape_cast %get3A_654 : vector<1x1x16xf32> to vector<16xf32>
        %mul3A_656 = arith.constant 8.000000e+00 : f32
        %mul3A_657 = vector.broadcast %mul3A_656 : f32 to vector<16xf32>
        %mul3A_658 = arith.mulf %get3A_655, %mul3A_657 : vector<16xf32>
        %swap3A_659 = arith.constant 1 : i32
        %swap3A_660 = arith.index_cast %swap3A_659 : i32 to index
        %swap3A_661 = arith.index_cast %scan3A_617 : i32 to index
        %swap3A_662 = arith.constant 32 : index
        %swap3A_663 = tpu.vector_load %arg6[%swap3A_660, %swap3A_661, %swap3A_662] {strides = array<i32>} : memref<2x512x64xf32, #tpu.memory_space<vmem>>, vector<1x1x16xf32>,
        %swap3A_664 = vector.shape_cast %swap3A_663 : vector<1x1x16xf32> to vector<16xf32>
        %swap3A_665 = vector.shape_cast %mul3A_658 : vector<16xf32> to vector<1x1x16xf32>
        tpu.vector_store %arg6[%swap3A_660, %swap3A_661, %swap3A_662], %swap3A_665 {strides = array<i32>} : memref<2x512x64xf32, #tpu.memory_space<vmem>>, vector<1x1x16xf32>,
        %get3A_666 = arith.constant 1 : i32
        %get3A_667 = arith.index_cast %get3A_666 : i32 to index
        %get3A_668 = arith.index_cast %scan3A_617 : i32 to index
        %get3A_669 = arith.constant 48 : index
        %get3A_670 = tpu.vector_load %arg6[%get3A_667, %get3A_668, %get3A_669] {strides = array<i32>} : memref<2x512x64xf32, #tpu.memory_space<vmem>>, vector<1x1x16xf32>,
        %get3A_671 = vector.shape_cast %get3A_670 : vector<1x1x16xf32> to vector<16xf32>
        %mul3A_672 = arith.constant 8.000000e+00 : f32
        %mul3A_673 = vector.broadcast %mul3A_672 : f32 to vector<16xf32>
        %mul3A_674 = arith.mulf %get3A_671, %mul3A_673 : vector<16xf32>
        %swap3A_675 = arith.constant 1 : i32
        %swap3A_676 = arith.index_cast %swap3A_675 : i32 to index
        %swap3A_677 = arith.index_cast %scan3A_617 : i32 to index
        %swap3A_678 = arith.constant 48 : index
        %swap3A_679 = tpu.vector_load %arg6[%swap3A_676, %swap3A_677, %swap3A_678] {strides = array<i32>} : memref<2x512x64xf32, #tpu.memory_space<vmem>>, vector<1x1x16xf32>,
        %swap3A_680 = vector.shape_cast %swap3A_679 : vector<1x1x16xf32> to vector<16xf32>
        %swap3A_681 = vector.shape_cast %mul3A_674 : vector<16xf32> to vector<1x1x16xf32>
        tpu.vector_store %arg6[%swap3A_676, %swap3A_677, %swap3A_678], %swap3A_681 {strides = array<i32>} : memref<2x512x64xf32, #tpu.memory_space<vmem>>, vector<1x1x16xf32>,
        %scan3A_682 = arith.constant 3 : i32
        %scan3A_683 = arith.addi %scan3A_487, %scan3A_682 : i32
        %get3A_684 = arith.constant 1 : i32
        %get3A_685 = arith.index_cast %get3A_684 : i32 to index
        %get3A_686 = arith.index_cast %scan3A_683 : i32 to index
        %get3A_687 = arith.constant 0 : index
        %get3A_688 = tpu.vector_load %arg6[%get3A_685, %get3A_686, %get3A_687] {strides = array<i32>} : memref<2x512x64xf32, #tpu.memory_space<vmem>>, vector<1x1x16xf32>,
        %get3A_689 = vector.shape_cast %get3A_688 : vector<1x1x16xf32> to vector<16xf32>
        %mul3A_690 = arith.constant 8.000000e+00 : f32
        %mul3A_691 = vector.broadcast %mul3A_690 : f32 to vector<16xf32>
        %mul3A_692 = arith.mulf %get3A_689, %mul3A_691 : vector<16xf32>
        %swap3A_693 = arith.constant 1 : i32
        %swap3A_694 = arith.index_cast %swap3A_693 : i32 to index
        %swap3A_695 = arith.index_cast %scan3A_683 : i32 to index
        %swap3A_696 = arith.constant 0 : index
        %swap3A_697 = tpu.vector_load %arg6[%swap3A_694, %swap3A_695, %swap3A_696] {strides = array<i32>} : memref<2x512x64xf32, #tpu.memory_space<vmem>>, vector<1x1x16xf32>,
        %swap3A_698 = vector.shape_cast %swap3A_697 : vector<1x1x16xf32> to vector<16xf32>
        %swap3A_699 = vector.shape_cast %mul3A_692 : vector<16xf32> to vector<1x1x16xf32>
        tpu.vector_store %arg6[%swap3A_694, %swap3A_695, %swap3A_696], %swap3A_699 {strides = array<i32>} : memref<2x512x64xf32, #tpu.memory_space<vmem>>, vector<1x1x16xf32>,
        %get3A_700 = arith.constant 1 : i32
        %get3A_701 = arith.index_cast %get3A_700 : i32 to index
        %get3A_702 = arith.index_cast %scan3A_683 : i32 to index
        %get3A_703 = arith.constant 16 : index
        %get3A_704 = tpu.vector_load %arg6[%get3A_701, %get3A_702, %get3A_703] {strides = array<i32>} : memref<2x512x64xf32, #tpu.memory_space<vmem>>, vector<1x1x16xf32>,
        %get3A_705 = vector.shape_cast %get3A_704 : vector<1x1x16xf32> to vector<16xf32>
        %mul3A_706 = arith.constant 8.000000e+00 : f32
        %mul3A_707 = vector.broadcast %mul3A_706 : f32 to vector<16xf32>
        %mul3A_708 = arith.mulf %get3A_705, %mul3A_707 : vector<16xf32>
        %swap3A_709 = arith.constant 1 : i32
        %swap3A_710 = arith.index_cast %swap3A_709 : i32 to index
        %swap3A_711 = arith.index_cast %scan3A_683 : i32 to index
        %swap3A_712 = arith.constant 16 : index
        %swap3A_713 = tpu.vector_load %arg6[%swap3A_710, %swap3A_711, %swap3A_712] {strides = array<i32>} : memref<2x512x64xf32, #tpu.memory_space<vmem>>, vector<1x1x16xf32>,
        %swap3A_714 = vector.shape_cast %swap3A_713 : vector<1x1x16xf32> to vector<16xf32>
        %swap3A_715 = vector.shape_cast %mul3A_708 : vector<16xf32> to vector<1x1x16xf32>
        tpu.vector_store %arg6[%swap3A_710, %swap3A_711, %swap3A_712], %swap3A_715 {strides = array<i32>} : memref<2x512x64xf32, #tpu.memory_space<vmem>>, vector<1x1x16xf32>,
        %get3A_716 = arith.constant 1 : i32
        %get3A_717 = arith.index_cast %get3A_716 : i32 to index
        %get3A_718 = arith.index_cast %scan3A_683 : i32 to index
        %get3A_719 = arith.constant 32 : index
        %get3A_720 = tpu.vector_load %arg6[%get3A_717, %get3A_718, %get3A_719] {strides = array<i32>} : memref<2x512x64xf32, #tpu.memory_space<vmem>>, vector<1x1x16xf32>,
        %get3A_721 = vector.shape_cast %get3A_720 : vector<1x1x16xf32> to vector<16xf32>
        %mul3A_722 = arith.constant 8.000000e+00 : f32
        %mul3A_723 = vector.broadcast %mul3A_722 : f32 to vector<16xf32>
        %mul3A_724 = arith.mulf %get3A_721, %mul3A_723 : vector<16xf32>
        %swap3A_725 = arith.constant 1 : i32
        %swap3A_726 = arith.index_cast %swap3A_725 : i32 to index
        %swap3A_727 = arith.index_cast %scan3A_683 : i32 to index
        %swap3A_728 = arith.constant 32 : index
        %swap3A_729 = tpu.vector_load %arg6[%swap3A_726, %swap3A_727, %swap3A_728] {strides = array<i32>} : memref<2x512x64xf32, #tpu.memory_space<vmem>>, vector<1x1x16xf32>,
        %swap3A_730 = vector.shape_cast %swap3A_729 : vector<1x1x16xf32> to vector<16xf32>
        %swap3A_731 = vector.shape_cast %mul3A_724 : vector<16xf32> to vector<1x1x16xf32>
        tpu.vector_store %arg6[%swap3A_726, %swap3A_727, %swap3A_728], %swap3A_731 {strides = array<i32>} : memref<2x512x64xf32, #tpu.memory_space<vmem>>, vector<1x1x16xf32>,
        %get3A_732 = arith.constant 1 : i32
        %get3A_733 = arith.index_cast %get3A_732 : i32 to index
        %get3A_734 = arith.index_cast %scan3A_683 : i32 to index
        %get3A_735 = arith.constant 48 : index
        %get3A_736 = tpu.vector_load %arg6[%get3A_733, %get3A_734, %get3A_735] {strides = array<i32>} : memref<2x512x64xf32, #tpu.memory_space<vmem>>, vector<1x1x16xf32>,
        %get3A_737 = vector.shape_cast %get3A_736 : vector<1x1x16xf32> to vector<16xf32>
        %mul3A_738 = arith.constant 8.000000e+00 : f32
        %mul3A_739 = vector.broadcast %mul3A_738 : f32 to vector<16xf32>
        %mul3A_740 = arith.mulf %get3A_737, %mul3A_739 : vector<16xf32>
        %swap3A_741 = arith.constant 1 : i32
        %swap3A_742 = arith.index_cast %swap3A_741 : i32 to index
        %swap3A_743 = arith.index_cast %scan3A_683 : i32 to index
        %swap3A_744 = arith.constant 48 : index
        %swap3A_745 = tpu.vector_load %arg6[%swap3A_742, %swap3A_743, %swap3A_744] {strides = array<i32>} : memref<2x512x64xf32, #tpu.memory_space<vmem>>, vector<1x1x16xf32>,
        %swap3A_746 = vector.shape_cast %swap3A_745 : vector<1x1x16xf32> to vector<16xf32>
        %swap3A_747 = vector.shape_cast %mul3A_740 : vector<16xf32> to vector<1x1x16xf32>
        tpu.vector_store %arg6[%swap3A_742, %swap3A_743, %swap3A_744], %swap3A_747 {strides = array<i32>} : memref<2x512x64xf32, #tpu.memory_space<vmem>>, vector<1x1x16xf32>,
        %scan3A_748 = arith.constant 4 : i32
        %scan3A_749 = arith.addi %scan3A_487, %scan3A_748 : i32
        %get3A_750 = arith.constant 1 : i32
        %get3A_751 = arith.index_cast %get3A_750 : i32 to index
        %get3A_752 = arith.index_cast %scan3A_749 : i32 to index
        %get3A_753 = arith.constant 0 : index
        %get3A_754 = tpu.vector_load %arg6[%get3A_751, %get3A_752, %get3A_753] {strides = array<i32>} : memref<2x512x64xf32, #tpu.memory_space<vmem>>, vector<1x1x16xf32>,
        %get3A_755 = vector.shape_cast %get3A_754 : vector<1x1x16xf32> to vector<16xf32>
        %mul3A_756 = arith.constant 8.000000e+00 : f32
        %mul3A_757 = vector.broadcast %mul3A_756 : f32 to vector<16xf32>
        %mul3A_758 = arith.mulf %get3A_755, %mul3A_757 : vector<16xf32>
        %swap3A_759 = arith.constant 1 : i32
        %swap3A_760 = arith.index_cast %swap3A_759 : i32 to index
        %swap3A_761 = arith.index_cast %scan3A_749 : i32 to index
        %swap3A_762 = arith.constant 0 : index
        %swap3A_763 = tpu.vector_load %arg6[%swap3A_760, %swap3A_761, %swap3A_762] {strides = array<i32>} : memref<2x512x64xf32, #tpu.memory_space<vmem>>, vector<1x1x16xf32>,
        %swap3A_764 = vector.shape_cast %swap3A_763 : vector<1x1x16xf32> to vector<16xf32>
        %swap3A_765 = vector.shape_cast %mul3A_758 : vector<16xf32> to vector<1x1x16xf32>
        tpu.vector_store %arg6[%swap3A_760, %swap3A_761, %swap3A_762], %swap3A_765 {strides = array<i32>} : memref<2x512x64xf32, #tpu.memory_space<vmem>>, vector<1x1x16xf32>,
        %get3A_766 = arith.constant 1 : i32
        %get3A_767 = arith.index_cast %get3A_766 : i32 to index
        %get3A_768 = arith.index_cast %scan3A_749 : i32 to index
        %get3A_769 = arith.constant 16 : index
        %get3A_770 = tpu.vector_load %arg6[%get3A_767, %get3A_768, %get3A_769] {strides = array<i32>} : memref<2x512x64xf32, #tpu.memory_space<vmem>>, vector<1x1x16xf32>,
        %get3A_771 = vector.shape_cast %get3A_770 : vector<1x1x16xf32> to vector<16xf32>
        %mul3A_772 = arith.constant 8.000000e+00 : f32
        %mul3A_773 = vector.broadcast %mul3A_772 : f32 to vector<16xf32>
        %mul3A_774 = arith.mulf %get3A_771, %mul3A_773 : vector<16xf32>
        %swap3A_775 = arith.constant 1 : i32
        %swap3A_776 = arith.index_cast %swap3A_775 : i32 to index
        %swap3A_777 = arith.index_cast %scan3A_749 : i32 to index
        %swap3A_778 = arith.constant 16 : index
        %swap3A_779 = tpu.vector_load %arg6[%swap3A_776, %swap3A_777, %swap3A_778] {strides = array<i32>} : memref<2x512x64xf32, #tpu.memory_space<vmem>>, vector<1x1x16xf32>,
        %swap3A_780 = vector.shape_cast %swap3A_779 : vector<1x1x16xf32> to vector<16xf32>
        %swap3A_781 = vector.shape_cast %mul3A_774 : vector<16xf32> to vector<1x1x16xf32>
        tpu.vector_store %arg6[%swap3A_776, %swap3A_777, %swap3A_778], %swap3A_781 {strides = array<i32>} : memref<2x512x64xf32, #tpu.memory_space<vmem>>, vector<1x1x16xf32>,
        %get3A_782 = arith.constant 1 : i32
        %get3A_783 = arith.index_cast %get3A_782 : i32 to index
        %get3A_784 = arith.index_cast %scan3A_749 : i32 to index
        %get3A_785 = arith.constant 32 : index
        %get3A_786 = tpu.vector_load %arg6[%get3A_783, %get3A_784, %get3A_785] {strides = array<i32>} : memref<2x512x64xf32, #tpu.memory_space<vmem>>, vector<1x1x16xf32>,
        %get3A_787 = vector.shape_cast %get3A_786 : vector<1x1x16xf32> to vector<16xf32>
        %mul3A_788 = arith.constant 8.000000e+00 : f32
        %mul3A_789 = vector.broadcast %mul3A_788 : f32 to vector<16xf32>
        %mul3A_790 = arith.mulf %get3A_787, %mul3A_789 : vector<16xf32>
        %swap3A_791 = arith.constant 1 : i32
        %swap3A_792 = arith.index_cast %swap3A_791 : i32 to index
        %swap3A_793 = arith.index_cast %scan3A_749 : i32 to index
        %swap3A_794 = arith.constant 32 : index
        %swap3A_795 = tpu.vector_load %arg6[%swap3A_792, %swap3A_793, %swap3A_794] {strides = array<i32>} : memref<2x512x64xf32, #tpu.memory_space<vmem>>, vector<1x1x16xf32>,
        %swap3A_796 = vector.shape_cast %swap3A_795 : vector<1x1x16xf32> to vector<16xf32>
        %swap3A_797 = vector.shape_cast %mul3A_790 : vector<16xf32> to vector<1x1x16xf32>
        tpu.vector_store %arg6[%swap3A_792, %swap3A_793, %swap3A_794], %swap3A_797 {strides = array<i32>} : memref<2x512x64xf32, #tpu.memory_space<vmem>>, vector<1x1x16xf32>,
        %get3A_798 = arith.constant 1 : i32
        %get3A_799 = arith.index_cast %get3A_798 : i32 to index
        %get3A_800 = arith.index_cast %scan3A_749 : i32 to index
        %get3A_801 = arith.constant 48 : index
        %get3A_802 = tpu.vector_load %arg6[%get3A_799, %get3A_800, %get3A_801] {strides = array<i32>} : memref<2x512x64xf32, #tpu.memory_space<vmem>>, vector<1x1x16xf32>,
        %get3A_803 = vector.shape_cast %get3A_802 : vector<1x1x16xf32> to vector<16xf32>
        %mul3A_804 = arith.constant 8.000000e+00 : f32
        %mul3A_805 = vector.broadcast %mul3A_804 : f32 to vector<16xf32>
        %mul3A_806 = arith.mulf %get3A_803, %mul3A_805 : vector<16xf32>
        %swap3A_807 = arith.constant 1 : i32
        %swap3A_808 = arith.index_cast %swap3A_807 : i32 to index
        %swap3A_809 = arith.index_cast %scan3A_749 : i32 to index
        %swap3A_810 = arith.constant 48 : index
        %swap3A_811 = tpu.vector_load %arg6[%swap3A_808, %swap3A_809, %swap3A_810] {strides = array<i32>} : memref<2x512x64xf32, #tpu.memory_space<vmem>>, vector<1x1x16xf32>,
        %swap3A_812 = vector.shape_cast %swap3A_811 : vector<1x1x16xf32> to vector<16xf32>
        %swap3A_813 = vector.shape_cast %mul3A_806 : vector<16xf32> to vector<1x1x16xf32>
        tpu.vector_store %arg6[%swap3A_808, %swap3A_809, %swap3A_810], %swap3A_813 {strides = array<i32>} : memref<2x512x64xf32, #tpu.memory_space<vmem>>, vector<1x1x16xf32>,
        %scan3A_814 = arith.constant 5 : i32
        %scan3A_815 = arith.addi %scan3A_487, %scan3A_814 : i32
        %get3A_816 = arith.constant 1 : i32
        %get3A_817 = arith.index_cast %get3A_816 : i32 to index
        %get3A_818 = arith.index_cast %scan3A_815 : i32 to index
        %get3A_819 = arith.constant 0 : index
        %get3A_820 = tpu.vector_load %arg6[%get3A_817, %get3A_818, %get3A_819] {strides = array<i32>} : memref<2x512x64xf32, #tpu.memory_space<vmem>>, vector<1x1x16xf32>,
        %get3A_821 = vector.shape_cast %get3A_820 : vector<1x1x16xf32> to vector<16xf32>
        %mul3A_822 = arith.constant 8.000000e+00 : f32
        %mul3A_823 = vector.broadcast %mul3A_822 : f32 to vector<16xf32>
        %mul3A_824 = arith.mulf %get3A_821, %mul3A_823 : vector<16xf32>
        %swap3A_825 = arith.constant 1 : i32
        %swap3A_826 = arith.index_cast %swap3A_825 : i32 to index
        %swap3A_827 = arith.index_cast %scan3A_815 : i32 to index
        %swap3A_828 = arith.constant 0 : index
        %swap3A_829 = tpu.vector_load %arg6[%swap3A_826, %swap3A_827, %swap3A_828] {strides = array<i32>} : memref<2x512x64xf32, #tpu.memory_space<vmem>>, vector<1x1x16xf32>,
        %swap3A_830 = vector.shape_cast %swap3A_829 : vector<1x1x16xf32> to vector<16xf32>
        %swap3A_831 = vector.shape_cast %mul3A_824 : vector<16xf32> to vector<1x1x16xf32>
        tpu.vector_store %arg6[%swap3A_826, %swap3A_827, %swap3A_828], %swap3A_831 {strides = array<i32>} : memref<2x512x64xf32, #tpu.memory_space<vmem>>, vector<1x1x16xf32>,
        %get3A_832 = arith.constant 1 : i32
        %get3A_833 = arith.index_cast %get3A_832 : i32 to index
        %get3A_834 = arith.index_cast %scan3A_815 : i32 to index
        %get3A_835 = arith.constant 16 : index
        %get3A_836 = tpu.vector_load %arg6[%get3A_833, %get3A_834, %get3A_835] {strides = array<i32>} : memref<2x512x64xf32, #tpu.memory_space<vmem>>, vector<1x1x16xf32>,
        %get3A_837 = vector.shape_cast %get3A_836 : vector<1x1x16xf32> to vector<16xf32>
        %mul3A_838 = arith.constant 8.000000e+00 : f32
        %mul3A_839 = vector.broadcast %mul3A_838 : f32 to vector<16xf32>
        %mul3A_840 = arith.mulf %get3A_837, %mul3A_839 : vector<16xf32>
        %swap3A_841 = arith.constant 1 : i32
        %swap3A_842 = arith.index_cast %swap3A_841 : i32 to index
        %swap3A_843 = arith.index_cast %scan3A_815 : i32 to index
        %swap3A_844 = arith.constant 16 : index
        %swap3A_845 = tpu.vector_load %arg6[%swap3A_842, %swap3A_843, %swap3A_844] {strides = array<i32>} : memref<2x512x64xf32, #tpu.memory_space<vmem>>, vector<1x1x16xf32>,
        %swap3A_846 = vector.shape_cast %swap3A_845 : vector<1x1x16xf32> to vector<16xf32>
        %swap3A_847 = vector.shape_cast %mul3A_840 : vector<16xf32> to vector<1x1x16xf32>
        tpu.vector_store %arg6[%swap3A_842, %swap3A_843, %swap3A_844], %swap3A_847 {strides = array<i32>} : memref<2x512x64xf32, #tpu.memory_space<vmem>>, vector<1x1x16xf32>,
        %get3A_848 = arith.constant 1 : i32
        %get3A_849 = arith.index_cast %get3A_848 : i32 to index
        %get3A_850 = arith.index_cast %scan3A_815 : i32 to index
        %get3A_851 = arith.constant 32 : index
        %get3A_852 = tpu.vector_load %arg6[%get3A_849, %get3A_850, %get3A_851] {strides = array<i32>} : memref<2x512x64xf32, #tpu.memory_space<vmem>>, vector<1x1x16xf32>,
        %get3A_853 = vector.shape_cast %get3A_852 : vector<1x1x16xf32> to vector<16xf32>
        %mul3A_854 = arith.constant 8.000000e+00 : f32
        %mul3A_855 = vector.broadcast %mul3A_854 : f32 to vector<16xf32>
        %mul3A_856 = arith.mulf %get3A_853, %mul3A_855 : vector<16xf32>
        %swap3A_857 = arith.constant 1 : i32
        %swap3A_858 = arith.index_cast %swap3A_857 : i32 to index
        %swap3A_859 = arith.index_cast %scan3A_815 : i32 to index
        %swap3A_860 = arith.constant 32 : index
        %swap3A_861 = tpu.vector_load %arg6[%swap3A_858, %swap3A_859, %swap3A_860] {strides = array<i32>} : memref<2x512x64xf32, #tpu.memory_space<vmem>>, vector<1x1x16xf32>,
        %swap3A_862 = vector.shape_cast %swap3A_861 : vector<1x1x16xf32> to vector<16xf32>
        %swap3A_863 = vector.shape_cast %mul3A_856 : vector<16xf32> to vector<1x1x16xf32>
        tpu.vector_store %arg6[%swap3A_858, %swap3A_859, %swap3A_860], %swap3A_863 {strides = array<i32>} : memref<2x512x64xf32, #tpu.memory_space<vmem>>, vector<1x1x16xf32>,
        %get3A_864 = arith.constant 1 : i32
        %get3A_865 = arith.index_cast %get3A_864 : i32 to index
        %get3A_866 = arith.index_cast %scan3A_815 : i32 to index
        %get3A_867 = arith.constant 48 : index
        %get3A_868 = tpu.vector_load %arg6[%get3A_865, %get3A_866, %get3A_867] {strides = array<i32>} : memref<2x512x64xf32, #tpu.memory_space<vmem>>, vector<1x1x16xf32>,
        %get3A_869 = vector.shape_cast %get3A_868 : vector<1x1x16xf32> to vector<16xf32>
        %mul3A_870 = arith.constant 8.000000e+00 : f32
        %mul3A_871 = vector.broadcast %mul3A_870 : f32 to vector<16xf32>
        %mul3A_872 = arith.mulf %get3A_869, %mul3A_871 : vector<16xf32>
        %swap3A_873 = arith.constant 1 : i32
        %swap3A_874 = arith.index_cast %swap3A_873 : i32 to index
        %swap3A_875 = arith.index_cast %scan3A_815 : i32 to index
        %swap3A_876 = arith.constant 48 : index
        %swap3A_877 = tpu.vector_load %arg6[%swap3A_874, %swap3A_875, %swap3A_876] {strides = array<i32>} : memref<2x512x64xf32, #tpu.memory_space<vmem>>, vector<1x1x16xf32>,
        %swap3A_878 = vector.shape_cast %swap3A_877 : vector<1x1x16xf32> to vector<16xf32>
        %swap3A_879 = vector.shape_cast %mul3A_872 : vector<16xf32> to vector<1x1x16xf32>
        tpu.vector_store %arg6[%swap3A_874, %swap3A_875, %swap3A_876], %swap3A_879 {strides = array<i32>} : memref<2x512x64xf32, #tpu.memory_space<vmem>>, vector<1x1x16xf32>,
        %scan3A_880 = arith.constant 6 : i32
        %scan3A_881 = arith.addi %scan3A_487, %scan3A_880 : i32
        %get3A_882 = arith.constant 1 : i32
        %get3A_883 = arith.index_cast %get3A_882 : i32 to index
        %get3A_884 = arith.index_cast %scan3A_881 : i32 to index
        %get3A_885 = arith.constant 0 : index
        %get3A_886 = tpu.vector_load %arg6[%get3A_883, %get3A_884, %get3A_885] {strides = array<i32>} : memref<2x512x64xf32, #tpu.memory_space<vmem>>, vector<1x1x16xf32>,
        %get3A_887 = vector.shape_cast %get3A_886 : vector<1x1x16xf32> to vector<16xf32>
        %mul3A_888 = arith.constant 8.000000e+00 : f32
        %mul3A_889 = vector.broadcast %mul3A_888 : f32 to vector<16xf32>
        %mul3A_890 = arith.mulf %get3A_887, %mul3A_889 : vector<16xf32>
        %swap3A_891 = arith.constant 1 : i32
        %swap3A_892 = arith.index_cast %swap3A_891 : i32 to index
        %swap3A_893 = arith.index_cast %scan3A_881 : i32 to index
        %swap3A_894 = arith.constant 0 : index
        %swap3A_895 = tpu.vector_load %arg6[%swap3A_892, %swap3A_893, %swap3A_894] {strides = array<i32>} : memref<2x512x64xf32, #tpu.memory_space<vmem>>, vector<1x1x16xf32>,
        %swap3A_896 = vector.shape_cast %swap3A_895 : vector<1x1x16xf32> to vector<16xf32>
        %swap3A_897 = vector.shape_cast %mul3A_890 : vector<16xf32> to vector<1x1x16xf32>
        tpu.vector_store %arg6[%swap3A_892, %swap3A_893, %swap3A_894], %swap3A_897 {strides = array<i32>} : memref<2x512x64xf32, #tpu.memory_space<vmem>>, vector<1x1x16xf32>,
        %get3A_898 = arith.constant 1 : i32
        %get3A_899 = arith.index_cast %get3A_898 : i32 to index
        %get3A_900 = arith.index_cast %scan3A_881 : i32 to index
        %get3A_901 = arith.constant 16 : index
        %get3A_902 = tpu.vector_load %arg6[%get3A_899, %get3A_900, %get3A_901] {strides = array<i32>} : memref<2x512x64xf32, #tpu.memory_space<vmem>>, vector<1x1x16xf32>,
        %get3A_903 = vector.shape_cast %get3A_902 : vector<1x1x16xf32> to vector<16xf32>
        %mul3A_904 = arith.constant 8.000000e+00 : f32
        %mul3A_905 = vector.broadcast %mul3A_904 : f32 to vector<16xf32>
        %mul3A_906 = arith.mulf %get3A_903, %mul3A_905 : vector<16xf32>
        %swap3A_907 = arith.constant 1 : i32
        %swap3A_908 = arith.index_cast %swap3A_907 : i32 to index
        %swap3A_909 = arith.index_cast %scan3A_881 : i32 to index
        %swap3A_910 = arith.constant 16 : index
        %swap3A_911 = tpu.vector_load %arg6[%swap3A_908, %swap3A_909, %swap3A_910] {strides = array<i32>} : memref<2x512x64xf32, #tpu.memory_space<vmem>>, vector<1x1x16xf32>,
        %swap3A_912 = vector.shape_cast %swap3A_911 : vector<1x1x16xf32> to vector<16xf32>
        %swap3A_913 = vector.shape_cast %mul3A_906 : vector<16xf32> to vector<1x1x16xf32>
        tpu.vector_store %arg6[%swap3A_908, %swap3A_909, %swap3A_910], %swap3A_913 {strides = array<i32>} : memref<2x512x64xf32, #tpu.memory_space<vmem>>, vector<1x1x16xf32>,
        %get3A_914 = arith.constant 1 : i32
        %get3A_915 = arith.index_cast %get3A_914 : i32 to index
        %get3A_916 = arith.index_cast %scan3A_881 : i32 to index
        %get3A_917 = arith.constant 32 : index
        %get3A_918 = tpu.vector_load %arg6[%get3A_915, %get3A_916, %get3A_917] {strides = array<i32>} : memref<2x512x64xf32, #tpu.memory_space<vmem>>, vector<1x1x16xf32>,
        %get3A_919 = vector.shape_cast %get3A_918 : vector<1x1x16xf32> to vector<16xf32>
        %mul3A_920 = arith.constant 8.000000e+00 : f32
        %mul3A_921 = vector.broadcast %mul3A_920 : f32 to vector<16xf32>
        %mul3A_922 = arith.mulf %get3A_919, %mul3A_921 : vector<16xf32>
        %swap3A_923 = arith.constant 1 : i32
        %swap3A_924 = arith.index_cast %swap3A_923 : i32 to index
        %swap3A_925 = arith.index_cast %scan3A_881 : i32 to index
        %swap3A_926 = arith.constant 32 : index
        %swap3A_927 = tpu.vector_load %arg6[%swap3A_924, %swap3A_925, %swap3A_926] {strides = array<i32>} : memref<2x512x64xf32, #tpu.memory_space<vmem>>, vector<1x1x16xf32>,
        %swap3A_928 = vector.shape_cast %swap3A_927 : vector<1x1x16xf32> to vector<16xf32>
        %swap3A_929 = vector.shape_cast %mul3A_922 : vector<16xf32> to vector<1x1x16xf32>
        tpu.vector_store %arg6[%swap3A_924, %swap3A_925, %swap3A_926], %swap3A_929 {strides = array<i32>} : memref<2x512x64xf32, #tpu.memory_space<vmem>>, vector<1x1x16xf32>,
        %get3A_930 = arith.constant 1 : i32
        %get3A_931 = arith.index_cast %get3A_930 : i32 to index
        %get3A_932 = arith.index_cast %scan3A_881 : i32 to index
        %get3A_933 = arith.constant 48 : index
        %get3A_934 = tpu.vector_load %arg6[%get3A_931, %get3A_932, %get3A_933] {strides = array<i32>} : memref<2x512x64xf32, #tpu.memory_space<vmem>>, vector<1x1x16xf32>,
        %get3A_935 = vector.shape_cast %get3A_934 : vector<1x1x16xf32> to vector<16xf32>
        %mul3A_936 = arith.constant 8.000000e+00 : f32
        %mul3A_937 = vector.broadcast %mul3A_936 : f32 to vector<16xf32>
        %mul3A_938 = arith.mulf %get3A_935, %mul3A_937 : vector<16xf32>
        %swap3A_939 = arith.constant 1 : i32
        %swap3A_940 = arith.index_cast %swap3A_939 : i32 to index
        %swap3A_941 = arith.index_cast %scan3A_881 : i32 to index
        %swap3A_942 = arith.constant 48 : index
        %swap3A_943 = tpu.vector_load %arg6[%swap3A_940, %swap3A_941, %swap3A_942] {strides = array<i32>} : memref<2x512x64xf32, #tpu.memory_space<vmem>>, vector<1x1x16xf32>,
        %swap3A_944 = vector.shape_cast %swap3A_943 : vector<1x1x16xf32> to vector<16xf32>
        %swap3A_945 = vector.shape_cast %mul3A_938 : vector<16xf32> to vector<1x1x16xf32>
        tpu.vector_store %arg6[%swap3A_940, %swap3A_941, %swap3A_942], %swap3A_945 {strides = array<i32>} : memref<2x512x64xf32, #tpu.memory_space<vmem>>, vector<1x1x16xf32>,
        %scan3A_946 = arith.constant 7 : i32
        %scan3A_947 = arith.addi %scan3A_487, %scan3A_946 : i32
        %get3A_948 = arith.constant 1 : i32
        %get3A_949 = arith.index_cast %get3A_948 : i32 to index
        %get3A_950 = arith.index_cast %scan3A_947 : i32 to index
        %get3A_951 = arith.constant 0 : index
        %get3A_952 = tpu.vector_load %arg6[%get3A_949, %get3A_950, %get3A_951] {strides = array<i32>} : memref<2x512x64xf32, #tpu.memory_space<vmem>>, vector<1x1x16xf32>,
        %get3A_953 = vector.shape_cast %get3A_952 : vector<1x1x16xf32> to vector<16xf32>
        %mul3A_954 = arith.constant 8.000000e+00 : f32
        %mul3A_955 = vector.broadcast %mul3A_954 : f32 to vector<16xf32>
        %mul3A_956 = arith.mulf %get3A_953, %mul3A_955 : vector<16xf32>
        %swap3A_957 = arith.constant 1 : i32
        %swap3A_958 = arith.index_cast %swap3A_957 : i32 to index
        %swap3A_959 = arith.index_cast %scan3A_947 : i32 to index
        %swap3A_960 = arith.constant 0 : index
        %swap3A_961 = tpu.vector_load %arg6[%swap3A_958, %swap3A_959, %swap3A_960] {strides = array<i32>} : memref<2x512x64xf32, #tpu.memory_space<vmem>>, vector<1x1x16xf32>,
        %swap3A_962 = vector.shape_cast %swap3A_961 : vector<1x1x16xf32> to vector<16xf32>
        %swap3A_963 = vector.shape_cast %mul3A_956 : vector<16xf32> to vector<1x1x16xf32>
        tpu.vector_store %arg6[%swap3A_958, %swap3A_959, %swap3A_960], %swap3A_963 {strides = array<i32>} : memref<2x512x64xf32, #tpu.memory_space<vmem>>, vector<1x1x16xf32>,
        %get3A_964 = arith.constant 1 : i32
        %get3A_965 = arith.index_cast %get3A_964 : i32 to index
        %get3A_966 = arith.index_cast %scan3A_947 : i32 to index
        %get3A_967 = arith.constant 16 : index
        %get3A_968 = tpu.vector_load %arg6[%get3A_965, %get3A_966, %get3A_967] {strides = array<i32>} : memref<2x512x64xf32, #tpu.memory_space<vmem>>, vector<1x1x16xf32>,
        %get3A_969 = vector.shape_cast %get3A_968 : vector<1x1x16xf32> to vector<16xf32>
        %mul3A_970 = arith.constant 8.000000e+00 : f32
        %mul3A_971 = vector.broadcast %mul3A_970 : f32 to vector<16xf32>
        %mul3A_972 = arith.mulf %get3A_969, %mul3A_971 : vector<16xf32>
        %swap3A_973 = arith.constant 1 : i32
        %swap3A_974 = arith.index_cast %swap3A_973 : i32 to index
        %swap3A_975 = arith.index_cast %scan3A_947 : i32 to index
        %swap3A_976 = arith.constant 16 : index
        %swap3A_977 = tpu.vector_load %arg6[%swap3A_974, %swap3A_975, %swap3A_976] {strides = array<i32>} : memref<2x512x64xf32, #tpu.memory_space<vmem>>, vector<1x1x16xf32>,
        %swap3A_978 = vector.shape_cast %swap3A_977 : vector<1x1x16xf32> to vector<16xf32>
        %swap3A_979 = vector.shape_cast %mul3A_972 : vector<16xf32> to vector<1x1x16xf32>
        tpu.vector_store %arg6[%swap3A_974, %swap3A_975, %swap3A_976], %swap3A_979 {strides = array<i32>} : memref<2x512x64xf32, #tpu.memory_space<vmem>>, vector<1x1x16xf32>,
        %get3A_980 = arith.constant 1 : i32
        %get3A_981 = arith.index_cast %get3A_980 : i32 to index
        %get3A_982 = arith.index_cast %scan3A_947 : i32 to index
        %get3A_983 = arith.constant 32 : index
        %get3A_984 = tpu.vector_load %arg6[%get3A_981, %get3A_982, %get3A_983] {strides = array<i32>} : memref<2x512x64xf32, #tpu.memory_space<vmem>>, vector<1x1x16xf32>,
        %get3A_985 = vector.shape_cast %get3A_984 : vector<1x1x16xf32> to vector<16xf32>
        %mul3A_986 = arith.constant 8.000000e+00 : f32
        %mul3A_987 = vector.broadcast %mul3A_986 : f32 to vector<16xf32>
        %mul3A_988 = arith.mulf %get3A_985, %mul3A_987 : vector<16xf32>
        %swap3A_989 = arith.constant 1 : i32
        %swap3A_990 = arith.index_cast %swap3A_989 : i32 to index
        %swap3A_991 = arith.index_cast %scan3A_947 : i32 to index
        %swap3A_992 = arith.constant 32 : index
        %swap3A_993 = tpu.vector_load %arg6[%swap3A_990, %swap3A_991, %swap3A_992] {strides = array<i32>} : memref<2x512x64xf32, #tpu.memory_space<vmem>>, vector<1x1x16xf32>,
        %swap3A_994 = vector.shape_cast %swap3A_993 : vector<1x1x16xf32> to vector<16xf32>
        %swap3A_995 = vector.shape_cast %mul3A_988 : vector<16xf32> to vector<1x1x16xf32>
        tpu.vector_store %arg6[%swap3A_990, %swap3A_991, %swap3A_992], %swap3A_995 {strides = array<i32>} : memref<2x512x64xf32, #tpu.memory_space<vmem>>, vector<1x1x16xf32>,
        %get3A_996 = arith.constant 1 : i32
        %get3A_997 = arith.index_cast %get3A_996 : i32 to index
        %get3A_998 = arith.index_cast %scan3A_947 : i32 to index
        %get3A_999 = arith.constant 48 : index
        %get3A_1000 = tpu.vector_load %arg6[%get3A_997, %get3A_998, %get3A_999] {strides = array<i32>} : memref<2x512x64xf32, #tpu.memory_space<vmem>>, vector<1x1x16xf32>,
        %get3A_1001 = vector.shape_cast %get3A_1000 : vector<1x1x16xf32> to vector<16xf32>
        %mul3A_1002 = arith.constant 8.000000e+00 : f32
        %mul3A_1003 = vector.broadcast %mul3A_1002 : f32 to vector<16xf32>
        %mul3A_1004 = arith.mulf %get3A_1001, %mul3A_1003 : vector<16xf32>
        %swap3A_1005 = arith.constant 1 : i32
        %swap3A_1006 = arith.index_cast %swap3A_1005 : i32 to index
        %swap3A_1007 = arith.index_cast %scan3A_947 : i32 to index
        %swap3A_1008 = arith.constant 48 : index
        %swap3A_1009 = tpu.vector_load %arg6[%swap3A_1006, %swap3A_1007, %swap3A_1008] {strides = array<i32>} : memref<2x512x64xf32, #tpu.memory_space<vmem>>, vector<1x1x16xf32>,
        %swap3A_1010 = vector.shape_cast %swap3A_1009 : vector<1x1x16xf32> to vector<16xf32>
        %swap3A_1011 = vector.shape_cast %mul3A_1004 : vector<16xf32> to vector<1x1x16xf32>
        tpu.vector_store %arg6[%swap3A_1006, %swap3A_1007, %swap3A_1008], %swap3A_1011 {strides = array<i32>} : memref<2x512x64xf32, #tpu.memory_space<vmem>>, vector<1x1x16xf32>,
      }
      %scan3A_418 = arith.constant 512 : i32
      %mul3A_419 = arith.constant 25600 : i32
      %mul3A_420 = arith.muli %add3A, %mul3A_419 : i32
      %mul3A_421 = arith.constant 512 : i32
      %mul3A_422 = arith.muli %add3A_353, %mul3A_421 : i32
      %add3A_423 = arith.addi %mul3A_420, %mul3A_422 : i32
      %run_scoped3A_424 = arith.constant 1 : i32
      "tpu.region"() ({
        %run_scoped3A_487 = tpu.sem_alloc : memref<!tpu.dma_semaphore, #tpu.memory_space<semaphore_mem>>
        %dma_start3A_488 = arith.constant 0 : i32
        %dma_start3A_489 = arith.constant 0 : i32
        %dma_start3A_490 = tpu.memref_slice %arg6[%run_scoped3A_424, %dma_start3A_488, %dma_start3A_489] : memref<2x512x64xf32, #tpu.memory_space<vmem>> -> memref<1x512x64xf32, #tpu.memory_space<vmem>>
        %dma_start3A_491 = tpu.memref_squeeze %dma_start3A_490 : memref<1x512x64xf32, #tpu.memory_space<vmem>> -> memref<512x64xf32, #tpu.memory_space<vmem>>
        %dma_start3A_492 = arith.constant 0 : i32
        %dma_start3A_493 = tpu.memref_slice %arg4[%add3A_423, %dma_start3A_492] : memref<819200x128xf32, #tpu.memory_space<hbm>> -> memref<512x64xf32, #tpu.memory_space<hbm>>
        %dma_start3A_494 = arith.constant 0 : i32
        %dma_start3A_495 = tpu.memref_slice %arg4[%add3A_423, %dma_start3A_494] : memref<819200x128xf32, #tpu.memory_space<hbm>> -> memref<512x64xf32, #tpu.memory_space<hbm>>
        %dma_start3A_496 = arith.constant 0 : i32
        %dma_start3A_497 = arith.constant 0 : i32
        %dma_start3A_498 = tpu.memref_slice %arg6[%run_scoped3A_424, %dma_start3A_496, %dma_start3A_497] : memref<2x512x64xf32, #tpu.memory_space<vmem>> -> memref<1x512x64xf32, #tpu.memory_space<vmem>>
        %dma_start3A_499 = tpu.memref_squeeze %dma_start3A_498 : memref<1x512x64xf32, #tpu.memory_space<vmem>> -> memref<512x64xf32, #tpu.memory_space<vmem>>
        tpu.enqueue_dma source(%dma_start3A_499 : memref<512x64xf32, #tpu.memory_space<vmem>>) target(%dma_start3A_495 : memref<512x64xf32, #tpu.memory_space<hbm>>) target_semaphore(%run_scoped3A_487 : memref<!tpu.dma_semaphore, #tpu.memory_space<semaphore_mem>>)
        %dma_wait3A_500 = arith.constant 0 : i32
        %dma_wait3A_501 = arith.constant 0 : i32
        %dma_wait3A_502 = tpu.memref_slice %arg6[%run_scoped3A_424, %dma_wait3A_500, %dma_wait3A_501] : memref<2x512x64xf32, #tpu.memory_space<vmem>> -> memref<1x512x64xf32, #tpu.memory_space<vmem>>
        %dma_wait3A_503 = tpu.memref_squeeze %dma_wait3A_502 : memref<1x512x64xf32, #tpu.memory_space<vmem>> -> memref<512x64xf32, #tpu.memory_space<vmem>>
        %dma_wait3A_504 = arith.constant 0 : i32
        %dma_wait3A_505 = tpu.memref_slice %arg4[%add3A_423, %dma_wait3A_504] : memref<819200x128xf32, #tpu.memory_space<hbm>> -> memref<512x64xf32, #tpu.memory_space<hbm>>
        %dma_wait3A_506 = arith.constant 0 : i32
        %dma_wait3A_507 = tpu.memref_slice %arg4[%add3A_423, %dma_wait3A_506] : memref<819200x128xf32, #tpu.memory_space<hbm>> -> memref<512x64xf32, #tpu.memory_space<hbm>>
        %dma_wait3A_508 = arith.constant 0 : i32
        %dma_wait3A_509 = arith.constant 0 : i32
        %dma_wait3A_510 = tpu.memref_slice %arg6[%run_scoped3A_424, %dma_wait3A_508, %dma_wait3A_509] : memref<2x512x64xf32, #tpu.memory_space<vmem>> -> memref<1x512x64xf32, #tpu.memory_space<vmem>>
        %dma_wait3A_511 = tpu.memref_squeeze %dma_wait3A_510 : memref<1x512x64xf32, #tpu.memory_space<vmem>> -> memref<512x64xf32, #tpu.memory_space<vmem>>
        tpu.wait_dma2 semaphore(%run_scoped3A_487 : memref<!tpu.dma_semaphore, #tpu.memory_space<semaphore_mem>>) src(%dma_wait3A_511 : memref<512x64xf32, #tpu.memory_space<vmem>>) dst(%dma_wait3A_507 : memref<512x64xf32, #tpu.memory_space<hbm>>)
        tpu.yield
      }) : () -> ()
      %add3A_425 = arith.constant 2 : i32
      %add3A_426 = arith.addi %add3A_353, %add3A_425 : i32
      %mul3A_427 = arith.constant 4 : i32
      %mul3A_428 = arith.muli %add3A_426, %mul3A_427 : i32
      %add3A_429 = arith.constant 0 : i32
      %add3A_430 = arith.addi %mul3A_428, %add3A_429 : i32
      %dma_start3A_431 = arith.constant 1 : i32
      %dma_start3A_432 = arith.constant 0 : i32
      %dma_start3A_433 = arith.constant 0 : i32
      %dma_start3A_434 = tpu.memref_slice %arg6[%dma_start3A_431, %dma_start3A_432, %dma_start3A_433] : memref<2x512x64xf32, #tpu.memory_space<vmem>> -> memref<1x128x64xf32, #tpu.memory_space<vmem>>
      %dma_start3A_435 = tpu.memref_squeeze %dma_start3A_434 : memref<1x128x64xf32, #tpu.memory_space<vmem>> -> memref<128x64xf32, #tpu.memory_space<vmem>>
      %dma_start3A_436 = arith.constant 0 : i32
      %dma_start3A_437 = tpu.memref_slice %arg5[%add3A_430, %dma_start3A_436] : memref<200x128xi32, #tpu.memory_space<vmem>> -> memref<1x128xi32, #tpu.memory_space<vmem>>
      %dma_start3A_438 = tpu.memref_squeeze %dma_start3A_437 : memref<1x128xi32, #tpu.memory_space<vmem>> -> memref<128xi32, #tpu.memory_space<vmem>>
      %dma_start3A_439 = arith.constant 0 : i32
      %dma_start3A_440 = arith.constant 0 : i32
      %dma_start3A_441 = tpu.memref_slice %arg3[%dma_start3A_439, %dma_start3A_440] : memref<1000000x64xf32, #tpu.memory_space<hbm>> -> memref<1000000x64xf32, #tpu.memory_space<hbm>>
      tpu.enqueue_indirect_dma source(%dma_start3A_441 : memref<1000000x64xf32, #tpu.memory_space<hbm>>) target(%dma_start3A_435 : memref<128x64xf32, #tpu.memory_space<vmem>>) offsets(%dma_start3A_438 : memref<128xi32, #tpu.memory_space<vmem>>) semaphore(%arg8 : memref<!tpu.dma_semaphore, #tpu.memory_space<semaphore_mem>>)
      %mul3A_442 = arith.constant 4 : i32
      %mul3A_443 = arith.muli %add3A_426, %mul3A_442 : i32
      %add3A_444 = arith.constant 1 : i32
      %add3A_445 = arith.addi %mul3A_443, %add3A_444 : i32
      %dma_start3A_446 = arith.constant 1 : i32
      %dma_start3A_447 = arith.constant 128 : i32
      %dma_start3A_448 = arith.constant 0 : i32
      %dma_start3A_449 = tpu.memref_slice %arg6[%dma_start3A_446, %dma_start3A_447, %dma_start3A_448] : memref<2x512x64xf32, #tpu.memory_space<vmem>> -> memref<1x128x64xf32, #tpu.memory_space<vmem>>
      %dma_start3A_450 = tpu.memref_squeeze %dma_start3A_449 : memref<1x128x64xf32, #tpu.memory_space<vmem>> -> memref<128x64xf32, #tpu.memory_space<vmem>>
      %dma_start3A_451 = arith.constant 0 : i32
      %dma_start3A_452 = tpu.memref_slice %arg5[%add3A_445, %dma_start3A_451] : memref<200x128xi32, #tpu.memory_space<vmem>> -> memref<1x128xi32, #tpu.memory_space<vmem>>
      %dma_start3A_453 = tpu.memref_squeeze %dma_start3A_452 : memref<1x128xi32, #tpu.memory_space<vmem>> -> memref<128xi32, #tpu.memory_space<vmem>>
      %dma_start3A_454 = arith.constant 0 : i32
      %dma_start3A_455 = arith.constant 0 : i32
      %dma_start3A_456 = tpu.memref_slice %arg3[%dma_start3A_454, %dma_start3A_455] : memref<1000000x64xf32, #tpu.memory_space<hbm>> -> memref<1000000x64xf32, #tpu.memory_space<hbm>>
      tpu.enqueue_indirect_dma source(%dma_start3A_456 : memref<1000000x64xf32, #tpu.memory_space<hbm>>) target(%dma_start3A_450 : memref<128x64xf32, #tpu.memory_space<vmem>>) offsets(%dma_start3A_453 : memref<128xi32, #tpu.memory_space<vmem>>) semaphore(%arg8 : memref<!tpu.dma_semaphore, #tpu.memory_space<semaphore_mem>>)
      %mul3A_457 = arith.constant 4 : i32
      %mul3A_458 = arith.muli %add3A_426, %mul3A_457 : i32
      %add3A_459 = arith.constant 2 : i32
      %add3A_460 = arith.addi %mul3A_458, %add3A_459 : i32
      %dma_start3A_461 = arith.constant 1 : i32
      %dma_start3A_462 = arith.constant 256 : i32
      %dma_start3A_463 = arith.constant 0 : i32
      %dma_start3A_464 = tpu.memref_slice %arg6[%dma_start3A_461, %dma_start3A_462, %dma_start3A_463] : memref<2x512x64xf32, #tpu.memory_space<vmem>> -> memref<1x128x64xf32, #tpu.memory_space<vmem>>
      %dma_start3A_465 = tpu.memref_squeeze %dma_start3A_464 : memref<1x128x64xf32, #tpu.memory_space<vmem>> -> memref<128x64xf32, #tpu.memory_space<vmem>>
      %dma_start3A_466 = arith.constant 0 : i32
      %dma_start3A_467 = tpu.memref_slice %arg5[%add3A_460, %dma_start3A_466] : memref<200x128xi32, #tpu.memory_space<vmem>> -> memref<1x128xi32, #tpu.memory_space<vmem>>
      %dma_start3A_468 = tpu.memref_squeeze %dma_start3A_467 : memref<1x128xi32, #tpu.memory_space<vmem>> -> memref<128xi32, #tpu.memory_space<vmem>>
      %dma_start3A_469 = arith.constant 0 : i32
      %dma_start3A_470 = arith.constant 0 : i32
      %dma_start3A_471 = tpu.memref_slice %arg3[%dma_start3A_469, %dma_start3A_470] : memref<1000000x64xf32, #tpu.memory_space<hbm>> -> memref<1000000x64xf32, #tpu.memory_space<hbm>>
      tpu.enqueue_indirect_dma source(%dma_start3A_471 : memref<1000000x64xf32, #tpu.memory_space<hbm>>) target(%dma_start3A_465 : memref<128x64xf32, #tpu.memory_space<vmem>>) offsets(%dma_start3A_468 : memref<128xi32, #tpu.memory_space<vmem>>) semaphore(%arg8 : memref<!tpu.dma_semaphore, #tpu.memory_space<semaphore_mem>>)
      %mul3A_472 = arith.constant 4 : i32
      %mul3A_473 = arith.muli %add3A_426, %mul3A_472 : i32
      %add3A_474 = arith.constant 3 : i32
      %add3A_475 = arith.addi %mul3A_473, %add3A_474 : i32
      %dma_start3A_476 = arith.constant 1 : i32
      %dma_start3A_477 = arith.constant 384 : i32
      %dma_start3A_478 = arith.constant 0 : i32
      %dma_start3A_479 = tpu.memref_slice %arg6[%dma_start3A_476, %dma_start3A_477, %dma_start3A_478] : memref<2x512x64xf32, #tpu.memory_space<vmem>> -> memref<1x128x64xf32, #tpu.memory_space<vmem>>
      %dma_start3A_480 = tpu.memref_squeeze %dma_start3A_479 : memref<1x128x64xf32, #tpu.memory_space<vmem>> -> memref<128x64xf32, #tpu.memory_space<vmem>>
      %dma_start3A_481 = arith.constant 0 : i32
      %dma_start3A_482 = tpu.memref_slice %arg5[%add3A_475, %dma_start3A_481] : memref<200x128xi32, #tpu.memory_space<vmem>> -> memref<1x128xi32, #tpu.memory_space<vmem>>
      %dma_start3A_483 = tpu.memref_squeeze %dma_start3A_482 : memref<1x128xi32, #tpu.memory_space<vmem>> -> memref<128xi32, #tpu.memory_space<vmem>>
      %dma_start3A_484 = arith.constant 0 : i32
      %dma_start3A_485 = arith.constant 0 : i32
      %dma_start3A_486 = tpu.memref_slice %arg3[%dma_start3A_484, %dma_start3A_485] : memref<1000000x64xf32, #tpu.memory_space<hbm>> -> memref<1000000x64xf32, #tpu.memory_space<hbm>>
      tpu.enqueue_indirect_dma source(%dma_start3A_486 : memref<1000000x64xf32, #tpu.memory_space<hbm>>) target(%dma_start3A_480 : memref<128x64xf32, #tpu.memory_space<vmem>>) offsets(%dma_start3A_483 : memref<128xi32, #tpu.memory_space<vmem>>) semaphore(%arg8 : memref<!tpu.dma_semaphore, #tpu.memory_space<semaphore_mem>>)
    }
    %scan3A_99 = arith.constant 24 : i32
    %dma_wait3A = arith.constant 192 : i32
    %dma_wait3A_100 = arith.constant 0 : i32
    %dma_wait3A_101 = arith.constant 0 : i32
    %dma_wait3A_102 = arith.constant 0 : i32
    %dma_wait3A_103 = tpu.memref_slice %arg6[%dma_wait3A_100, %dma_wait3A_101, %dma_wait3A_102] : memref<2x512x64xf32, #tpu.memory_space<vmem>> -> memref<1x128x64xf32, #tpu.memory_space<vmem>>
    %dma_wait3A_104 = tpu.memref_squeeze %dma_wait3A_103 : memref<1x128x64xf32, #tpu.memory_space<vmem>> -> memref<128x64xf32, #tpu.memory_space<vmem>>
    %dma_wait3A_105 = arith.constant 0 : i32
    %dma_wait3A_106 = tpu.memref_slice %arg5[%dma_wait3A, %dma_wait3A_105] : memref<200x128xi32, #tpu.memory_space<vmem>> -> memref<1x128xi32, #tpu.memory_space<vmem>>
    %dma_wait3A_107 = tpu.memref_squeeze %dma_wait3A_106 : memref<1x128xi32, #tpu.memory_space<vmem>> -> memref<128xi32, #tpu.memory_space<vmem>>
    %dma_wait3A_108 = arith.constant 0 : i32
    %dma_wait3A_109 = arith.constant 0 : i32
    %dma_wait3A_110 = tpu.memref_slice %arg3[%dma_wait3A_108, %dma_wait3A_109] : memref<1000000x64xf32, #tpu.memory_space<hbm>> -> memref<1000000x64xf32, #tpu.memory_space<hbm>>
    tpu.wait_indirect_dma semaphore(%arg7 : memref<!tpu.dma_semaphore, #tpu.memory_space<semaphore_mem>>) src(%dma_wait3A_110 : memref<1000000x64xf32, #tpu.memory_space<hbm>>) dst(%dma_wait3A_104 : memref<128x64xf32, #tpu.memory_space<vmem>>)
    %dma_wait3A_111 = arith.constant 193 : i32
    %dma_wait3A_112 = arith.constant 0 : i32
    %dma_wait3A_113 = arith.constant 128 : i32
    %dma_wait3A_114 = arith.constant 0 : i32
    %dma_wait3A_115 = tpu.memref_slice %arg6[%dma_wait3A_112, %dma_wait3A_113, %dma_wait3A_114] : memref<2x512x64xf32, #tpu.memory_space<vmem>> -> memref<1x128x64xf32, #tpu.memory_space<vmem>>
    %dma_wait3A_116 = tpu.memref_squeeze %dma_wait3A_115 : memref<1x128x64xf32, #tpu.memory_space<vmem>> -> memref<128x64xf32, #tpu.memory_space<vmem>>
    %dma_wait3A_117 = arith.constant 0 : i32
    %dma_wait3A_118 = tpu.memref_slice %arg5[%dma_wait3A_111, %dma_wait3A_117] : memref<200x128xi32, #tpu.memory_space<vmem>> -> memref<1x128xi32, #tpu.memory_space<vmem>>
    %dma_wait3A_119 = tpu.memref_squeeze %dma_wait3A_118 : memref<1x128xi32, #tpu.memory_space<vmem>> -> memref<128xi32, #tpu.memory_space<vmem>>
    %dma_wait3A_120 = arith.constant 0 : i32
    %dma_wait3A_121 = arith.constant 0 : i32
    %dma_wait3A_122 = tpu.memref_slice %arg3[%dma_wait3A_120, %dma_wait3A_121] : memref<1000000x64xf32, #tpu.memory_space<hbm>> -> memref<1000000x64xf32, #tpu.memory_space<hbm>>
    tpu.wait_indirect_dma semaphore(%arg7 : memref<!tpu.dma_semaphore, #tpu.memory_space<semaphore_mem>>) src(%dma_wait3A_122 : memref<1000000x64xf32, #tpu.memory_space<hbm>>) dst(%dma_wait3A_116 : memref<128x64xf32, #tpu.memory_space<vmem>>)
    %dma_wait3A_123 = arith.constant 194 : i32
    %dma_wait3A_124 = arith.constant 0 : i32
    %dma_wait3A_125 = arith.constant 256 : i32
    %dma_wait3A_126 = arith.constant 0 : i32
    %dma_wait3A_127 = tpu.memref_slice %arg6[%dma_wait3A_124, %dma_wait3A_125, %dma_wait3A_126] : memref<2x512x64xf32, #tpu.memory_space<vmem>> -> memref<1x128x64xf32, #tpu.memory_space<vmem>>
    %dma_wait3A_128 = tpu.memref_squeeze %dma_wait3A_127 : memref<1x128x64xf32, #tpu.memory_space<vmem>> -> memref<128x64xf32, #tpu.memory_space<vmem>>
    %dma_wait3A_129 = arith.constant 0 : i32
    %dma_wait3A_130 = tpu.memref_slice %arg5[%dma_wait3A_123, %dma_wait3A_129] : memref<200x128xi32, #tpu.memory_space<vmem>> -> memref<1x128xi32, #tpu.memory_space<vmem>>
    %dma_wait3A_131 = tpu.memref_squeeze %dma_wait3A_130 : memref<1x128xi32, #tpu.memory_space<vmem>> -> memref<128xi32, #tpu.memory_space<vmem>>
    %dma_wait3A_132 = arith.constant 0 : i32
    %dma_wait3A_133 = arith.constant 0 : i32
    %dma_wait3A_134 = tpu.memref_slice %arg3[%dma_wait3A_132, %dma_wait3A_133] : memref<1000000x64xf32, #tpu.memory_space<hbm>> -> memref<1000000x64xf32, #tpu.memory_space<hbm>>
    tpu.wait_indirect_dma semaphore(%arg7 : memref<!tpu.dma_semaphore, #tpu.memory_space<semaphore_mem>>) src(%dma_wait3A_134 : memref<1000000x64xf32, #tpu.memory_space<hbm>>) dst(%dma_wait3A_128 : memref<128x64xf32, #tpu.memory_space<vmem>>)
    %dma_wait3A_135 = arith.constant 195 : i32
    %dma_wait3A_136 = arith.constant 0 : i32
    %dma_wait3A_137 = arith.constant 384 : i32
    %dma_wait3A_138 = arith.constant 0 : i32
    %dma_wait3A_139 = tpu.memref_slice %arg6[%dma_wait3A_136, %dma_wait3A_137, %dma_wait3A_138] : memref<2x512x64xf32, #tpu.memory_space<vmem>> -> memref<1x128x64xf32, #tpu.memory_space<vmem>>
    %dma_wait3A_140 = tpu.memref_squeeze %dma_wait3A_139 : memref<1x128x64xf32, #tpu.memory_space<vmem>> -> memref<128x64xf32, #tpu.memory_space<vmem>>
    %dma_wait3A_141 = arith.constant 0 : i32
    %dma_wait3A_142 = tpu.memref_slice %arg5[%dma_wait3A_135, %dma_wait3A_141] : memref<200x128xi32, #tpu.memory_space<vmem>> -> memref<1x128xi32, #tpu.memory_space<vmem>>
    %dma_wait3A_143 = tpu.memref_squeeze %dma_wait3A_142 : memref<1x128xi32, #tpu.memory_space<vmem>> -> memref<128xi32, #tpu.memory_space<vmem>>
    %dma_wait3A_144 = arith.constant 0 : i32
    %dma_wait3A_145 = arith.constant 0 : i32
    %dma_wait3A_146 = tpu.memref_slice %arg3[%dma_wait3A_144, %dma_wait3A_145] : memref<1000000x64xf32, #tpu.memory_space<hbm>> -> memref<1000000x64xf32, #tpu.memory_space<hbm>>
    tpu.wait_indirect_dma semaphore(%arg7 : memref<!tpu.dma_semaphore, #tpu.memory_space<semaphore_mem>>) src(%dma_wait3A_146 : memref<1000000x64xf32, #tpu.memory_space<hbm>>) dst(%dma_wait3A_140 : memref<128x64xf32, #tpu.memory_space<vmem>>)
    %scan3A_147 = arith.constant 0 : i32
    %scan3A_148 = arith.constant 512 : i32
    %scan3A_149 = arith.addi %scan3A_147, %scan3A_148 : i32
    %scan3A_150 = arith.constant 8 : i32
    scf.for %scan3A_214 = %scan3A_147 to %scan3A_149 step %scan3A_150  : i32 {
      %get3A = arith.constant 0 : i32
      %get3A_215 = arith.index_cast %get3A : i32 to index
      %get3A_216 = arith.index_cast %scan3A_214 : i32 to index
      %get3A_217 = arith.constant 0 : index
      %get3A_218 = tpu.vector_load %arg6[%get3A_215, %get3A_216, %get3A_217] {strides = array<i32>} : memref<2x512x64xf32, #tpu.memory_space<vmem>>, vector<1x1x16xf32>,
      %get3A_219 = vector.shape_cast %get3A_218 : vector<1x1x16xf32> to vector<16xf32>
      %mul3A_220 = arith.constant 8.000000e+00 : f32
      %mul3A_221 = vector.broadcast %mul3A_220 : f32 to vector<16xf32>
      %mul3A_222 = arith.mulf %get3A_219, %mul3A_221 : vector<16xf32>
      %swap3A = arith.constant 0 : i32
      %swap3A_223 = arith.index_cast %swap3A : i32 to index
      %swap3A_224 = arith.index_cast %scan3A_214 : i32 to index
      %swap3A_225 = arith.constant 0 : index
      %swap3A_226 = tpu.vector_load %arg6[%swap3A_223, %swap3A_224, %swap3A_225] {strides = array<i32>} : memref<2x512x64xf32, #tpu.memory_space<vmem>>, vector<1x1x16xf32>,
      %swap3A_227 = vector.shape_cast %swap3A_226 : vector<1x1x16xf32> to vector<16xf32>
      %swap3A_228 = vector.shape_cast %mul3A_222 : vector<16xf32> to vector<1x1x16xf32>
      tpu.vector_store %arg6[%swap3A_223, %swap3A_224, %swap3A_225], %swap3A_228 {strides = array<i32>} : memref<2x512x64xf32, #tpu.memory_space<vmem>>, vector<1x1x16xf32>,
      %get3A_229 = arith.constant 0 : i32
      %get3A_230 = arith.index_cast %get3A_229 : i32 to index
      %get3A_231 = arith.index_cast %scan3A_214 : i32 to index
      %get3A_232 = arith.constant 16 : index
      %get3A_233 = tpu.vector_load %arg6[%get3A_230, %get3A_231, %get3A_232] {strides = array<i32>} : memref<2x512x64xf32, #tpu.memory_space<vmem>>, vector<1x1x16xf32>,
      %get3A_234 = vector.shape_cast %get3A_233 : vector<1x1x16xf32> to vector<16xf32>
      %mul3A_235 = arith.constant 8.000000e+00 : f32
      %mul3A_236 = vector.broadcast %mul3A_235 : f32 to vector<16xf32>
      %mul3A_237 = arith.mulf %get3A_234, %mul3A_236 : vector<16xf32>
      %swap3A_238 = arith.constant 0 : i32
      %swap3A_239 = arith.index_cast %swap3A_238 : i32 to index
      %swap3A_240 = arith.index_cast %scan3A_214 : i32 to index
      %swap3A_241 = arith.constant 16 : index
      %swap3A_242 = tpu.vector_load %arg6[%swap3A_239, %swap3A_240, %swap3A_241] {strides = array<i32>} : memref<2x512x64xf32, #tpu.memory_space<vmem>>, vector<1x1x16xf32>,
      %swap3A_243 = vector.shape_cast %swap3A_242 : vector<1x1x16xf32> to vector<16xf32>
      %swap3A_244 = vector.shape_cast %mul3A_237 : vector<16xf32> to vector<1x1x16xf32>
      tpu.vector_store %arg6[%swap3A_239, %swap3A_240, %swap3A_241], %swap3A_244 {strides = array<i32>} : memref<2x512x64xf32, #tpu.memory_space<vmem>>, vector<1x1x16xf32>,
      %get3A_245 = arith.constant 0 : i32
      %get3A_246 = arith.index_cast %get3A_245 : i32 to index
      %get3A_247 = arith.index_cast %scan3A_214 : i32 to index
      %get3A_248 = arith.constant 32 : index
      %get3A_249 = tpu.vector_load %arg6[%get3A_246, %get3A_247, %get3A_248] {strides = array<i32>} : memref<2x512x64xf32, #tpu.memory_space<vmem>>, vector<1x1x16xf32>,
      %get3A_250 = vector.shape_cast %get3A_249 : vector<1x1x16xf32> to vector<16xf32>
      %mul3A_251 = arith.constant 8.000000e+00 : f32
      %mul3A_252 = vector.broadcast %mul3A_251 : f32 to vector<16xf32>
      %mul3A_253 = arith.mulf %get3A_250, %mul3A_252 : vector<16xf32>
      %swap3A_254 = arith.constant 0 : i32
      %swap3A_255 = arith.index_cast %swap3A_254 : i32 to index
      %swap3A_256 = arith.index_cast %scan3A_214 : i32 to index
      %swap3A_257 = arith.constant 32 : index
      %swap3A_258 = tpu.vector_load %arg6[%swap3A_255, %swap3A_256, %swap3A_257] {strides = array<i32>} : memref<2x512x64xf32, #tpu.memory_space<vmem>>, vector<1x1x16xf32>,
      %swap3A_259 = vector.shape_cast %swap3A_258 : vector<1x1x16xf32> to vector<16xf32>
      %swap3A_260 = vector.shape_cast %mul3A_253 : vector<16xf32> to vector<1x1x16xf32>
      tpu.vector_store %arg6[%swap3A_255, %swap3A_256, %swap3A_257], %swap3A_260 {strides = array<i32>} : memref<2x512x64xf32, #tpu.memory_space<vmem>>, vector<1x1x16xf32>,
      %get3A_261 = arith.constant 0 : i32
      %get3A_262 = arith.index_cast %get3A_261 : i32 to index
      %get3A_263 = arith.index_cast %scan3A_214 : i32 to index
      %get3A_264 = arith.constant 48 : index
      %get3A_265 = tpu.vector_load %arg6[%get3A_262, %get3A_263, %get3A_264] {strides = array<i32>} : memref<2x512x64xf32, #tpu.memory_space<vmem>>, vector<1x1x16xf32>,
      %get3A_266 = vector.shape_cast %get3A_265 : vector<1x1x16xf32> to vector<16xf32>
      %mul3A_267 = arith.constant 8.000000e+00 : f32
      %mul3A_268 = vector.broadcast %mul3A_267 : f32 to vector<16xf32>
      %mul3A_269 = arith.mulf %get3A_266, %mul3A_268 : vector<16xf32>
      %swap3A_270 = arith.constant 0 : i32
      %swap3A_271 = arith.index_cast %swap3A_270 : i32 to index
      %swap3A_272 = arith.index_cast %scan3A_214 : i32 to index
      %swap3A_273 = arith.constant 48 : index
      %swap3A_274 = tpu.vector_load %arg6[%swap3A_271, %swap3A_272, %swap3A_273] {strides = array<i32>} : memref<2x512x64xf32, #tpu.memory_space<vmem>>, vector<1x1x16xf32>,
      %swap3A_275 = vector.shape_cast %swap3A_274 : vector<1x1x16xf32> to vector<16xf32>
      %swap3A_276 = vector.shape_cast %mul3A_269 : vector<16xf32> to vector<1x1x16xf32>
      tpu.vector_store %arg6[%swap3A_271, %swap3A_272, %swap3A_273], %swap3A_276 {strides = array<i32>} : memref<2x512x64xf32, #tpu.memory_space<vmem>>, vector<1x1x16xf32>,
      %scan3A_277 = arith.constant 1 : i32
      %scan3A_278 = arith.addi %scan3A_214, %scan3A_277 : i32
      %get3A_279 = arith.constant 0 : i32
      %get3A_280 = arith.index_cast %get3A_279 : i32 to index
      %get3A_281 = arith.index_cast %scan3A_278 : i32 to index
      %get3A_282 = arith.constant 0 : index
      %get3A_283 = tpu.vector_load %arg6[%get3A_280, %get3A_281, %get3A_282] {strides = array<i32>} : memref<2x512x64xf32, #tpu.memory_space<vmem>>, vector<1x1x16xf32>,
      %get3A_284 = vector.shape_cast %get3A_283 : vector<1x1x16xf32> to vector<16xf32>
      %mul3A_285 = arith.constant 8.000000e+00 : f32
      %mul3A_286 = vector.broadcast %mul3A_285 : f32 to vector<16xf32>
      %mul3A_287 = arith.mulf %get3A_284, %mul3A_286 : vector<16xf32>
      %swap3A_288 = arith.constant 0 : i32
      %swap3A_289 = arith.index_cast %swap3A_288 : i32 to index
      %swap3A_290 = arith.index_cast %scan3A_278 : i32 to index
      %swap3A_291 = arith.constant 0 : index
      %swap3A_292 = tpu.vector_load %arg6[%swap3A_289, %swap3A_290, %swap3A_291] {strides = array<i32>} : memref<2x512x64xf32, #tpu.memory_space<vmem>>, vector<1x1x16xf32>,
      %swap3A_293 = vector.shape_cast %swap3A_292 : vector<1x1x16xf32> to vector<16xf32>
      %swap3A_294 = vector.shape_cast %mul3A_287 : vector<16xf32> to vector<1x1x16xf32>
      tpu.vector_store %arg6[%swap3A_289, %swap3A_290, %swap3A_291], %swap3A_294 {strides = array<i32>} : memref<2x512x64xf32, #tpu.memory_space<vmem>>, vector<1x1x16xf32>,
      %get3A_295 = arith.constant 0 : i32
      %get3A_296 = arith.index_cast %get3A_295 : i32 to index
      %get3A_297 = arith.index_cast %scan3A_278 : i32 to index
      %get3A_298 = arith.constant 16 : index
      %get3A_299 = tpu.vector_load %arg6[%get3A_296, %get3A_297, %get3A_298] {strides = array<i32>} : memref<2x512x64xf32, #tpu.memory_space<vmem>>, vector<1x1x16xf32>,
      %get3A_300 = vector.shape_cast %get3A_299 : vector<1x1x16xf32> to vector<16xf32>
      %mul3A_301 = arith.constant 8.000000e+00 : f32
      %mul3A_302 = vector.broadcast %mul3A_301 : f32 to vector<16xf32>
      %mul3A_303 = arith.mulf %get3A_300, %mul3A_302 : vector<16xf32>
      %swap3A_304 = arith.constant 0 : i32
      %swap3A_305 = arith.index_cast %swap3A_304 : i32 to index
      %swap3A_306 = arith.index_cast %scan3A_278 : i32 to index
      %swap3A_307 = arith.constant 16 : index
      %swap3A_308 = tpu.vector_load %arg6[%swap3A_305, %swap3A_306, %swap3A_307] {strides = array<i32>} : memref<2x512x64xf32, #tpu.memory_space<vmem>>, vector<1x1x16xf32>,
      %swap3A_309 = vector.shape_cast %swap3A_308 : vector<1x1x16xf32> to vector<16xf32>
      %swap3A_310 = vector.shape_cast %mul3A_303 : vector<16xf32> to vector<1x1x16xf32>
      tpu.vector_store %arg6[%swap3A_305, %swap3A_306, %swap3A_307], %swap3A_310 {strides = array<i32>} : memref<2x512x64xf32, #tpu.memory_space<vmem>>, vector<1x1x16xf32>,
      %get3A_311 = arith.constant 0 : i32
      %get3A_312 = arith.index_cast %get3A_311 : i32 to index
      %get3A_313 = arith.index_cast %scan3A_278 : i32 to index
      %get3A_314 = arith.constant 32 : index
      %get3A_315 = tpu.vector_load %arg6[%get3A_312, %get3A_313, %get3A_314] {strides = array<i32>} : memref<2x512x64xf32, #tpu.memory_space<vmem>>, vector<1x1x16xf32>,
      %get3A_316 = vector.shape_cast %get3A_315 : vector<1x1x16xf32> to vector<16xf32>
      %mul3A_317 = arith.constant 8.000000e+00 : f32
      %mul3A_318 = vector.broadcast %mul3A_317 : f32 to vector<16xf32>
      %mul3A_319 = arith.mulf %get3A_316, %mul3A_318 : vector<16xf32>
      %swap3A_320 = arith.constant 0 : i32
      %swap3A_321 = arith.index_cast %swap3A_320 : i32 to index
      %swap3A_322 = arith.index_cast %scan3A_278 : i32 to index
      %swap3A_323 = arith.constant 32 : index
      %swap3A_324 = tpu.vector_load %arg6[%swap3A_321, %swap3A_322, %swap3A_323] {strides = array<i32>} : memref<2x512x64xf32, #tpu.memory_space<vmem>>, vector<1x1x16xf32>,
      %swap3A_325 = vector.shape_cast %swap3A_324 : vector<1x1x16xf32> to vector<16xf32>
      %swap3A_326 = vector.shape_cast %mul3A_319 : vector<16xf32> to vector<1x1x16xf32>
      tpu.vector_store %arg6[%swap3A_321, %swap3A_322, %swap3A_323], %swap3A_326 {strides = array<i32>} : memref<2x512x64xf32, #tpu.memory_space<vmem>>, vector<1x1x16xf32>,
      %get3A_327 = arith.constant 0 : i32
      %get3A_328 = arith.index_cast %get3A_327 : i32 to index
      %get3A_329 = arith.index_cast %scan3A_278 : i32 to index
      %get3A_330 = arith.constant 48 : index
      %get3A_331 = tpu.vector_load %arg6[%get3A_328, %get3A_329, %get3A_330] {strides = array<i32>} : memref<2x512x64xf32, #tpu.memory_space<vmem>>, vector<1x1x16xf32>,
      %get3A_332 = vector.shape_cast %get3A_331 : vector<1x1x16xf32> to vector<16xf32>
      %mul3A_333 = arith.constant 8.000000e+00 : f32
      %mul3A_334 = vector.broadcast %mul3A_333 : f32 to vector<16xf32>
      %mul3A_335 = arith.mulf %get3A_332, %mul3A_334 : vector<16xf32>
      %swap3A_336 = arith.constant 0 : i32
      %swap3A_337 = arith.index_cast %swap3A_336 : i32 to index
      %swap3A_338 = arith.index_cast %scan3A_278 : i32 to index
      %swap3A_339 = arith.constant 48 : index
      %swap3A_340 = tpu.vector_load %arg6[%swap3A_337, %swap3A_338, %swap3A_339] {strides = array<i32>} : memref<2x512x64xf32, #tpu.memory_space<vmem>>, vector<1x1x16xf32>,
      %swap3A_341 = vector.shape_cast %swap3A_340 : vector<1x1x16xf32> to vector<16xf32>
      %swap3A_342 = vector.shape_cast %mul3A_335 : vector<16xf32> to vector<1x1x16xf32>
      tpu.vector_store %arg6[%swap3A_337, %swap3A_338, %swap3A_339], %swap3A_342 {strides = array<i32>} : memref<2x512x64xf32, #tpu.memory_space<vmem>>, vector<1x1x16xf32>,
      %scan3A_343 = arith.constant 2 : i32
      %scan3A_344 = arith.addi %scan3A_214, %scan3A_343 : i32
      %get3A_345 = arith.constant 0 : i32
      %get3A_346 = arith.index_cast %get3A_345 : i32 to index
      %get3A_347 = arith.index_cast %scan3A_344 : i32 to index
      %get3A_348 = arith.constant 0 : index
      %get3A_349 = tpu.vector_load %arg6[%get3A_346, %get3A_347, %get3A_348] {strides = array<i32>} : memref<2x512x64xf32, #tpu.memory_space<vmem>>, vector<1x1x16xf32>,
      %get3A_350 = vector.shape_cast %get3A_349 : vector<1x1x16xf32> to vector<16xf32>
      %mul3A_351 = arith.constant 8.000000e+00 : f32
      %mul3A_352 = vector.broadcast %mul3A_351 : f32 to vector<16xf32>
      %mul3A_353 = arith.mulf %get3A_350, %mul3A_352 : vector<16xf32>
      %swap3A_354 = arith.constant 0 : i32
      %swap3A_355 = arith.index_cast %swap3A_354 : i32 to index
      %swap3A_356 = arith.index_cast %scan3A_344 : i32 to index
      %swap3A_357 = arith.constant 0 : index
      %swap3A_358 = tpu.vector_load %arg6[%swap3A_355, %swap3A_356, %swap3A_357] {strides = array<i32>} : memref<2x512x64xf32, #tpu.memory_space<vmem>>, vector<1x1x16xf32>,
      %swap3A_359 = vector.shape_cast %swap3A_358 : vector<1x1x16xf32> to vector<16xf32>
      %swap3A_360 = vector.shape_cast %mul3A_353 : vector<16xf32> to vector<1x1x16xf32>
      tpu.vector_store %arg6[%swap3A_355, %swap3A_356, %swap3A_357], %swap3A_360 {strides = array<i32>} : memref<2x512x64xf32, #tpu.memory_space<vmem>>, vector<1x1x16xf32>,
      %get3A_361 = arith.constant 0 : i32
      %get3A_362 = arith.index_cast %get3A_361 : i32 to index
      %get3A_363 = arith.index_cast %scan3A_344 : i32 to index
      %get3A_364 = arith.constant 16 : index
      %get3A_365 = tpu.vector_load %arg6[%get3A_362, %get3A_363, %get3A_364] {strides = array<i32>} : memref<2x512x64xf32, #tpu.memory_space<vmem>>, vector<1x1x16xf32>,
      %get3A_366 = vector.shape_cast %get3A_365 : vector<1x1x16xf32> to vector<16xf32>
      %mul3A_367 = arith.constant 8.000000e+00 : f32
      %mul3A_368 = vector.broadcast %mul3A_367 : f32 to vector<16xf32>
      %mul3A_369 = arith.mulf %get3A_366, %mul3A_368 : vector<16xf32>
      %swap3A_370 = arith.constant 0 : i32
      %swap3A_371 = arith.index_cast %swap3A_370 : i32 to index
      %swap3A_372 = arith.index_cast %scan3A_344 : i32 to index
      %swap3A_373 = arith.constant 16 : index
      %swap3A_374 = tpu.vector_load %arg6[%swap3A_371, %swap3A_372, %swap3A_373] {strides = array<i32>} : memref<2x512x64xf32, #tpu.memory_space<vmem>>, vector<1x1x16xf32>,
      %swap3A_375 = vector.shape_cast %swap3A_374 : vector<1x1x16xf32> to vector<16xf32>
      %swap3A_376 = vector.shape_cast %mul3A_369 : vector<16xf32> to vector<1x1x16xf32>
      tpu.vector_store %arg6[%swap3A_371, %swap3A_372, %swap3A_373], %swap3A_376 {strides = array<i32>} : memref<2x512x64xf32, #tpu.memory_space<vmem>>, vector<1x1x16xf32>,
      %get3A_377 = arith.constant 0 : i32
      %get3A_378 = arith.index_cast %get3A_377 : i32 to index
      %get3A_379 = arith.index_cast %scan3A_344 : i32 to index
      %get3A_380 = arith.constant 32 : index
      %get3A_381 = tpu.vector_load %arg6[%get3A_378, %get3A_379, %get3A_380] {strides = array<i32>} : memref<2x512x64xf32, #tpu.memory_space<vmem>>, vector<1x1x16xf32>,
      %get3A_382 = vector.shape_cast %get3A_381 : vector<1x1x16xf32> to vector<16xf32>
      %mul3A_383 = arith.constant 8.000000e+00 : f32
      %mul3A_384 = vector.broadcast %mul3A_383 : f32 to vector<16xf32>
      %mul3A_385 = arith.mulf %get3A_382, %mul3A_384 : vector<16xf32>
      %swap3A_386 = arith.constant 0 : i32
      %swap3A_387 = arith.index_cast %swap3A_386 : i32 to index
      %swap3A_388 = arith.index_cast %scan3A_344 : i32 to index
      %swap3A_389 = arith.constant 32 : index
      %swap3A_390 = tpu.vector_load %arg6[%swap3A_387, %swap3A_388, %swap3A_389] {strides = array<i32>} : memref<2x512x64xf32, #tpu.memory_space<vmem>>, vector<1x1x16xf32>,
      %swap3A_391 = vector.shape_cast %swap3A_390 : vector<1x1x16xf32> to vector<16xf32>
      %swap3A_392 = vector.shape_cast %mul3A_385 : vector<16xf32> to vector<1x1x16xf32>
      tpu.vector_store %arg6[%swap3A_387, %swap3A_388, %swap3A_389], %swap3A_392 {strides = array<i32>} : memref<2x512x64xf32, #tpu.memory_space<vmem>>, vector<1x1x16xf32>,
      %get3A_393 = arith.constant 0 : i32
      %get3A_394 = arith.index_cast %get3A_393 : i32 to index
      %get3A_395 = arith.index_cast %scan3A_344 : i32 to index
      %get3A_396 = arith.constant 48 : index
      %get3A_397 = tpu.vector_load %arg6[%get3A_394, %get3A_395, %get3A_396] {strides = array<i32>} : memref<2x512x64xf32, #tpu.memory_space<vmem>>, vector<1x1x16xf32>,
      %get3A_398 = vector.shape_cast %get3A_397 : vector<1x1x16xf32> to vector<16xf32>
      %mul3A_399 = arith.constant 8.000000e+00 : f32
      %mul3A_400 = vector.broadcast %mul3A_399 : f32 to vector<16xf32>
      %mul3A_401 = arith.mulf %get3A_398, %mul3A_400 : vector<16xf32>
      %swap3A_402 = arith.constant 0 : i32
      %swap3A_403 = arith.index_cast %swap3A_402 : i32 to index
      %swap3A_404 = arith.index_cast %scan3A_344 : i32 to index
      %swap3A_405 = arith.constant 48 : index
      %swap3A_406 = tpu.vector_load %arg6[%swap3A_403, %swap3A_404, %swap3A_405] {strides = array<i32>} : memref<2x512x64xf32, #tpu.memory_space<vmem>>, vector<1x1x16xf32>,
      %swap3A_407 = vector.shape_cast %swap3A_406 : vector<1x1x16xf32> to vector<16xf32>
      %swap3A_408 = vector.shape_cast %mul3A_401 : vector<16xf32> to vector<1x1x16xf32>
      tpu.vector_store %arg6[%swap3A_403, %swap3A_404, %swap3A_405], %swap3A_408 {strides = array<i32>} : memref<2x512x64xf32, #tpu.memory_space<vmem>>, vector<1x1x16xf32>,
      %scan3A_409 = arith.constant 3 : i32
      %scan3A_410 = arith.addi %scan3A_214, %scan3A_409 : i32
      %get3A_411 = arith.constant 0 : i32
      %get3A_412 = arith.index_cast %get3A_411 : i32 to index
      %get3A_413 = arith.index_cast %scan3A_410 : i32 to index
      %get3A_414 = arith.constant 0 : index
      %get3A_415 = tpu.vector_load %arg6[%get3A_412, %get3A_413, %get3A_414] {strides = array<i32>} : memref<2x512x64xf32, #tpu.memory_space<vmem>>, vector<1x1x16xf32>,
      %get3A_416 = vector.shape_cast %get3A_415 : vector<1x1x16xf32> to vector<16xf32>
      %mul3A_417 = arith.constant 8.000000e+00 : f32
      %mul3A_418 = vector.broadcast %mul3A_417 : f32 to vector<16xf32>
      %mul3A_419 = arith.mulf %get3A_416, %mul3A_418 : vector<16xf32>
      %swap3A_420 = arith.constant 0 : i32
      %swap3A_421 = arith.index_cast %swap3A_420 : i32 to index
      %swap3A_422 = arith.index_cast %scan3A_410 : i32 to index
      %swap3A_423 = arith.constant 0 : index
      %swap3A_424 = tpu.vector_load %arg6[%swap3A_421, %swap3A_422, %swap3A_423] {strides = array<i32>} : memref<2x512x64xf32, #tpu.memory_space<vmem>>, vector<1x1x16xf32>,
      %swap3A_425 = vector.shape_cast %swap3A_424 : vector<1x1x16xf32> to vector<16xf32>
      %swap3A_426 = vector.shape_cast %mul3A_419 : vector<16xf32> to vector<1x1x16xf32>
      tpu.vector_store %arg6[%swap3A_421, %swap3A_422, %swap3A_423], %swap3A_426 {strides = array<i32>} : memref<2x512x64xf32, #tpu.memory_space<vmem>>, vector<1x1x16xf32>,
      %get3A_427 = arith.constant 0 : i32
      %get3A_428 = arith.index_cast %get3A_427 : i32 to index
      %get3A_429 = arith.index_cast %scan3A_410 : i32 to index
      %get3A_430 = arith.constant 16 : index
      %get3A_431 = tpu.vector_load %arg6[%get3A_428, %get3A_429, %get3A_430] {strides = array<i32>} : memref<2x512x64xf32, #tpu.memory_space<vmem>>, vector<1x1x16xf32>,
      %get3A_432 = vector.shape_cast %get3A_431 : vector<1x1x16xf32> to vector<16xf32>
      %mul3A_433 = arith.constant 8.000000e+00 : f32
      %mul3A_434 = vector.broadcast %mul3A_433 : f32 to vector<16xf32>
      %mul3A_435 = arith.mulf %get3A_432, %mul3A_434 : vector<16xf32>
      %swap3A_436 = arith.constant 0 : i32
      %swap3A_437 = arith.index_cast %swap3A_436 : i32 to index
      %swap3A_438 = arith.index_cast %scan3A_410 : i32 to index
      %swap3A_439 = arith.constant 16 : index
      %swap3A_440 = tpu.vector_load %arg6[%swap3A_437, %swap3A_438, %swap3A_439] {strides = array<i32>} : memref<2x512x64xf32, #tpu.memory_space<vmem>>, vector<1x1x16xf32>,
      %swap3A_441 = vector.shape_cast %swap3A_440 : vector<1x1x16xf32> to vector<16xf32>
      %swap3A_442 = vector.shape_cast %mul3A_435 : vector<16xf32> to vector<1x1x16xf32>
      tpu.vector_store %arg6[%swap3A_437, %swap3A_438, %swap3A_439], %swap3A_442 {strides = array<i32>} : memref<2x512x64xf32, #tpu.memory_space<vmem>>, vector<1x1x16xf32>,
      %get3A_443 = arith.constant 0 : i32
      %get3A_444 = arith.index_cast %get3A_443 : i32 to index
      %get3A_445 = arith.index_cast %scan3A_410 : i32 to index
      %get3A_446 = arith.constant 32 : index
      %get3A_447 = tpu.vector_load %arg6[%get3A_444, %get3A_445, %get3A_446] {strides = array<i32>} : memref<2x512x64xf32, #tpu.memory_space<vmem>>, vector<1x1x16xf32>,
      %get3A_448 = vector.shape_cast %get3A_447 : vector<1x1x16xf32> to vector<16xf32>
      %mul3A_449 = arith.constant 8.000000e+00 : f32
      %mul3A_450 = vector.broadcast %mul3A_449 : f32 to vector<16xf32>
      %mul3A_451 = arith.mulf %get3A_448, %mul3A_450 : vector<16xf32>
      %swap3A_452 = arith.constant 0 : i32
      %swap3A_453 = arith.index_cast %swap3A_452 : i32 to index
      %swap3A_454 = arith.index_cast %scan3A_410 : i32 to index
      %swap3A_455 = arith.constant 32 : index
      %swap3A_456 = tpu.vector_load %arg6[%swap3A_453, %swap3A_454, %swap3A_455] {strides = array<i32>} : memref<2x512x64xf32, #tpu.memory_space<vmem>>, vector<1x1x16xf32>,
      %swap3A_457 = vector.shape_cast %swap3A_456 : vector<1x1x16xf32> to vector<16xf32>
      %swap3A_458 = vector.shape_cast %mul3A_451 : vector<16xf32> to vector<1x1x16xf32>
      tpu.vector_store %arg6[%swap3A_453, %swap3A_454, %swap3A_455], %swap3A_458 {strides = array<i32>} : memref<2x512x64xf32, #tpu.memory_space<vmem>>, vector<1x1x16xf32>,
      %get3A_459 = arith.constant 0 : i32
      %get3A_460 = arith.index_cast %get3A_459 : i32 to index
      %get3A_461 = arith.index_cast %scan3A_410 : i32 to index
      %get3A_462 = arith.constant 48 : index
      %get3A_463 = tpu.vector_load %arg6[%get3A_460, %get3A_461, %get3A_462] {strides = array<i32>} : memref<2x512x64xf32, #tpu.memory_space<vmem>>, vector<1x1x16xf32>,
      %get3A_464 = vector.shape_cast %get3A_463 : vector<1x1x16xf32> to vector<16xf32>
      %mul3A_465 = arith.constant 8.000000e+00 : f32
      %mul3A_466 = vector.broadcast %mul3A_465 : f32 to vector<16xf32>
      %mul3A_467 = arith.mulf %get3A_464, %mul3A_466 : vector<16xf32>
      %swap3A_468 = arith.constant 0 : i32
      %swap3A_469 = arith.index_cast %swap3A_468 : i32 to index
      %swap3A_470 = arith.index_cast %scan3A_410 : i32 to index
      %swap3A_471 = arith.constant 48 : index
      %swap3A_472 = tpu.vector_load %arg6[%swap3A_469, %swap3A_470, %swap3A_471] {strides = array<i32>} : memref<2x512x64xf32, #tpu.memory_space<vmem>>, vector<1x1x16xf32>,
      %swap3A_473 = vector.shape_cast %swap3A_472 : vector<1x1x16xf32> to vector<16xf32>
      %swap3A_474 = vector.shape_cast %mul3A_467 : vector<16xf32> to vector<1x1x16xf32>
      tpu.vector_store %arg6[%swap3A_469, %swap3A_470, %swap3A_471], %swap3A_474 {strides = array<i32>} : memref<2x512x64xf32, #tpu.memory_space<vmem>>, vector<1x1x16xf32>,
      %scan3A_475 = arith.constant 4 : i32
      %scan3A_476 = arith.addi %scan3A_214, %scan3A_475 : i32
      %get3A_477 = arith.constant 0 : i32
      %get3A_478 = arith.index_cast %get3A_477 : i32 to index
      %get3A_479 = arith.index_cast %scan3A_476 : i32 to index
      %get3A_480 = arith.constant 0 : index
      %get3A_481 = tpu.vector_load %arg6[%get3A_478, %get3A_479, %get3A_480] {strides = array<i32>} : memref<2x512x64xf32, #tpu.memory_space<vmem>>, vector<1x1x16xf32>,
      %get3A_482 = vector.shape_cast %get3A_481 : vector<1x1x16xf32> to vector<16xf32>
      %mul3A_483 = arith.constant 8.000000e+00 : f32
      %mul3A_484 = vector.broadcast %mul3A_483 : f32 to vector<16xf32>
      %mul3A_485 = arith.mulf %get3A_482, %mul3A_484 : vector<16xf32>
      %swap3A_486 = arith.constant 0 : i32
      %swap3A_487 = arith.index_cast %swap3A_486 : i32 to index
      %swap3A_488 = arith.index_cast %scan3A_476 : i32 to index
      %swap3A_489 = arith.constant 0 : index
      %swap3A_490 = tpu.vector_load %arg6[%swap3A_487, %swap3A_488, %swap3A_489] {strides = array<i32>} : memref<2x512x64xf32, #tpu.memory_space<vmem>>, vector<1x1x16xf32>,
      %swap3A_491 = vector.shape_cast %swap3A_490 : vector<1x1x16xf32> to vector<16xf32>
      %swap3A_492 = vector.shape_cast %mul3A_485 : vector<16xf32> to vector<1x1x16xf32>
      tpu.vector_store %arg6[%swap3A_487, %swap3A_488, %swap3A_489], %swap3A_492 {strides = array<i32>} : memref<2x512x64xf32, #tpu.memory_space<vmem>>, vector<1x1x16xf32>,
      %get3A_493 = arith.constant 0 : i32
      %get3A_494 = arith.index_cast %get3A_493 : i32 to index
      %get3A_495 = arith.index_cast %scan3A_476 : i32 to index
      %get3A_496 = arith.constant 16 : index
      %get3A_497 = tpu.vector_load %arg6[%get3A_494, %get3A_495, %get3A_496] {strides = array<i32>} : memref<2x512x64xf32, #tpu.memory_space<vmem>>, vector<1x1x16xf32>,
      %get3A_498 = vector.shape_cast %get3A_497 : vector<1x1x16xf32> to vector<16xf32>
      %mul3A_499 = arith.constant 8.000000e+00 : f32
      %mul3A_500 = vector.broadcast %mul3A_499 : f32 to vector<16xf32>
      %mul3A_501 = arith.mulf %get3A_498, %mul3A_500 : vector<16xf32>
      %swap3A_502 = arith.constant 0 : i32
      %swap3A_503 = arith.index_cast %swap3A_502 : i32 to index
      %swap3A_504 = arith.index_cast %scan3A_476 : i32 to index
      %swap3A_505 = arith.constant 16 : index
      %swap3A_506 = tpu.vector_load %arg6[%swap3A_503, %swap3A_504, %swap3A_505] {strides = array<i32>} : memref<2x512x64xf32, #tpu.memory_space<vmem>>, vector<1x1x16xf32>,
      %swap3A_507 = vector.shape_cast %swap3A_506 : vector<1x1x16xf32> to vector<16xf32>
      %swap3A_508 = vector.shape_cast %mul3A_501 : vector<16xf32> to vector<1x1x16xf32>
      tpu.vector_store %arg6[%swap3A_503, %swap3A_504, %swap3A_505], %swap3A_508 {strides = array<i32>} : memref<2x512x64xf32, #tpu.memory_space<vmem>>, vector<1x1x16xf32>,
      %get3A_509 = arith.constant 0 : i32
      %get3A_510 = arith.index_cast %get3A_509 : i32 to index
      %get3A_511 = arith.index_cast %scan3A_476 : i32 to index
      %get3A_512 = arith.constant 32 : index
      %get3A_513 = tpu.vector_load %arg6[%get3A_510, %get3A_511, %get3A_512] {strides = array<i32>} : memref<2x512x64xf32, #tpu.memory_space<vmem>>, vector<1x1x16xf32>,
      %get3A_514 = vector.shape_cast %get3A_513 : vector<1x1x16xf32> to vector<16xf32>
      %mul3A_515 = arith.constant 8.000000e+00 : f32
      %mul3A_516 = vector.broadcast %mul3A_515 : f32 to vector<16xf32>
      %mul3A_517 = arith.mulf %get3A_514, %mul3A_516 : vector<16xf32>
      %swap3A_518 = arith.constant 0 : i32
      %swap3A_519 = arith.index_cast %swap3A_518 : i32 to index
      %swap3A_520 = arith.index_cast %scan3A_476 : i32 to index
      %swap3A_521 = arith.constant 32 : index
      %swap3A_522 = tpu.vector_load %arg6[%swap3A_519, %swap3A_520, %swap3A_521] {strides = array<i32>} : memref<2x512x64xf32, #tpu.memory_space<vmem>>, vector<1x1x16xf32>,
      %swap3A_523 = vector.shape_cast %swap3A_522 : vector<1x1x16xf32> to vector<16xf32>
      %swap3A_524 = vector.shape_cast %mul3A_517 : vector<16xf32> to vector<1x1x16xf32>
      tpu.vector_store %arg6[%swap3A_519, %swap3A_520, %swap3A_521], %swap3A_524 {strides = array<i32>} : memref<2x512x64xf32, #tpu.memory_space<vmem>>, vector<1x1x16xf32>,
      %get3A_525 = arith.constant 0 : i32
      %get3A_526 = arith.index_cast %get3A_525 : i32 to index
      %get3A_527 = arith.index_cast %scan3A_476 : i32 to index
      %get3A_528 = arith.constant 48 : index
      %get3A_529 = tpu.vector_load %arg6[%get3A_526, %get3A_527, %get3A_528] {strides = array<i32>} : memref<2x512x64xf32, #tpu.memory_space<vmem>>, vector<1x1x16xf32>,
      %get3A_530 = vector.shape_cast %get3A_529 : vector<1x1x16xf32> to vector<16xf32>
      %mul3A_531 = arith.constant 8.000000e+00 : f32
      %mul3A_532 = vector.broadcast %mul3A_531 : f32 to vector<16xf32>
      %mul3A_533 = arith.mulf %get3A_530, %mul3A_532 : vector<16xf32>
      %swap3A_534 = arith.constant 0 : i32
      %swap3A_535 = arith.index_cast %swap3A_534 : i32 to index
      %swap3A_536 = arith.index_cast %scan3A_476 : i32 to index
      %swap3A_537 = arith.constant 48 : index
      %swap3A_538 = tpu.vector_load %arg6[%swap3A_535, %swap3A_536, %swap3A_537] {strides = array<i32>} : memref<2x512x64xf32, #tpu.memory_space<vmem>>, vector<1x1x16xf32>,
      %swap3A_539 = vector.shape_cast %swap3A_538 : vector<1x1x16xf32> to vector<16xf32>
      %swap3A_540 = vector.shape_cast %mul3A_533 : vector<16xf32> to vector<1x1x16xf32>
      tpu.vector_store %arg6[%swap3A_535, %swap3A_536, %swap3A_537], %swap3A_540 {strides = array<i32>} : memref<2x512x64xf32, #tpu.memory_space<vmem>>, vector<1x1x16xf32>,
      %scan3A_541 = arith.constant 5 : i32
      %scan3A_542 = arith.addi %scan3A_214, %scan3A_541 : i32
      %get3A_543 = arith.constant 0 : i32
      %get3A_544 = arith.index_cast %get3A_543 : i32 to index
      %get3A_545 = arith.index_cast %scan3A_542 : i32 to index
      %get3A_546 = arith.constant 0 : index
      %get3A_547 = tpu.vector_load %arg6[%get3A_544, %get3A_545, %get3A_546] {strides = array<i32>} : memref<2x512x64xf32, #tpu.memory_space<vmem>>, vector<1x1x16xf32>,
      %get3A_548 = vector.shape_cast %get3A_547 : vector<1x1x16xf32> to vector<16xf32>
      %mul3A_549 = arith.constant 8.000000e+00 : f32
      %mul3A_550 = vector.broadcast %mul3A_549 : f32 to vector<16xf32>
      %mul3A_551 = arith.mulf %get3A_548, %mul3A_550 : vector<16xf32>
      %swap3A_552 = arith.constant 0 : i32
      %swap3A_553 = arith.index_cast %swap3A_552 : i32 to index
      %swap3A_554 = arith.index_cast %scan3A_542 : i32 to index
      %swap3A_555 = arith.constant 0 : index
      %swap3A_556 = tpu.vector_load %arg6[%swap3A_553, %swap3A_554, %swap3A_555] {strides = array<i32>} : memref<2x512x64xf32, #tpu.memory_space<vmem>>, vector<1x1x16xf32>,
      %swap3A_557 = vector.shape_cast %swap3A_556 : vector<1x1x16xf32> to vector<16xf32>
      %swap3A_558 = vector.shape_cast %mul3A_551 : vector<16xf32> to vector<1x1x16xf32>
      tpu.vector_store %arg6[%swap3A_553, %swap3A_554, %swap3A_555], %swap3A_558 {strides = array<i32>} : memref<2x512x64xf32, #tpu.memory_space<vmem>>, vector<1x1x16xf32>,
      %get3A_559 = arith.constant 0 : i32
      %get3A_560 = arith.index_cast %get3A_559 : i32 to index
      %get3A_561 = arith.index_cast %scan3A_542 : i32 to index
      %get3A_562 = arith.constant 16 : index
      %get3A_563 = tpu.vector_load %arg6[%get3A_560, %get3A_561, %get3A_562] {strides = array<i32>} : memref<2x512x64xf32, #tpu.memory_space<vmem>>, vector<1x1x16xf32>,
      %get3A_564 = vector.shape_cast %get3A_563 : vector<1x1x16xf32> to vector<16xf32>
      %mul3A_565 = arith.constant 8.000000e+00 : f32
      %mul3A_566 = vector.broadcast %mul3A_565 : f32 to vector<16xf32>
      %mul3A_567 = arith.mulf %get3A_564, %mul3A_566 : vector<16xf32>
      %swap3A_568 = arith.constant 0 : i32
      %swap3A_569 = arith.index_cast %swap3A_568 : i32 to index
      %swap3A_570 = arith.index_cast %scan3A_542 : i32 to index
      %swap3A_571 = arith.constant 16 : index
      %swap3A_572 = tpu.vector_load %arg6[%swap3A_569, %swap3A_570, %swap3A_571] {strides = array<i32>} : memref<2x512x64xf32, #tpu.memory_space<vmem>>, vector<1x1x16xf32>,
      %swap3A_573 = vector.shape_cast %swap3A_572 : vector<1x1x16xf32> to vector<16xf32>
      %swap3A_574 = vector.shape_cast %mul3A_567 : vector<16xf32> to vector<1x1x16xf32>
      tpu.vector_store %arg6[%swap3A_569, %swap3A_570, %swap3A_571], %swap3A_574 {strides = array<i32>} : memref<2x512x64xf32, #tpu.memory_space<vmem>>, vector<1x1x16xf32>,
      %get3A_575 = arith.constant 0 : i32
      %get3A_576 = arith.index_cast %get3A_575 : i32 to index
      %get3A_577 = arith.index_cast %scan3A_542 : i32 to index
      %get3A_578 = arith.constant 32 : index
      %get3A_579 = tpu.vector_load %arg6[%get3A_576, %get3A_577, %get3A_578] {strides = array<i32>} : memref<2x512x64xf32, #tpu.memory_space<vmem>>, vector<1x1x16xf32>,
      %get3A_580 = vector.shape_cast %get3A_579 : vector<1x1x16xf32> to vector<16xf32>
      %mul3A_581 = arith.constant 8.000000e+00 : f32
      %mul3A_582 = vector.broadcast %mul3A_581 : f32 to vector<16xf32>
      %mul3A_583 = arith.mulf %get3A_580, %mul3A_582 : vector<16xf32>
      %swap3A_584 = arith.constant 0 : i32
      %swap3A_585 = arith.index_cast %swap3A_584 : i32 to index
      %swap3A_586 = arith.index_cast %scan3A_542 : i32 to index
      %swap3A_587 = arith.constant 32 : index
      %swap3A_588 = tpu.vector_load %arg6[%swap3A_585, %swap3A_586, %swap3A_587] {strides = array<i32>} : memref<2x512x64xf32, #tpu.memory_space<vmem>>, vector<1x1x16xf32>,
      %swap3A_589 = vector.shape_cast %swap3A_588 : vector<1x1x16xf32> to vector<16xf32>
      %swap3A_590 = vector.shape_cast %mul3A_583 : vector<16xf32> to vector<1x1x16xf32>
      tpu.vector_store %arg6[%swap3A_585, %swap3A_586, %swap3A_587], %swap3A_590 {strides = array<i32>} : memref<2x512x64xf32, #tpu.memory_space<vmem>>, vector<1x1x16xf32>,
      %get3A_591 = arith.constant 0 : i32
      %get3A_592 = arith.index_cast %get3A_591 : i32 to index
      %get3A_593 = arith.index_cast %scan3A_542 : i32 to index
      %get3A_594 = arith.constant 48 : index
      %get3A_595 = tpu.vector_load %arg6[%get3A_592, %get3A_593, %get3A_594] {strides = array<i32>} : memref<2x512x64xf32, #tpu.memory_space<vmem>>, vector<1x1x16xf32>,
      %get3A_596 = vector.shape_cast %get3A_595 : vector<1x1x16xf32> to vector<16xf32>
      %mul3A_597 = arith.constant 8.000000e+00 : f32
      %mul3A_598 = vector.broadcast %mul3A_597 : f32 to vector<16xf32>
      %mul3A_599 = arith.mulf %get3A_596, %mul3A_598 : vector<16xf32>
      %swap3A_600 = arith.constant 0 : i32
      %swap3A_601 = arith.index_cast %swap3A_600 : i32 to index
      %swap3A_602 = arith.index_cast %scan3A_542 : i32 to index
      %swap3A_603 = arith.constant 48 : index
      %swap3A_604 = tpu.vector_load %arg6[%swap3A_601, %swap3A_602, %swap3A_603] {strides = array<i32>} : memref<2x512x64xf32, #tpu.memory_space<vmem>>, vector<1x1x16xf32>,
      %swap3A_605 = vector.shape_cast %swap3A_604 : vector<1x1x16xf32> to vector<16xf32>
      %swap3A_606 = vector.shape_cast %mul3A_599 : vector<16xf32> to vector<1x1x16xf32>
      tpu.vector_store %arg6[%swap3A_601, %swap3A_602, %swap3A_603], %swap3A_606 {strides = array<i32>} : memref<2x512x64xf32, #tpu.memory_space<vmem>>, vector<1x1x16xf32>,
      %scan3A_607 = arith.constant 6 : i32
      %scan3A_608 = arith.addi %scan3A_214, %scan3A_607 : i32
      %get3A_609 = arith.constant 0 : i32
      %get3A_610 = arith.index_cast %get3A_609 : i32 to index
      %get3A_611 = arith.index_cast %scan3A_608 : i32 to index
      %get3A_612 = arith.constant 0 : index
      %get3A_613 = tpu.vector_load %arg6[%get3A_610, %get3A_611, %get3A_612] {strides = array<i32>} : memref<2x512x64xf32, #tpu.memory_space<vmem>>, vector<1x1x16xf32>,
      %get3A_614 = vector.shape_cast %get3A_613 : vector<1x1x16xf32> to vector<16xf32>
      %mul3A_615 = arith.constant 8.000000e+00 : f32
      %mul3A_616 = vector.broadcast %mul3A_615 : f32 to vector<16xf32>
      %mul3A_617 = arith.mulf %get3A_614, %mul3A_616 : vector<16xf32>
      %swap3A_618 = arith.constant 0 : i32
      %swap3A_619 = arith.index_cast %swap3A_618 : i32 to index
      %swap3A_620 = arith.index_cast %scan3A_608 : i32 to index
      %swap3A_621 = arith.constant 0 : index
      %swap3A_622 = tpu.vector_load %arg6[%swap3A_619, %swap3A_620, %swap3A_621] {strides = array<i32>} : memref<2x512x64xf32, #tpu.memory_space<vmem>>, vector<1x1x16xf32>,
      %swap3A_623 = vector.shape_cast %swap3A_622 : vector<1x1x16xf32> to vector<16xf32>
      %swap3A_624 = vector.shape_cast %mul3A_617 : vector<16xf32> to vector<1x1x16xf32>
      tpu.vector_store %arg6[%swap3A_619, %swap3A_620, %swap3A_621], %swap3A_624 {strides = array<i32>} : memref<2x512x64xf32, #tpu.memory_space<vmem>>, vector<1x1x16xf32>,
      %get3A_625 = arith.constant 0 : i32
      %get3A_626 = arith.index_cast %get3A_625 : i32 to index
      %get3A_627 = arith.index_cast %scan3A_608 : i32 to index
      %get3A_628 = arith.constant 16 : index
      %get3A_629 = tpu.vector_load %arg6[%get3A_626, %get3A_627, %get3A_628] {strides = array<i32>} : memref<2x512x64xf32, #tpu.memory_space<vmem>>, vector<1x1x16xf32>,
      %get3A_630 = vector.shape_cast %get3A_629 : vector<1x1x16xf32> to vector<16xf32>
      %mul3A_631 = arith.constant 8.000000e+00 : f32
      %mul3A_632 = vector.broadcast %mul3A_631 : f32 to vector<16xf32>
      %mul3A_633 = arith.mulf %get3A_630, %mul3A_632 : vector<16xf32>
      %swap3A_634 = arith.constant 0 : i32
      %swap3A_635 = arith.index_cast %swap3A_634 : i32 to index
      %swap3A_636 = arith.index_cast %scan3A_608 : i32 to index
      %swap3A_637 = arith.constant 16 : index
      %swap3A_638 = tpu.vector_load %arg6[%swap3A_635, %swap3A_636, %swap3A_637] {strides = array<i32>} : memref<2x512x64xf32, #tpu.memory_space<vmem>>, vector<1x1x16xf32>,
      %swap3A_639 = vector.shape_cast %swap3A_638 : vector<1x1x16xf32> to vector<16xf32>
      %swap3A_640 = vector.shape_cast %mul3A_633 : vector<16xf32> to vector<1x1x16xf32>
      tpu.vector_store %arg6[%swap3A_635, %swap3A_636, %swap3A_637], %swap3A_640 {strides = array<i32>} : memref<2x512x64xf32, #tpu.memory_space<vmem>>, vector<1x1x16xf32>,
      %get3A_641 = arith.constant 0 : i32
      %get3A_642 = arith.index_cast %get3A_641 : i32 to index
      %get3A_643 = arith.index_cast %scan3A_608 : i32 to index
      %get3A_644 = arith.constant 32 : index
      %get3A_645 = tpu.vector_load %arg6[%get3A_642, %get3A_643, %get3A_644] {strides = array<i32>} : memref<2x512x64xf32, #tpu.memory_space<vmem>>, vector<1x1x16xf32>,
      %get3A_646 = vector.shape_cast %get3A_645 : vector<1x1x16xf32> to vector<16xf32>
      %mul3A_647 = arith.constant 8.000000e+00 : f32
      %mul3A_648 = vector.broadcast %mul3A_647 : f32 to vector<16xf32>
      %mul3A_649 = arith.mulf %get3A_646, %mul3A_648 : vector<16xf32>
      %swap3A_650 = arith.constant 0 : i32
      %swap3A_651 = arith.index_cast %swap3A_650 : i32 to index
      %swap3A_652 = arith.index_cast %scan3A_608 : i32 to index
      %swap3A_653 = arith.constant 32 : index
      %swap3A_654 = tpu.vector_load %arg6[%swap3A_651, %swap3A_652, %swap3A_653] {strides = array<i32>} : memref<2x512x64xf32, #tpu.memory_space<vmem>>, vector<1x1x16xf32>,
      %swap3A_655 = vector.shape_cast %swap3A_654 : vector<1x1x16xf32> to vector<16xf32>
      %swap3A_656 = vector.shape_cast %mul3A_649 : vector<16xf32> to vector<1x1x16xf32>
      tpu.vector_store %arg6[%swap3A_651, %swap3A_652, %swap3A_653], %swap3A_656 {strides = array<i32>} : memref<2x512x64xf32, #tpu.memory_space<vmem>>, vector<1x1x16xf32>,
      %get3A_657 = arith.constant 0 : i32
      %get3A_658 = arith.index_cast %get3A_657 : i32 to index
      %get3A_659 = arith.index_cast %scan3A_608 : i32 to index
      %get3A_660 = arith.constant 48 : index
      %get3A_661 = tpu.vector_load %arg6[%get3A_658, %get3A_659, %get3A_660] {strides = array<i32>} : memref<2x512x64xf32, #tpu.memory_space<vmem>>, vector<1x1x16xf32>,
      %get3A_662 = vector.shape_cast %get3A_661 : vector<1x1x16xf32> to vector<16xf32>
      %mul3A_663 = arith.constant 8.000000e+00 : f32
      %mul3A_664 = vector.broadcast %mul3A_663 : f32 to vector<16xf32>
      %mul3A_665 = arith.mulf %get3A_662, %mul3A_664 : vector<16xf32>
      %swap3A_666 = arith.constant 0 : i32
      %swap3A_667 = arith.index_cast %swap3A_666 : i32 to index
      %swap3A_668 = arith.index_cast %scan3A_608 : i32 to index
      %swap3A_669 = arith.constant 48 : index
      %swap3A_670 = tpu.vector_load %arg6[%swap3A_667, %swap3A_668, %swap3A_669] {strides = array<i32>} : memref<2x512x64xf32, #tpu.memory_space<vmem>>, vector<1x1x16xf32>,
      %swap3A_671 = vector.shape_cast %swap3A_670 : vector<1x1x16xf32> to vector<16xf32>
      %swap3A_672 = vector.shape_cast %mul3A_665 : vector<16xf32> to vector<1x1x16xf32>
      tpu.vector_store %arg6[%swap3A_667, %swap3A_668, %swap3A_669], %swap3A_672 {strides = array<i32>} : memref<2x512x64xf32, #tpu.memory_space<vmem>>, vector<1x1x16xf32>,
      %scan3A_673 = arith.constant 7 : i32
      %scan3A_674 = arith.addi %scan3A_214, %scan3A_673 : i32
      %get3A_675 = arith.constant 0 : i32
      %get3A_676 = arith.index_cast %get3A_675 : i32 to index
      %get3A_677 = arith.index_cast %scan3A_674 : i32 to index
      %get3A_678 = arith.constant 0 : index
      %get3A_679 = tpu.vector_load %arg6[%get3A_676, %get3A_677, %get3A_678] {strides = array<i32>} : memref<2x512x64xf32, #tpu.memory_space<vmem>>, vector<1x1x16xf32>,
      %get3A_680 = vector.shape_cast %get3A_679 : vector<1x1x16xf32> to vector<16xf32>
      %mul3A_681 = arith.constant 8.000000e+00 : f32
      %mul3A_682 = vector.broadcast %mul3A_681 : f32 to vector<16xf32>
      %mul3A_683 = arith.mulf %get3A_680, %mul3A_682 : vector<16xf32>
      %swap3A_684 = arith.constant 0 : i32
      %swap3A_685 = arith.index_cast %swap3A_684 : i32 to index
      %swap3A_686 = arith.index_cast %scan3A_674 : i32 to index
      %swap3A_687 = arith.constant 0 : index
      %swap3A_688 = tpu.vector_load %arg6[%swap3A_685, %swap3A_686, %swap3A_687] {strides = array<i32>} : memref<2x512x64xf32, #tpu.memory_space<vmem>>, vector<1x1x16xf32>,
      %swap3A_689 = vector.shape_cast %swap3A_688 : vector<1x1x16xf32> to vector<16xf32>
      %swap3A_690 = vector.shape_cast %mul3A_683 : vector<16xf32> to vector<1x1x16xf32>
      tpu.vector_store %arg6[%swap3A_685, %swap3A_686, %swap3A_687], %swap3A_690 {strides = array<i32>} : memref<2x512x64xf32, #tpu.memory_space<vmem>>, vector<1x1x16xf32>,
      %get3A_691 = arith.constant 0 : i32
      %get3A_692 = arith.index_cast %get3A_691 : i32 to index
      %get3A_693 = arith.index_cast %scan3A_674 : i32 to index
      %get3A_694 = arith.constant 16 : index
      %get3A_695 = tpu.vector_load %arg6[%get3A_692, %get3A_693, %get3A_694] {strides = array<i32>} : memref<2x512x64xf32, #tpu.memory_space<vmem>>, vector<1x1x16xf32>,
      %get3A_696 = vector.shape_cast %get3A_695 : vector<1x1x16xf32> to vector<16xf32>
      %mul3A_697 = arith.constant 8.000000e+00 : f32
      %mul3A_698 = vector.broadcast %mul3A_697 : f32 to vector<16xf32>
      %mul3A_699 = arith.mulf %get3A_696, %mul3A_698 : vector<16xf32>
      %swap3A_700 = arith.constant 0 : i32
      %swap3A_701 = arith.index_cast %swap3A_700 : i32 to index
      %swap3A_702 = arith.index_cast %scan3A_674 : i32 to index
      %swap3A_703 = arith.constant 16 : index
      %swap3A_704 = tpu.vector_load %arg6[%swap3A_701, %swap3A_702, %swap3A_703] {strides = array<i32>} : memref<2x512x64xf32, #tpu.memory_space<vmem>>, vector<1x1x16xf32>,
      %swap3A_705 = vector.shape_cast %swap3A_704 : vector<1x1x16xf32> to vector<16xf32>
      %swap3A_706 = vector.shape_cast %mul3A_699 : vector<16xf32> to vector<1x1x16xf32>
      tpu.vector_store %arg6[%swap3A_701, %swap3A_702, %swap3A_703], %swap3A_706 {strides = array<i32>} : memref<2x512x64xf32, #tpu.memory_space<vmem>>, vector<1x1x16xf32>,
      %get3A_707 = arith.constant 0 : i32
      %get3A_708 = arith.index_cast %get3A_707 : i32 to index
      %get3A_709 = arith.index_cast %scan3A_674 : i32 to index
      %get3A_710 = arith.constant 32 : index
      %get3A_711 = tpu.vector_load %arg6[%get3A_708, %get3A_709, %get3A_710] {strides = array<i32>} : memref<2x512x64xf32, #tpu.memory_space<vmem>>, vector<1x1x16xf32>,
      %get3A_712 = vector.shape_cast %get3A_711 : vector<1x1x16xf32> to vector<16xf32>
      %mul3A_713 = arith.constant 8.000000e+00 : f32
      %mul3A_714 = vector.broadcast %mul3A_713 : f32 to vector<16xf32>
      %mul3A_715 = arith.mulf %get3A_712, %mul3A_714 : vector<16xf32>
      %swap3A_716 = arith.constant 0 : i32
      %swap3A_717 = arith.index_cast %swap3A_716 : i32 to index
      %swap3A_718 = arith.index_cast %scan3A_674 : i32 to index
      %swap3A_719 = arith.constant 32 : index
      %swap3A_720 = tpu.vector_load %arg6[%swap3A_717, %swap3A_718, %swap3A_719] {strides = array<i32>} : memref<2x512x64xf32, #tpu.memory_space<vmem>>, vector<1x1x16xf32>,
      %swap3A_721 = vector.shape_cast %swap3A_720 : vector<1x1x16xf32> to vector<16xf32>
      %swap3A_722 = vector.shape_cast %mul3A_715 : vector<16xf32> to vector<1x1x16xf32>
      tpu.vector_store %arg6[%swap3A_717, %swap3A_718, %swap3A_719], %swap3A_722 {strides = array<i32>} : memref<2x512x64xf32, #tpu.memory_space<vmem>>, vector<1x1x16xf32>,
      %get3A_723 = arith.constant 0 : i32
      %get3A_724 = arith.index_cast %get3A_723 : i32 to index
      %get3A_725 = arith.index_cast %scan3A_674 : i32 to index
      %get3A_726 = arith.constant 48 : index
      %get3A_727 = tpu.vector_load %arg6[%get3A_724, %get3A_725, %get3A_726] {strides = array<i32>} : memref<2x512x64xf32, #tpu.memory_space<vmem>>, vector<1x1x16xf32>,
      %get3A_728 = vector.shape_cast %get3A_727 : vector<1x1x16xf32> to vector<16xf32>
      %mul3A_729 = arith.constant 8.000000e+00 : f32
      %mul3A_730 = vector.broadcast %mul3A_729 : f32 to vector<16xf32>
      %mul3A_731 = arith.mulf %get3A_728, %mul3A_730 : vector<16xf32>
      %swap3A_732 = arith.constant 0 : i32
      %swap3A_733 = arith.index_cast %swap3A_732 : i32 to index
      %swap3A_734 = arith.index_cast %scan3A_674 : i32 to index
      %swap3A_735 = arith.constant 48 : index
      %swap3A_736 = tpu.vector_load %arg6[%swap3A_733, %swap3A_734, %swap3A_735] {strides = array<i32>} : memref<2x512x64xf32, #tpu.memory_space<vmem>>, vector<1x1x16xf32>,
      %swap3A_737 = vector.shape_cast %swap3A_736 : vector<1x1x16xf32> to vector<16xf32>
      %swap3A_738 = vector.shape_cast %mul3A_731 : vector<16xf32> to vector<1x1x16xf32>
      tpu.vector_store %arg6[%swap3A_733, %swap3A_734, %swap3A_735], %swap3A_738 {strides = array<i32>} : memref<2x512x64xf32, #tpu.memory_space<vmem>>, vector<1x1x16xf32>,
    }
    %scan3A_151 = arith.constant 512 : i32
    %mul3A_152 = arith.constant 25600 : i32
    %mul3A_153 = arith.muli %add3A, %mul3A_152 : i32
    %add3A_154 = arith.constant 24576 : i32
    %add3A_155 = arith.addi %mul3A_153, %add3A_154 : i32
    %run_scoped3A = arith.constant 0 : i32
    "tpu.region"() ({
      %run_scoped3A_214 = tpu.sem_alloc : memref<!tpu.dma_semaphore, #tpu.memory_space<semaphore_mem>>
      %dma_start3A_215 = arith.constant 0 : i32
      %dma_start3A_216 = arith.constant 0 : i32
      %dma_start3A_217 = tpu.memref_slice %arg6[%run_scoped3A, %dma_start3A_215, %dma_start3A_216] : memref<2x512x64xf32, #tpu.memory_space<vmem>> -> memref<1x512x64xf32, #tpu.memory_space<vmem>>
      %dma_start3A_218 = tpu.memref_squeeze %dma_start3A_217 : memref<1x512x64xf32, #tpu.memory_space<vmem>> -> memref<512x64xf32, #tpu.memory_space<vmem>>
      %dma_start3A_219 = arith.constant 0 : i32
      %dma_start3A_220 = tpu.memref_slice %arg4[%add3A_155, %dma_start3A_219] : memref<819200x128xf32, #tpu.memory_space<hbm>> -> memref<512x64xf32, #tpu.memory_space<hbm>>
      %dma_start3A_221 = arith.constant 0 : i32
      %dma_start3A_222 = tpu.memref_slice %arg4[%add3A_155, %dma_start3A_221] : memref<819200x128xf32, #tpu.memory_space<hbm>> -> memref<512x64xf32, #tpu.memory_space<hbm>>
      %dma_start3A_223 = arith.constant 0 : i32
      %dma_start3A_224 = arith.constant 0 : i32
      %dma_start3A_225 = tpu.memref_slice %arg6[%run_scoped3A, %dma_start3A_223, %dma_start3A_224] : memref<2x512x64xf32, #tpu.memory_space<vmem>> -> memref<1x512x64xf32, #tpu.memory_space<vmem>>
      %dma_start3A_226 = tpu.memref_squeeze %dma_start3A_225 : memref<1x512x64xf32, #tpu.memory_space<vmem>> -> memref<512x64xf32, #tpu.memory_space<vmem>>
      tpu.enqueue_dma source(%dma_start3A_226 : memref<512x64xf32, #tpu.memory_space<vmem>>) target(%dma_start3A_222 : memref<512x64xf32, #tpu.memory_space<hbm>>) target_semaphore(%run_scoped3A_214 : memref<!tpu.dma_semaphore, #tpu.memory_space<semaphore_mem>>)
      %dma_wait3A_227 = arith.constant 0 : i32
      %dma_wait3A_228 = arith.constant 0 : i32
      %dma_wait3A_229 = tpu.memref_slice %arg6[%run_scoped3A, %dma_wait3A_227, %dma_wait3A_228] : memref<2x512x64xf32, #tpu.memory_space<vmem>> -> memref<1x512x64xf32, #tpu.memory_space<vmem>>
      %dma_wait3A_230 = tpu.memref_squeeze %dma_wait3A_229 : memref<1x512x64xf32, #tpu.memory_space<vmem>> -> memref<512x64xf32, #tpu.memory_space<vmem>>
      %dma_wait3A_231 = arith.constant 0 : i32
      %dma_wait3A_232 = tpu.memref_slice %arg4[%add3A_155, %dma_wait3A_231] : memref<819200x128xf32, #tpu.memory_space<hbm>> -> memref<512x64xf32, #tpu.memory_space<hbm>>
      %dma_wait3A_233 = arith.constant 0 : i32
      %dma_wait3A_234 = tpu.memref_slice %arg4[%add3A_155, %dma_wait3A_233] : memref<819200x128xf32, #tpu.memory_space<hbm>> -> memref<512x64xf32, #tpu.memory_space<hbm>>
      %dma_wait3A_235 = arith.constant 0 : i32
      %dma_wait3A_236 = arith.constant 0 : i32
      %dma_wait3A_237 = tpu.memref_slice %arg6[%run_scoped3A, %dma_wait3A_235, %dma_wait3A_236] : memref<2x512x64xf32, #tpu.memory_space<vmem>> -> memref<1x512x64xf32, #tpu.memory_space<vmem>>
      %dma_wait3A_238 = tpu.memref_squeeze %dma_wait3A_237 : memref<1x512x64xf32, #tpu.memory_space<vmem>> -> memref<512x64xf32, #tpu.memory_space<vmem>>
      tpu.wait_dma2 semaphore(%run_scoped3A_214 : memref<!tpu.dma_semaphore, #tpu.memory_space<semaphore_mem>>) src(%dma_wait3A_238 : memref<512x64xf32, #tpu.memory_space<vmem>>) dst(%dma_wait3A_234 : memref<512x64xf32, #tpu.memory_space<hbm>>)
      tpu.yield
    }) : () -> ()
    %dma_wait3A_156 = arith.constant 196 : i32
    %dma_wait3A_157 = arith.constant 1 : i32
    %dma_wait3A_158 = arith.constant 0 : i32
    %dma_wait3A_159 = arith.constant 0 : i32
    %dma_wait3A_160 = tpu.memref_slice %arg6[%dma_wait3A_157, %dma_wait3A_158, %dma_wait3A_159] : memref<2x512x64xf32, #tpu.memory_space<vmem>> -> memref<1x128x64xf32, #tpu.memory_space<vmem>>
    %dma_wait3A_161 = tpu.memref_squeeze %dma_wait3A_160 : memref<1x128x64xf32, #tpu.memory_space<vmem>> -> memref<128x64xf32, #tpu.memory_space<vmem>>
    %dma_wait3A_162 = arith.constant 0 : i32
    %dma_wait3A_163 = tpu.memref_slice %arg5[%dma_wait3A_156, %dma_wait3A_162] : memref<200x128xi32, #tpu.memory_space<vmem>> -> memref<1x128xi32, #tpu.memory_space<vmem>>
    %dma_wait3A_164 = tpu.memref_squeeze %dma_wait3A_163 : memref<1x128xi32, #tpu.memory_space<vmem>> -> memref<128xi32, #tpu.memory_space<vmem>>
    %dma_wait3A_165 = arith.constant 0 : i32
    %dma_wait3A_166 = arith.constant 0 : i32
    %dma_wait3A_167 = tpu.memref_slice %arg3[%dma_wait3A_165, %dma_wait3A_166] : memref<1000000x64xf32, #tpu.memory_space<hbm>> -> memref<1000000x64xf32, #tpu.memory_space<hbm>>
    tpu.wait_indirect_dma semaphore(%arg8 : memref<!tpu.dma_semaphore, #tpu.memory_space<semaphore_mem>>) src(%dma_wait3A_167 : memref<1000000x64xf32, #tpu.memory_space<hbm>>) dst(%dma_wait3A_161 : memref<128x64xf32, #tpu.memory_space<vmem>>)
    %dma_wait3A_168 = arith.constant 197 : i32
    %dma_wait3A_169 = arith.constant 1 : i32
    %dma_wait3A_170 = arith.constant 128 : i32
    %dma_wait3A_171 = arith.constant 0 : i32
    %dma_wait3A_172 = tpu.memref_slice %arg6[%dma_wait3A_169, %dma_wait3A_170, %dma_wait3A_171] : memref<2x512x64xf32, #tpu.memory_space<vmem>> -> memref<1x128x64xf32, #tpu.memory_space<vmem>>
    %dma_wait3A_173 = tpu.memref_squeeze %dma_wait3A_172 : memref<1x128x64xf32, #tpu.memory_space<vmem>> -> memref<128x64xf32, #tpu.memory_space<vmem>>
    %dma_wait3A_174 = arith.constant 0 : i32
    %dma_wait3A_175 = tpu.memref_slice %arg5[%dma_wait3A_168, %dma_wait3A_174] : memref<200x128xi32, #tpu.memory_space<vmem>> -> memref<1x128xi32, #tpu.memory_space<vmem>>
    %dma_wait3A_176 = tpu.memref_squeeze %dma_wait3A_175 : memref<1x128xi32, #tpu.memory_space<vmem>> -> memref<128xi32, #tpu.memory_space<vmem>>
    %dma_wait3A_177 = arith.constant 0 : i32
    %dma_wait3A_178 = arith.constant 0 : i32
    %dma_wait3A_179 = tpu.memref_slice %arg3[%dma_wait3A_177, %dma_wait3A_178] : memref<1000000x64xf32, #tpu.memory_space<hbm>> -> memref<1000000x64xf32, #tpu.memory_space<hbm>>
    tpu.wait_indirect_dma semaphore(%arg8 : memref<!tpu.dma_semaphore, #tpu.memory_space<semaphore_mem>>) src(%dma_wait3A_179 : memref<1000000x64xf32, #tpu.memory_space<hbm>>) dst(%dma_wait3A_173 : memref<128x64xf32, #tpu.memory_space<vmem>>)
    %dma_wait3A_180 = arith.constant 198 : i32
    %dma_wait3A_181 = arith.constant 1 : i32
    %dma_wait3A_182 = arith.constant 256 : i32
    %dma_wait3A_183 = arith.constant 0 : i32
    %dma_wait3A_184 = tpu.memref_slice %arg6[%dma_wait3A_181, %dma_wait3A_182, %dma_wait3A_183] : memref<2x512x64xf32, #tpu.memory_space<vmem>> -> memref<1x128x64xf32, #tpu.memory_space<vmem>>
    %dma_wait3A_185 = tpu.memref_squeeze %dma_wait3A_184 : memref<1x128x64xf32, #tpu.memory_space<vmem>> -> memref<128x64xf32, #tpu.memory_space<vmem>>
    %dma_wait3A_186 = arith.constant 0 : i32
    %dma_wait3A_187 = tpu.memref_slice %arg5[%dma_wait3A_180, %dma_wait3A_186] : memref<200x128xi32, #tpu.memory_space<vmem>> -> memref<1x128xi32, #tpu.memory_space<vmem>>
    %dma_wait3A_188 = tpu.memref_squeeze %dma_wait3A_187 : memref<1x128xi32, #tpu.memory_space<vmem>> -> memref<128xi32, #tpu.memory_space<vmem>>
    %dma_wait3A_189 = arith.constant 0 : i32
    %dma_wait3A_190 = arith.constant 0 : i32
    %dma_wait3A_191 = tpu.memref_slice %arg3[%dma_wait3A_189, %dma_wait3A_190] : memref<1000000x64xf32, #tpu.memory_space<hbm>> -> memref<1000000x64xf32, #tpu.memory_space<hbm>>
    tpu.wait_indirect_dma semaphore(%arg8 : memref<!tpu.dma_semaphore, #tpu.memory_space<semaphore_mem>>) src(%dma_wait3A_191 : memref<1000000x64xf32, #tpu.memory_space<hbm>>) dst(%dma_wait3A_185 : memref<128x64xf32, #tpu.memory_space<vmem>>)
    %dma_wait3A_192 = arith.constant 199 : i32
    %dma_wait3A_193 = arith.constant 1 : i32
    %dma_wait3A_194 = arith.constant 384 : i32
    %dma_wait3A_195 = arith.constant 0 : i32
    %dma_wait3A_196 = tpu.memref_slice %arg6[%dma_wait3A_193, %dma_wait3A_194, %dma_wait3A_195] : memref<2x512x64xf32, #tpu.memory_space<vmem>> -> memref<1x128x64xf32, #tpu.memory_space<vmem>>
    %dma_wait3A_197 = tpu.memref_squeeze %dma_wait3A_196 : memref<1x128x64xf32, #tpu.memory_space<vmem>> -> memref<128x64xf32, #tpu.memory_space<vmem>>
    %dma_wait3A_198 = arith.constant 0 : i32
    %dma_wait3A_199 = tpu.memref_slice %arg5[%dma_wait3A_192, %dma_wait3A_198] : memref<200x128xi32, #tpu.memory_space<vmem>> -> memref<1x128xi32, #tpu.memory_space<vmem>>
    %dma_wait3A_200 = tpu.memref_squeeze %dma_wait3A_199 : memref<1x128xi32, #tpu.memory_space<vmem>> -> memref<128xi32, #tpu.memory_space<vmem>>
    %dma_wait3A_201 = arith.constant 0 : i32
    %dma_wait3A_202 = arith.constant 0 : i32
    %dma_wait3A_203 = tpu.memref_slice %arg3[%dma_wait3A_201, %dma_wait3A_202] : memref<1000000x64xf32, #tpu.memory_space<hbm>> -> memref<1000000x64xf32, #tpu.memory_space<hbm>>
    tpu.wait_indirect_dma semaphore(%arg8 : memref<!tpu.dma_semaphore, #tpu.memory_space<semaphore_mem>>) src(%dma_wait3A_203 : memref<1000000x64xf32, #tpu.memory_space<hbm>>) dst(%dma_wait3A_197 : memref<128x64xf32, #tpu.memory_space<vmem>>)
    %scan3A_204 = arith.constant 0 : i32
    %scan3A_205 = arith.constant 512 : i32
    %scan3A_206 = arith.addi %scan3A_204, %scan3A_205 : i32
    %scan3A_207 = arith.constant 8 : i32
    scf.for %scan3A_214 = %scan3A_204 to %scan3A_206 step %scan3A_207  : i32 {
      %get3A = arith.constant 1 : i32
      %get3A_215 = arith.index_cast %get3A : i32 to index
      %get3A_216 = arith.index_cast %scan3A_214 : i32 to index
      %get3A_217 = arith.constant 0 : index
      %get3A_218 = tpu.vector_load %arg6[%get3A_215, %get3A_216, %get3A_217] {strides = array<i32>} : memref<2x512x64xf32, #tpu.memory_space<vmem>>, vector<1x1x16xf32>,
      %get3A_219 = vector.shape_cast %get3A_218 : vector<1x1x16xf32> to vector<16xf32>
      %mul3A_220 = arith.constant 8.000000e+00 : f32
      %mul3A_221 = vector.broadcast %mul3A_220 : f32 to vector<16xf32>
      %mul3A_222 = arith.mulf %get3A_219, %mul3A_221 : vector<16xf32>
      %swap3A = arith.constant 1 : i32
      %swap3A_223 = arith.index_cast %swap3A : i32 to index
      %swap3A_224 = arith.index_cast %scan3A_214 : i32 to index
      %swap3A_225 = arith.constant 0 : index
      %swap3A_226 = tpu.vector_load %arg6[%swap3A_223, %swap3A_224, %swap3A_225] {strides = array<i32>} : memref<2x512x64xf32, #tpu.memory_space<vmem>>, vector<1x1x16xf32>,
      %swap3A_227 = vector.shape_cast %swap3A_226 : vector<1x1x16xf32> to vector<16xf32>
      %swap3A_228 = vector.shape_cast %mul3A_222 : vector<16xf32> to vector<1x1x16xf32>
      tpu.vector_store %arg6[%swap3A_223, %swap3A_224, %swap3A_225], %swap3A_228 {strides = array<i32>} : memref<2x512x64xf32, #tpu.memory_space<vmem>>, vector<1x1x16xf32>,
      %get3A_229 = arith.constant 1 : i32
      %get3A_230 = arith.index_cast %get3A_229 : i32 to index
      %get3A_231 = arith.index_cast %scan3A_214 : i32 to index
      %get3A_232 = arith.constant 16 : index
      %get3A_233 = tpu.vector_load %arg6[%get3A_230, %get3A_231, %get3A_232] {strides = array<i32>} : memref<2x512x64xf32, #tpu.memory_space<vmem>>, vector<1x1x16xf32>,
      %get3A_234 = vector.shape_cast %get3A_233 : vector<1x1x16xf32> to vector<16xf32>
      %mul3A_235 = arith.constant 8.000000e+00 : f32
      %mul3A_236 = vector.broadcast %mul3A_235 : f32 to vector<16xf32>
      %mul3A_237 = arith.mulf %get3A_234, %mul3A_236 : vector<16xf32>
      %swap3A_238 = arith.constant 1 : i32
      %swap3A_239 = arith.index_cast %swap3A_238 : i32 to index
      %swap3A_240 = arith.index_cast %scan3A_214 : i32 to index
      %swap3A_241 = arith.constant 16 : index
      %swap3A_242 = tpu.vector_load %arg6[%swap3A_239, %swap3A_240, %swap3A_241] {strides = array<i32>} : memref<2x512x64xf32, #tpu.memory_space<vmem>>, vector<1x1x16xf32>,
      %swap3A_243 = vector.shape_cast %swap3A_242 : vector<1x1x16xf32> to vector<16xf32>
      %swap3A_244 = vector.shape_cast %mul3A_237 : vector<16xf32> to vector<1x1x16xf32>
      tpu.vector_store %arg6[%swap3A_239, %swap3A_240, %swap3A_241], %swap3A_244 {strides = array<i32>} : memref<2x512x64xf32, #tpu.memory_space<vmem>>, vector<1x1x16xf32>,
      %get3A_245 = arith.constant 1 : i32
      %get3A_246 = arith.index_cast %get3A_245 : i32 to index
      %get3A_247 = arith.index_cast %scan3A_214 : i32 to index
      %get3A_248 = arith.constant 32 : index
      %get3A_249 = tpu.vector_load %arg6[%get3A_246, %get3A_247, %get3A_248] {strides = array<i32>} : memref<2x512x64xf32, #tpu.memory_space<vmem>>, vector<1x1x16xf32>,
      %get3A_250 = vector.shape_cast %get3A_249 : vector<1x1x16xf32> to vector<16xf32>
      %mul3A_251 = arith.constant 8.000000e+00 : f32
      %mul3A_252 = vector.broadcast %mul3A_251 : f32 to vector<16xf32>
      %mul3A_253 = arith.mulf %get3A_250, %mul3A_252 : vector<16xf32>
      %swap3A_254 = arith.constant 1 : i32
      %swap3A_255 = arith.index_cast %swap3A_254 : i32 to index
      %swap3A_256 = arith.index_cast %scan3A_214 : i32 to index
      %swap3A_257 = arith.constant 32 : index
      %swap3A_258 = tpu.vector_load %arg6[%swap3A_255, %swap3A_256, %swap3A_257] {strides = array<i32>} : memref<2x512x64xf32, #tpu.memory_space<vmem>>, vector<1x1x16xf32>,
      %swap3A_259 = vector.shape_cast %swap3A_258 : vector<1x1x16xf32> to vector<16xf32>
      %swap3A_260 = vector.shape_cast %mul3A_253 : vector<16xf32> to vector<1x1x16xf32>
      tpu.vector_store %arg6[%swap3A_255, %swap3A_256, %swap3A_257], %swap3A_260 {strides = array<i32>} : memref<2x512x64xf32, #tpu.memory_space<vmem>>, vector<1x1x16xf32>,
      %get3A_261 = arith.constant 1 : i32
      %get3A_262 = arith.index_cast %get3A_261 : i32 to index
      %get3A_263 = arith.index_cast %scan3A_214 : i32 to index
      %get3A_264 = arith.constant 48 : index
      %get3A_265 = tpu.vector_load %arg6[%get3A_262, %get3A_263, %get3A_264] {strides = array<i32>} : memref<2x512x64xf32, #tpu.memory_space<vmem>>, vector<1x1x16xf32>,
      %get3A_266 = vector.shape_cast %get3A_265 : vector<1x1x16xf32> to vector<16xf32>
      %mul3A_267 = arith.constant 8.000000e+00 : f32
      %mul3A_268 = vector.broadcast %mul3A_267 : f32 to vector<16xf32>
      %mul3A_269 = arith.mulf %get3A_266, %mul3A_268 : vector<16xf32>
      %swap3A_270 = arith.constant 1 : i32
      %swap3A_271 = arith.index_cast %swap3A_270 : i32 to index
      %swap3A_272 = arith.index_cast %scan3A_214 : i32 to index
      %swap3A_273 = arith.constant 48 : index
      %swap3A_274 = tpu.vector_load %arg6[%swap3A_271, %swap3A_272, %swap3A_273] {strides = array<i32>} : memref<2x512x64xf32, #tpu.memory_space<vmem>>, vector<1x1x16xf32>,
      %swap3A_275 = vector.shape_cast %swap3A_274 : vector<1x1x16xf32> to vector<16xf32>
      %swap3A_276 = vector.shape_cast %mul3A_269 : vector<16xf32> to vector<1x1x16xf32>
      tpu.vector_store %arg6[%swap3A_271, %swap3A_272, %swap3A_273], %swap3A_276 {strides = array<i32>} : memref<2x512x64xf32, #tpu.memory_space<vmem>>, vector<1x1x16xf32>,
      %scan3A_277 = arith.constant 1 : i32
      %scan3A_278 = arith.addi %scan3A_214, %scan3A_277 : i32
      %get3A_279 = arith.constant 1 : i32
      %get3A_280 = arith.index_cast %get3A_279 : i32 to index
      %get3A_281 = arith.index_cast %scan3A_278 : i32 to index
      %get3A_282 = arith.constant 0 : index
      %get3A_283 = tpu.vector_load %arg6[%get3A_280, %get3A_281, %get3A_282] {strides = array<i32>} : memref<2x512x64xf32, #tpu.memory_space<vmem>>, vector<1x1x16xf32>,
      %get3A_284 = vector.shape_cast %get3A_283 : vector<1x1x16xf32> to vector<16xf32>
      %mul3A_285 = arith.constant 8.000000e+00 : f32
      %mul3A_286 = vector.broadcast %mul3A_285 : f32 to vector<16xf32>
      %mul3A_287 = arith.mulf %get3A_284, %mul3A_286 : vector<16xf32>
      %swap3A_288 = arith.constant 1 : i32
      %swap3A_289 = arith.index_cast %swap3A_288 : i32 to index
      %swap3A_290 = arith.index_cast %scan3A_278 : i32 to index
      %swap3A_291 = arith.constant 0 : index
      %swap3A_292 = tpu.vector_load %arg6[%swap3A_289, %swap3A_290, %swap3A_291] {strides = array<i32>} : memref<2x512x64xf32, #tpu.memory_space<vmem>>, vector<1x1x16xf32>,
      %swap3A_293 = vector.shape_cast %swap3A_292 : vector<1x1x16xf32> to vector<16xf32>
      %swap3A_294 = vector.shape_cast %mul3A_287 : vector<16xf32> to vector<1x1x16xf32>
      tpu.vector_store %arg6[%swap3A_289, %swap3A_290, %swap3A_291], %swap3A_294 {strides = array<i32>} : memref<2x512x64xf32, #tpu.memory_space<vmem>>, vector<1x1x16xf32>,
      %get3A_295 = arith.constant 1 : i32
      %get3A_296 = arith.index_cast %get3A_295 : i32 to index
      %get3A_297 = arith.index_cast %scan3A_278 : i32 to index
      %get3A_298 = arith.constant 16 : index
      %get3A_299 = tpu.vector_load %arg6[%get3A_296, %get3A_297, %get3A_298] {strides = array<i32>} : memref<2x512x64xf32, #tpu.memory_space<vmem>>, vector<1x1x16xf32>,
      %get3A_300 = vector.shape_cast %get3A_299 : vector<1x1x16xf32> to vector<16xf32>
      %mul3A_301 = arith.constant 8.000000e+00 : f32
      %mul3A_302 = vector.broadcast %mul3A_301 : f32 to vector<16xf32>
      %mul3A_303 = arith.mulf %get3A_300, %mul3A_302 : vector<16xf32>
      %swap3A_304 = arith.constant 1 : i32
      %swap3A_305 = arith.index_cast %swap3A_304 : i32 to index
      %swap3A_306 = arith.index_cast %scan3A_278 : i32 to index
      %swap3A_307 = arith.constant 16 : index
      %swap3A_308 = tpu.vector_load %arg6[%swap3A_305, %swap3A_306, %swap3A_307] {strides = array<i32>} : memref<2x512x64xf32, #tpu.memory_space<vmem>>, vector<1x1x16xf32>,
      %swap3A_309 = vector.shape_cast %swap3A_308 : vector<1x1x16xf32> to vector<16xf32>
      %swap3A_310 = vector.shape_cast %mul3A_303 : vector<16xf32> to vector<1x1x16xf32>
      tpu.vector_store %arg6[%swap3A_305, %swap3A_306, %swap3A_307], %swap3A_310 {strides = array<i32>} : memref<2x512x64xf32, #tpu.memory_space<vmem>>, vector<1x1x16xf32>,
      %get3A_311 = arith.constant 1 : i32
      %get3A_312 = arith.index_cast %get3A_311 : i32 to index
      %get3A_313 = arith.index_cast %scan3A_278 : i32 to index
      %get3A_314 = arith.constant 32 : index
      %get3A_315 = tpu.vector_load %arg6[%get3A_312, %get3A_313, %get3A_314] {strides = array<i32>} : memref<2x512x64xf32, #tpu.memory_space<vmem>>, vector<1x1x16xf32>,
      %get3A_316 = vector.shape_cast %get3A_315 : vector<1x1x16xf32> to vector<16xf32>
      %mul3A_317 = arith.constant 8.000000e+00 : f32
      %mul3A_318 = vector.broadcast %mul3A_317 : f32 to vector<16xf32>
      %mul3A_319 = arith.mulf %get3A_316, %mul3A_318 : vector<16xf32>
      %swap3A_320 = arith.constant 1 : i32
      %swap3A_321 = arith.index_cast %swap3A_320 : i32 to index
      %swap3A_322 = arith.index_cast %scan3A_278 : i32 to index
      %swap3A_323 = arith.constant 32 : index
      %swap3A_324 = tpu.vector_load %arg6[%swap3A_321, %swap3A_322, %swap3A_323] {strides = array<i32>} : memref<2x512x64xf32, #tpu.memory_space<vmem>>, vector<1x1x16xf32>,
      %swap3A_325 = vector.shape_cast %swap3A_324 : vector<1x1x16xf32> to vector<16xf32>
      %swap3A_326 = vector.shape_cast %mul3A_319 : vector<16xf32> to vector<1x1x16xf32>
      tpu.vector_store %arg6[%swap3A_321, %swap3A_322, %swap3A_323], %swap3A_326 {strides = array<i32>} : memref<2x512x64xf32, #tpu.memory_space<vmem>>, vector<1x1x16xf32>,
      %get3A_327 = arith.constant 1 : i32
      %get3A_328 = arith.index_cast %get3A_327 : i32 to index
      %get3A_329 = arith.index_cast %scan3A_278 : i32 to index
      %get3A_330 = arith.constant 48 : index
      %get3A_331 = tpu.vector_load %arg6[%get3A_328, %get3A_329, %get3A_330] {strides = array<i32>} : memref<2x512x64xf32, #tpu.memory_space<vmem>>, vector<1x1x16xf32>,
      %get3A_332 = vector.shape_cast %get3A_331 : vector<1x1x16xf32> to vector<16xf32>
      %mul3A_333 = arith.constant 8.000000e+00 : f32
      %mul3A_334 = vector.broadcast %mul3A_333 : f32 to vector<16xf32>
      %mul3A_335 = arith.mulf %get3A_332, %mul3A_334 : vector<16xf32>
      %swap3A_336 = arith.constant 1 : i32
      %swap3A_337 = arith.index_cast %swap3A_336 : i32 to index
      %swap3A_338 = arith.index_cast %scan3A_278 : i32 to index
      %swap3A_339 = arith.constant 48 : index
      %swap3A_340 = tpu.vector_load %arg6[%swap3A_337, %swap3A_338, %swap3A_339] {strides = array<i32>} : memref<2x512x64xf32, #tpu.memory_space<vmem>>, vector<1x1x16xf32>,
      %swap3A_341 = vector.shape_cast %swap3A_340 : vector<1x1x16xf32> to vector<16xf32>
      %swap3A_342 = vector.shape_cast %mul3A_335 : vector<16xf32> to vector<1x1x16xf32>
      tpu.vector_store %arg6[%swap3A_337, %swap3A_338, %swap3A_339], %swap3A_342 {strides = array<i32>} : memref<2x512x64xf32, #tpu.memory_space<vmem>>, vector<1x1x16xf32>,
      %scan3A_343 = arith.constant 2 : i32
      %scan3A_344 = arith.addi %scan3A_214, %scan3A_343 : i32
      %get3A_345 = arith.constant 1 : i32
      %get3A_346 = arith.index_cast %get3A_345 : i32 to index
      %get3A_347 = arith.index_cast %scan3A_344 : i32 to index
      %get3A_348 = arith.constant 0 : index
      %get3A_349 = tpu.vector_load %arg6[%get3A_346, %get3A_347, %get3A_348] {strides = array<i32>} : memref<2x512x64xf32, #tpu.memory_space<vmem>>, vector<1x1x16xf32>,
      %get3A_350 = vector.shape_cast %get3A_349 : vector<1x1x16xf32> to vector<16xf32>
      %mul3A_351 = arith.constant 8.000000e+00 : f32
      %mul3A_352 = vector.broadcast %mul3A_351 : f32 to vector<16xf32>
      %mul3A_353 = arith.mulf %get3A_350, %mul3A_352 : vector<16xf32>
      %swap3A_354 = arith.constant 1 : i32
      %swap3A_355 = arith.index_cast %swap3A_354 : i32 to index
      %swap3A_356 = arith.index_cast %scan3A_344 : i32 to index
      %swap3A_357 = arith.constant 0 : index
      %swap3A_358 = tpu.vector_load %arg6[%swap3A_355, %swap3A_356, %swap3A_357] {strides = array<i32>} : memref<2x512x64xf32, #tpu.memory_space<vmem>>, vector<1x1x16xf32>,
      %swap3A_359 = vector.shape_cast %swap3A_358 : vector<1x1x16xf32> to vector<16xf32>
      %swap3A_360 = vector.shape_cast %mul3A_353 : vector<16xf32> to vector<1x1x16xf32>
      tpu.vector_store %arg6[%swap3A_355, %swap3A_356, %swap3A_357], %swap3A_360 {strides = array<i32>} : memref<2x512x64xf32, #tpu.memory_space<vmem>>, vector<1x1x16xf32>,
      %get3A_361 = arith.constant 1 : i32
      %get3A_362 = arith.index_cast %get3A_361 : i32 to index
      %get3A_363 = arith.index_cast %scan3A_344 : i32 to index
      %get3A_364 = arith.constant 16 : index
      %get3A_365 = tpu.vector_load %arg6[%get3A_362, %get3A_363, %get3A_364] {strides = array<i32>} : memref<2x512x64xf32, #tpu.memory_space<vmem>>, vector<1x1x16xf32>,
      %get3A_366 = vector.shape_cast %get3A_365 : vector<1x1x16xf32> to vector<16xf32>
      %mul3A_367 = arith.constant 8.000000e+00 : f32
      %mul3A_368 = vector.broadcast %mul3A_367 : f32 to vector<16xf32>
      %mul3A_369 = arith.mulf %get3A_366, %mul3A_368 : vector<16xf32>
      %swap3A_370 = arith.constant 1 : i32
      %swap3A_371 = arith.index_cast %swap3A_370 : i32 to index
      %swap3A_372 = arith.index_cast %scan3A_344 : i32 to index
      %swap3A_373 = arith.constant 16 : index
      %swap3A_374 = tpu.vector_load %arg6[%swap3A_371, %swap3A_372, %swap3A_373] {strides = array<i32>} : memref<2x512x64xf32, #tpu.memory_space<vmem>>, vector<1x1x16xf32>,
      %swap3A_375 = vector.shape_cast %swap3A_374 : vector<1x1x16xf32> to vector<16xf32>
      %swap3A_376 = vector.shape_cast %mul3A_369 : vector<16xf32> to vector<1x1x16xf32>
      tpu.vector_store %arg6[%swap3A_371, %swap3A_372, %swap3A_373], %swap3A_376 {strides = array<i32>} : memref<2x512x64xf32, #tpu.memory_space<vmem>>, vector<1x1x16xf32>,
      %get3A_377 = arith.constant 1 : i32
      %get3A_378 = arith.index_cast %get3A_377 : i32 to index
      %get3A_379 = arith.index_cast %scan3A_344 : i32 to index
      %get3A_380 = arith.constant 32 : index
      %get3A_381 = tpu.vector_load %arg6[%get3A_378, %get3A_379, %get3A_380] {strides = array<i32>} : memref<2x512x64xf32, #tpu.memory_space<vmem>>, vector<1x1x16xf32>,
      %get3A_382 = vector.shape_cast %get3A_381 : vector<1x1x16xf32> to vector<16xf32>
      %mul3A_383 = arith.constant 8.000000e+00 : f32
      %mul3A_384 = vector.broadcast %mul3A_383 : f32 to vector<16xf32>
      %mul3A_385 = arith.mulf %get3A_382, %mul3A_384 : vector<16xf32>
      %swap3A_386 = arith.constant 1 : i32
      %swap3A_387 = arith.index_cast %swap3A_386 : i32 to index
      %swap3A_388 = arith.index_cast %scan3A_344 : i32 to index
      %swap3A_389 = arith.constant 32 : index
      %swap3A_390 = tpu.vector_load %arg6[%swap3A_387, %swap3A_388, %swap3A_389] {strides = array<i32>} : memref<2x512x64xf32, #tpu.memory_space<vmem>>, vector<1x1x16xf32>,
      %swap3A_391 = vector.shape_cast %swap3A_390 : vector<1x1x16xf32> to vector<16xf32>
      %swap3A_392 = vector.shape_cast %mul3A_385 : vector<16xf32> to vector<1x1x16xf32>
      tpu.vector_store %arg6[%swap3A_387, %swap3A_388, %swap3A_389], %swap3A_392 {strides = array<i32>} : memref<2x512x64xf32, #tpu.memory_space<vmem>>, vector<1x1x16xf32>,
      %get3A_393 = arith.constant 1 : i32
      %get3A_394 = arith.index_cast %get3A_393 : i32 to index
      %get3A_395 = arith.index_cast %scan3A_344 : i32 to index
      %get3A_396 = arith.constant 48 : index
      %get3A_397 = tpu.vector_load %arg6[%get3A_394, %get3A_395, %get3A_396] {strides = array<i32>} : memref<2x512x64xf32, #tpu.memory_space<vmem>>, vector<1x1x16xf32>,
      %get3A_398 = vector.shape_cast %get3A_397 : vector<1x1x16xf32> to vector<16xf32>
      %mul3A_399 = arith.constant 8.000000e+00 : f32
      %mul3A_400 = vector.broadcast %mul3A_399 : f32 to vector<16xf32>
      %mul3A_401 = arith.mulf %get3A_398, %mul3A_400 : vector<16xf32>
      %swap3A_402 = arith.constant 1 : i32
      %swap3A_403 = arith.index_cast %swap3A_402 : i32 to index
      %swap3A_404 = arith.index_cast %scan3A_344 : i32 to index
      %swap3A_405 = arith.constant 48 : index
      %swap3A_406 = tpu.vector_load %arg6[%swap3A_403, %swap3A_404, %swap3A_405] {strides = array<i32>} : memref<2x512x64xf32, #tpu.memory_space<vmem>>, vector<1x1x16xf32>,
      %swap3A_407 = vector.shape_cast %swap3A_406 : vector<1x1x16xf32> to vector<16xf32>
      %swap3A_408 = vector.shape_cast %mul3A_401 : vector<16xf32> to vector<1x1x16xf32>
      tpu.vector_store %arg6[%swap3A_403, %swap3A_404, %swap3A_405], %swap3A_408 {strides = array<i32>} : memref<2x512x64xf32, #tpu.memory_space<vmem>>, vector<1x1x16xf32>,
      %scan3A_409 = arith.constant 3 : i32
      %scan3A_410 = arith.addi %scan3A_214, %scan3A_409 : i32
      %get3A_411 = arith.constant 1 : i32
      %get3A_412 = arith.index_cast %get3A_411 : i32 to index
      %get3A_413 = arith.index_cast %scan3A_410 : i32 to index
      %get3A_414 = arith.constant 0 : index
      %get3A_415 = tpu.vector_load %arg6[%get3A_412, %get3A_413, %get3A_414] {strides = array<i32>} : memref<2x512x64xf32, #tpu.memory_space<vmem>>, vector<1x1x16xf32>,
      %get3A_416 = vector.shape_cast %get3A_415 : vector<1x1x16xf32> to vector<16xf32>
      %mul3A_417 = arith.constant 8.000000e+00 : f32
      %mul3A_418 = vector.broadcast %mul3A_417 : f32 to vector<16xf32>
      %mul3A_419 = arith.mulf %get3A_416, %mul3A_418 : vector<16xf32>
      %swap3A_420 = arith.constant 1 : i32
      %swap3A_421 = arith.index_cast %swap3A_420 : i32 to index
      %swap3A_422 = arith.index_cast %scan3A_410 : i32 to index
      %swap3A_423 = arith.constant 0 : index
      %swap3A_424 = tpu.vector_load %arg6[%swap3A_421, %swap3A_422, %swap3A_423] {strides = array<i32>} : memref<2x512x64xf32, #tpu.memory_space<vmem>>, vector<1x1x16xf32>,
      %swap3A_425 = vector.shape_cast %swap3A_424 : vector<1x1x16xf32> to vector<16xf32>
      %swap3A_426 = vector.shape_cast %mul3A_419 : vector<16xf32> to vector<1x1x16xf32>
      tpu.vector_store %arg6[%swap3A_421, %swap3A_422, %swap3A_423], %swap3A_426 {strides = array<i32>} : memref<2x512x64xf32, #tpu.memory_space<vmem>>, vector<1x1x16xf32>,
      %get3A_427 = arith.constant 1 : i32
      %get3A_428 = arith.index_cast %get3A_427 : i32 to index
      %get3A_429 = arith.index_cast %scan3A_410 : i32 to index
      %get3A_430 = arith.constant 16 : index
      %get3A_431 = tpu.vector_load %arg6[%get3A_428, %get3A_429, %get3A_430] {strides = array<i32>} : memref<2x512x64xf32, #tpu.memory_space<vmem>>, vector<1x1x16xf32>,
      %get3A_432 = vector.shape_cast %get3A_431 : vector<1x1x16xf32> to vector<16xf32>
      %mul3A_433 = arith.constant 8.000000e+00 : f32
      %mul3A_434 = vector.broadcast %mul3A_433 : f32 to vector<16xf32>
      %mul3A_435 = arith.mulf %get3A_432, %mul3A_434 : vector<16xf32>
      %swap3A_436 = arith.constant 1 : i32
      %swap3A_437 = arith.index_cast %swap3A_436 : i32 to index
      %swap3A_438 = arith.index_cast %scan3A_410 : i32 to index
      %swap3A_439 = arith.constant 16 : index
      %swap3A_440 = tpu.vector_load %arg6[%swap3A_437, %swap3A_438, %swap3A_439] {strides = array<i32>} : memref<2x512x64xf32, #tpu.memory_space<vmem>>, vector<1x1x16xf32>,
      %swap3A_441 = vector.shape_cast %swap3A_440 : vector<1x1x16xf32> to vector<16xf32>
      %swap3A_442 = vector.shape_cast %mul3A_435 : vector<16xf32> to vector<1x1x16xf32>
      tpu.vector_store %arg6[%swap3A_437, %swap3A_438, %swap3A_439], %swap3A_442 {strides = array<i32>} : memref<2x512x64xf32, #tpu.memory_space<vmem>>, vector<1x1x16xf32>,
      %get3A_443 = arith.constant 1 : i32
      %get3A_444 = arith.index_cast %get3A_443 : i32 to index
      %get3A_445 = arith.index_cast %scan3A_410 : i32 to index
      %get3A_446 = arith.constant 32 : index
      %get3A_447 = tpu.vector_load %arg6[%get3A_444, %get3A_445, %get3A_446] {strides = array<i32>} : memref<2x512x64xf32, #tpu.memory_space<vmem>>, vector<1x1x16xf32>,
      %get3A_448 = vector.shape_cast %get3A_447 : vector<1x1x16xf32> to vector<16xf32>
      %mul3A_449 = arith.constant 8.000000e+00 : f32
      %mul3A_450 = vector.broadcast %mul3A_449 : f32 to vector<16xf32>
      %mul3A_451 = arith.mulf %get3A_448, %mul3A_450 : vector<16xf32>
      %swap3A_452 = arith.constant 1 : i32
      %swap3A_453 = arith.index_cast %swap3A_452 : i32 to index
      %swap3A_454 = arith.index_cast %scan3A_410 : i32 to index
      %swap3A_455 = arith.constant 32 : index
      %swap3A_456 = tpu.vector_load %arg6[%swap3A_453, %swap3A_454, %swap3A_455] {strides = array<i32>} : memref<2x512x64xf32, #tpu.memory_space<vmem>>, vector<1x1x16xf32>,
      %swap3A_457 = vector.shape_cast %swap3A_456 : vector<1x1x16xf32> to vector<16xf32>
      %swap3A_458 = vector.shape_cast %mul3A_451 : vector<16xf32> to vector<1x1x16xf32>
      tpu.vector_store %arg6[%swap3A_453, %swap3A_454, %swap3A_455], %swap3A_458 {strides = array<i32>} : memref<2x512x64xf32, #tpu.memory_space<vmem>>, vector<1x1x16xf32>,
      %get3A_459 = arith.constant 1 : i32
      %get3A_460 = arith.index_cast %get3A_459 : i32 to index
      %get3A_461 = arith.index_cast %scan3A_410 : i32 to index
      %get3A_462 = arith.constant 48 : index
      %get3A_463 = tpu.vector_load %arg6[%get3A_460, %get3A_461, %get3A_462] {strides = array<i32>} : memref<2x512x64xf32, #tpu.memory_space<vmem>>, vector<1x1x16xf32>,
      %get3A_464 = vector.shape_cast %get3A_463 : vector<1x1x16xf32> to vector<16xf32>
      %mul3A_465 = arith.constant 8.000000e+00 : f32
      %mul3A_466 = vector.broadcast %mul3A_465 : f32 to vector<16xf32>
      %mul3A_467 = arith.mulf %get3A_464, %mul3A_466 : vector<16xf32>
      %swap3A_468 = arith.constant 1 : i32
      %swap3A_469 = arith.index_cast %swap3A_468 : i32 to index
      %swap3A_470 = arith.index_cast %scan3A_410 : i32 to index
      %swap3A_471 = arith.constant 48 : index
      %swap3A_472 = tpu.vector_load %arg6[%swap3A_469, %swap3A_470, %swap3A_471] {strides = array<i32>} : memref<2x512x64xf32, #tpu.memory_space<vmem>>, vector<1x1x16xf32>,
      %swap3A_473 = vector.shape_cast %swap3A_472 : vector<1x1x16xf32> to vector<16xf32>
      %swap3A_474 = vector.shape_cast %mul3A_467 : vector<16xf32> to vector<1x1x16xf32>
      tpu.vector_store %arg6[%swap3A_469, %swap3A_470, %swap3A_471], %swap3A_474 {strides = array<i32>} : memref<2x512x64xf32, #tpu.memory_space<vmem>>, vector<1x1x16xf32>,
      %scan3A_475 = arith.constant 4 : i32
      %scan3A_476 = arith.addi %scan3A_214, %scan3A_475 : i32
      %get3A_477 = arith.constant 1 : i32
      %get3A_478 = arith.index_cast %get3A_477 : i32 to index
      %get3A_479 = arith.index_cast %scan3A_476 : i32 to index
      %get3A_480 = arith.constant 0 : index
      %get3A_481 = tpu.vector_load %arg6[%get3A_478, %get3A_479, %get3A_480] {strides = array<i32>} : memref<2x512x64xf32, #tpu.memory_space<vmem>>, vector<1x1x16xf32>,
      %get3A_482 = vector.shape_cast %get3A_481 : vector<1x1x16xf32> to vector<16xf32>
      %mul3A_483 = arith.constant 8.000000e+00 : f32
      %mul3A_484 = vector.broadcast %mul3A_483 : f32 to vector<16xf32>
      %mul3A_485 = arith.mulf %get3A_482, %mul3A_484 : vector<16xf32>
      %swap3A_486 = arith.constant 1 : i32
      %swap3A_487 = arith.index_cast %swap3A_486 : i32 to index
      %swap3A_488 = arith.index_cast %scan3A_476 : i32 to index
      %swap3A_489 = arith.constant 0 : index
      %swap3A_490 = tpu.vector_load %arg6[%swap3A_487, %swap3A_488, %swap3A_489] {strides = array<i32>} : memref<2x512x64xf32, #tpu.memory_space<vmem>>, vector<1x1x16xf32>,
      %swap3A_491 = vector.shape_cast %swap3A_490 : vector<1x1x16xf32> to vector<16xf32>
      %swap3A_492 = vector.shape_cast %mul3A_485 : vector<16xf32> to vector<1x1x16xf32>
      tpu.vector_store %arg6[%swap3A_487, %swap3A_488, %swap3A_489], %swap3A_492 {strides = array<i32>} : memref<2x512x64xf32, #tpu.memory_space<vmem>>, vector<1x1x16xf32>,
      %get3A_493 = arith.constant 1 : i32
      %get3A_494 = arith.index_cast %get3A_493 : i32 to index
      %get3A_495 = arith.index_cast %scan3A_476 : i32 to index
      %get3A_496 = arith.constant 16 : index
      %get3A_497 = tpu.vector_load %arg6[%get3A_494, %get3A_495, %get3A_496] {strides = array<i32>} : memref<2x512x64xf32, #tpu.memory_space<vmem>>, vector<1x1x16xf32>,
      %get3A_498 = vector.shape_cast %get3A_497 : vector<1x1x16xf32> to vector<16xf32>
      %mul3A_499 = arith.constant 8.000000e+00 : f32
      %mul3A_500 = vector.broadcast %mul3A_499 : f32 to vector<16xf32>
      %mul3A_501 = arith.mulf %get3A_498, %mul3A_500 : vector<16xf32>
      %swap3A_502 = arith.constant 1 : i32
      %swap3A_503 = arith.index_cast %swap3A_502 : i32 to index
      %swap3A_504 = arith.index_cast %scan3A_476 : i32 to index
      %swap3A_505 = arith.constant 16 : index
      %swap3A_506 = tpu.vector_load %arg6[%swap3A_503, %swap3A_504, %swap3A_505] {strides = array<i32>} : memref<2x512x64xf32, #tpu.memory_space<vmem>>, vector<1x1x16xf32>,
      %swap3A_507 = vector.shape_cast %swap3A_506 : vector<1x1x16xf32> to vector<16xf32>
      %swap3A_508 = vector.shape_cast %mul3A_501 : vector<16xf32> to vector<1x1x16xf32>
      tpu.vector_store %arg6[%swap3A_503, %swap3A_504, %swap3A_505], %swap3A_508 {strides = array<i32>} : memref<2x512x64xf32, #tpu.memory_space<vmem>>, vector<1x1x16xf32>,
      %get3A_509 = arith.constant 1 : i32
      %get3A_510 = arith.index_cast %get3A_509 : i32 to index
      %get3A_511 = arith.index_cast %scan3A_476 : i32 to index
      %get3A_512 = arith.constant 32 : index
      %get3A_513 = tpu.vector_load %arg6[%get3A_510, %get3A_511, %get3A_512] {strides = array<i32>} : memref<2x512x64xf32, #tpu.memory_space<vmem>>, vector<1x1x16xf32>,
      %get3A_514 = vector.shape_cast %get3A_513 : vector<1x1x16xf32> to vector<16xf32>
      %mul3A_515 = arith.constant 8.000000e+00 : f32
      %mul3A_516 = vector.broadcast %mul3A_515 : f32 to vector<16xf32>
      %mul3A_517 = arith.mulf %get3A_514, %mul3A_516 : vector<16xf32>
      %swap3A_518 = arith.constant 1 : i32
      %swap3A_519 = arith.index_cast %swap3A_518 : i32 to index
      %swap3A_520 = arith.index_cast %scan3A_476 : i32 to index
      %swap3A_521 = arith.constant 32 : index
      %swap3A_522 = tpu.vector_load %arg6[%swap3A_519, %swap3A_520, %swap3A_521] {strides = array<i32>} : memref<2x512x64xf32, #tpu.memory_space<vmem>>, vector<1x1x16xf32>,
      %swap3A_523 = vector.shape_cast %swap3A_522 : vector<1x1x16xf32> to vector<16xf32>
      %swap3A_524 = vector.shape_cast %mul3A_517 : vector<16xf32> to vector<1x1x16xf32>
      tpu.vector_store %arg6[%swap3A_519, %swap3A_520, %swap3A_521], %swap3A_524 {strides = array<i32>} : memref<2x512x64xf32, #tpu.memory_space<vmem>>, vector<1x1x16xf32>,
      %get3A_525 = arith.constant 1 : i32
      %get3A_526 = arith.index_cast %get3A_525 : i32 to index
      %get3A_527 = arith.index_cast %scan3A_476 : i32 to index
      %get3A_528 = arith.constant 48 : index
      %get3A_529 = tpu.vector_load %arg6[%get3A_526, %get3A_527, %get3A_528] {strides = array<i32>} : memref<2x512x64xf32, #tpu.memory_space<vmem>>, vector<1x1x16xf32>,
      %get3A_530 = vector.shape_cast %get3A_529 : vector<1x1x16xf32> to vector<16xf32>
      %mul3A_531 = arith.constant 8.000000e+00 : f32
      %mul3A_532 = vector.broadcast %mul3A_531 : f32 to vector<16xf32>
      %mul3A_533 = arith.mulf %get3A_530, %mul3A_532 : vector<16xf32>
      %swap3A_534 = arith.constant 1 : i32
      %swap3A_535 = arith.index_cast %swap3A_534 : i32 to index
      %swap3A_536 = arith.index_cast %scan3A_476 : i32 to index
      %swap3A_537 = arith.constant 48 : index
      %swap3A_538 = tpu.vector_load %arg6[%swap3A_535, %swap3A_536, %swap3A_537] {strides = array<i32>} : memref<2x512x64xf32, #tpu.memory_space<vmem>>, vector<1x1x16xf32>,
      %swap3A_539 = vector.shape_cast %swap3A_538 : vector<1x1x16xf32> to vector<16xf32>
      %swap3A_540 = vector.shape_cast %mul3A_533 : vector<16xf32> to vector<1x1x16xf32>
      tpu.vector_store %arg6[%swap3A_535, %swap3A_536, %swap3A_537], %swap3A_540 {strides = array<i32>} : memref<2x512x64xf32, #tpu.memory_space<vmem>>, vector<1x1x16xf32>,
      %scan3A_541 = arith.constant 5 : i32
      %scan3A_542 = arith.addi %scan3A_214, %scan3A_541 : i32
      %get3A_543 = arith.constant 1 : i32
      %get3A_544 = arith.index_cast %get3A_543 : i32 to index
      %get3A_545 = arith.index_cast %scan3A_542 : i32 to index
      %get3A_546 = arith.constant 0 : index
      %get3A_547 = tpu.vector_load %arg6[%get3A_544, %get3A_545, %get3A_546] {strides = array<i32>} : memref<2x512x64xf32, #tpu.memory_space<vmem>>, vector<1x1x16xf32>,
      %get3A_548 = vector.shape_cast %get3A_547 : vector<1x1x16xf32> to vector<16xf32>
      %mul3A_549 = arith.constant 8.000000e+00 : f32
      %mul3A_550 = vector.broadcast %mul3A_549 : f32 to vector<16xf32>
      %mul3A_551 = arith.mulf %get3A_548, %mul3A_550 : vector<16xf32>
      %swap3A_552 = arith.constant 1 : i32
      %swap3A_553 = arith.index_cast %swap3A_552 : i32 to index
      %swap3A_554 = arith.index_cast %scan3A_542 : i32 to index
      %swap3A_555 = arith.constant 0 : index
      %swap3A_556 = tpu.vector_load %arg6[%swap3A_553, %swap3A_554, %swap3A_555] {strides = array<i32>} : memref<2x512x64xf32, #tpu.memory_space<vmem>>, vector<1x1x16xf32>,
      %swap3A_557 = vector.shape_cast %swap3A_556 : vector<1x1x16xf32> to vector<16xf32>
      %swap3A_558 = vector.shape_cast %mul3A_551 : vector<16xf32> to vector<1x1x16xf32>
      tpu.vector_store %arg6[%swap3A_553, %swap3A_554, %swap3A_555], %swap3A_558 {strides = array<i32>} : memref<2x512x64xf32, #tpu.memory_space<vmem>>, vector<1x1x16xf32>,
      %get3A_559 = arith.constant 1 : i32
      %get3A_560 = arith.index_cast %get3A_559 : i32 to index
      %get3A_561 = arith.index_cast %scan3A_542 : i32 to index
      %get3A_562 = arith.constant 16 : index
      %get3A_563 = tpu.vector_load %arg6[%get3A_560, %get3A_561, %get3A_562] {strides = array<i32>} : memref<2x512x64xf32, #tpu.memory_space<vmem>>, vector<1x1x16xf32>,
      %get3A_564 = vector.shape_cast %get3A_563 : vector<1x1x16xf32> to vector<16xf32>
      %mul3A_565 = arith.constant 8.000000e+00 : f32
      %mul3A_566 = vector.broadcast %mul3A_565 : f32 to vector<16xf32>
      %mul3A_567 = arith.mulf %get3A_564, %mul3A_566 : vector<16xf32>
      %swap3A_568 = arith.constant 1 : i32
      %swap3A_569 = arith.index_cast %swap3A_568 : i32 to index
      %swap3A_570 = arith.index_cast %scan3A_542 : i32 to index
      %swap3A_571 = arith.constant 16 : index
      %swap3A_572 = tpu.vector_load %arg6[%swap3A_569, %swap3A_570, %swap3A_571] {strides = array<i32>} : memref<2x512x64xf32, #tpu.memory_space<vmem>>, vector<1x1x16xf32>,
      %swap3A_573 = vector.shape_cast %swap3A_572 : vector<1x1x16xf32> to vector<16xf32>
      %swap3A_574 = vector.shape_cast %mul3A_567 : vector<16xf32> to vector<1x1x16xf32>
      tpu.vector_store %arg6[%swap3A_569, %swap3A_570, %swap3A_571], %swap3A_574 {strides = array<i32>} : memref<2x512x64xf32, #tpu.memory_space<vmem>>, vector<1x1x16xf32>,
      %get3A_575 = arith.constant 1 : i32
      %get3A_576 = arith.index_cast %get3A_575 : i32 to index
      %get3A_577 = arith.index_cast %scan3A_542 : i32 to index
      %get3A_578 = arith.constant 32 : index
      %get3A_579 = tpu.vector_load %arg6[%get3A_576, %get3A_577, %get3A_578] {strides = array<i32>} : memref<2x512x64xf32, #tpu.memory_space<vmem>>, vector<1x1x16xf32>,
      %get3A_580 = vector.shape_cast %get3A_579 : vector<1x1x16xf32> to vector<16xf32>
      %mul3A_581 = arith.constant 8.000000e+00 : f32
      %mul3A_582 = vector.broadcast %mul3A_581 : f32 to vector<16xf32>
      %mul3A_583 = arith.mulf %get3A_580, %mul3A_582 : vector<16xf32>
      %swap3A_584 = arith.constant 1 : i32
      %swap3A_585 = arith.index_cast %swap3A_584 : i32 to index
      %swap3A_586 = arith.index_cast %scan3A_542 : i32 to index
      %swap3A_587 = arith.constant 32 : index
      %swap3A_588 = tpu.vector_load %arg6[%swap3A_585, %swap3A_586, %swap3A_587] {strides = array<i32>} : memref<2x512x64xf32, #tpu.memory_space<vmem>>, vector<1x1x16xf32>,
      %swap3A_589 = vector.shape_cast %swap3A_588 : vector<1x1x16xf32> to vector<16xf32>
      %swap3A_590 = vector.shape_cast %mul3A_583 : vector<16xf32> to vector<1x1x16xf32>
      tpu.vector_store %arg6[%swap3A_585, %swap3A_586, %swap3A_587], %swap3A_590 {strides = array<i32>} : memref<2x512x64xf32, #tpu.memory_space<vmem>>, vector<1x1x16xf32>,
      %get3A_591 = arith.constant 1 : i32
      %get3A_592 = arith.index_cast %get3A_591 : i32 to index
      %get3A_593 = arith.index_cast %scan3A_542 : i32 to index
      %get3A_594 = arith.constant 48 : index
      %get3A_595 = tpu.vector_load %arg6[%get3A_592, %get3A_593, %get3A_594] {strides = array<i32>} : memref<2x512x64xf32, #tpu.memory_space<vmem>>, vector<1x1x16xf32>,
      %get3A_596 = vector.shape_cast %get3A_595 : vector<1x1x16xf32> to vector<16xf32>
      %mul3A_597 = arith.constant 8.000000e+00 : f32
      %mul3A_598 = vector.broadcast %mul3A_597 : f32 to vector<16xf32>
      %mul3A_599 = arith.mulf %get3A_596, %mul3A_598 : vector<16xf32>
      %swap3A_600 = arith.constant 1 : i32
      %swap3A_601 = arith.index_cast %swap3A_600 : i32 to index
      %swap3A_602 = arith.index_cast %scan3A_542 : i32 to index
      %swap3A_603 = arith.constant 48 : index
      %swap3A_604 = tpu.vector_load %arg6[%swap3A_601, %swap3A_602, %swap3A_603] {strides = array<i32>} : memref<2x512x64xf32, #tpu.memory_space<vmem>>, vector<1x1x16xf32>,
      %swap3A_605 = vector.shape_cast %swap3A_604 : vector<1x1x16xf32> to vector<16xf32>
      %swap3A_606 = vector.shape_cast %mul3A_599 : vector<16xf32> to vector<1x1x16xf32>
      tpu.vector_store %arg6[%swap3A_601, %swap3A_602, %swap3A_603], %swap3A_606 {strides = array<i32>} : memref<2x512x64xf32, #tpu.memory_space<vmem>>, vector<1x1x16xf32>,
      %scan3A_607 = arith.constant 6 : i32
      %scan3A_608 = arith.addi %scan3A_214, %scan3A_607 : i32
      %get3A_609 = arith.constant 1 : i32
      %get3A_610 = arith.index_cast %get3A_609 : i32 to index
      %get3A_611 = arith.index_cast %scan3A_608 : i32 to index
      %get3A_612 = arith.constant 0 : index
      %get3A_613 = tpu.vector_load %arg6[%get3A_610, %get3A_611, %get3A_612] {strides = array<i32>} : memref<2x512x64xf32, #tpu.memory_space<vmem>>, vector<1x1x16xf32>,
      %get3A_614 = vector.shape_cast %get3A_613 : vector<1x1x16xf32> to vector<16xf32>
      %mul3A_615 = arith.constant 8.000000e+00 : f32
      %mul3A_616 = vector.broadcast %mul3A_615 : f32 to vector<16xf32>
      %mul3A_617 = arith.mulf %get3A_614, %mul3A_616 : vector<16xf32>
      %swap3A_618 = arith.constant 1 : i32
      %swap3A_619 = arith.index_cast %swap3A_618 : i32 to index
      %swap3A_620 = arith.index_cast %scan3A_608 : i32 to index
      %swap3A_621 = arith.constant 0 : index
      %swap3A_622 = tpu.vector_load %arg6[%swap3A_619, %swap3A_620, %swap3A_621] {strides = array<i32>} : memref<2x512x64xf32, #tpu.memory_space<vmem>>, vector<1x1x16xf32>,
      %swap3A_623 = vector.shape_cast %swap3A_622 : vector<1x1x16xf32> to vector<16xf32>
      %swap3A_624 = vector.shape_cast %mul3A_617 : vector<16xf32> to vector<1x1x16xf32>
      tpu.vector_store %arg6[%swap3A_619, %swap3A_620, %swap3A_621], %swap3A_624 {strides = array<i32>} : memref<2x512x64xf32, #tpu.memory_space<vmem>>, vector<1x1x16xf32>,
      %get3A_625 = arith.constant 1 : i32
      %get3A_626 = arith.index_cast %get3A_625 : i32 to index
      %get3A_627 = arith.index_cast %scan3A_608 : i32 to index
      %get3A_628 = arith.constant 16 : index
      %get3A_629 = tpu.vector_load %arg6[%get3A_626, %get3A_627, %get3A_628] {strides = array<i32>} : memref<2x512x64xf32, #tpu.memory_space<vmem>>, vector<1x1x16xf32>,
      %get3A_630 = vector.shape_cast %get3A_629 : vector<1x1x16xf32> to vector<16xf32>
      %mul3A_631 = arith.constant 8.000000e+00 : f32
      %mul3A_632 = vector.broadcast %mul3A_631 : f32 to vector<16xf32>
      %mul3A_633 = arith.mulf %get3A_630, %mul3A_632 : vector<16xf32>
      %swap3A_634 = arith.constant 1 : i32
      %swap3A_635 = arith.index_cast %swap3A_634 : i32 to index
      %swap3A_636 = arith.index_cast %scan3A_608 : i32 to index
      %swap3A_637 = arith.constant 16 : index
      %swap3A_638 = tpu.vector_load %arg6[%swap3A_635, %swap3A_636, %swap3A_637] {strides = array<i32>} : memref<2x512x64xf32, #tpu.memory_space<vmem>>, vector<1x1x16xf32>,
      %swap3A_639 = vector.shape_cast %swap3A_638 : vector<1x1x16xf32> to vector<16xf32>
      %swap3A_640 = vector.shape_cast %mul3A_633 : vector<16xf32> to vector<1x1x16xf32>
      tpu.vector_store %arg6[%swap3A_635, %swap3A_636, %swap3A_637], %swap3A_640 {strides = array<i32>} : memref<2x512x64xf32, #tpu.memory_space<vmem>>, vector<1x1x16xf32>,
      %get3A_641 = arith.constant 1 : i32
      %get3A_642 = arith.index_cast %get3A_641 : i32 to index
      %get3A_643 = arith.index_cast %scan3A_608 : i32 to index
      %get3A_644 = arith.constant 32 : index
      %get3A_645 = tpu.vector_load %arg6[%get3A_642, %get3A_643, %get3A_644] {strides = array<i32>} : memref<2x512x64xf32, #tpu.memory_space<vmem>>, vector<1x1x16xf32>,
      %get3A_646 = vector.shape_cast %get3A_645 : vector<1x1x16xf32> to vector<16xf32>
      %mul3A_647 = arith.constant 8.000000e+00 : f32
      %mul3A_648 = vector.broadcast %mul3A_647 : f32 to vector<16xf32>
      %mul3A_649 = arith.mulf %get3A_646, %mul3A_648 : vector<16xf32>
      %swap3A_650 = arith.constant 1 : i32
      %swap3A_651 = arith.index_cast %swap3A_650 : i32 to index
      %swap3A_652 = arith.index_cast %scan3A_608 : i32 to index
      %swap3A_653 = arith.constant 32 : index
      %swap3A_654 = tpu.vector_load %arg6[%swap3A_651, %swap3A_652, %swap3A_653] {strides = array<i32>} : memref<2x512x64xf32, #tpu.memory_space<vmem>>, vector<1x1x16xf32>,
      %swap3A_655 = vector.shape_cast %swap3A_654 : vector<1x1x16xf32> to vector<16xf32>
      %swap3A_656 = vector.shape_cast %mul3A_649 : vector<16xf32> to vector<1x1x16xf32>
      tpu.vector_store %arg6[%swap3A_651, %swap3A_652, %swap3A_653], %swap3A_656 {strides = array<i32>} : memref<2x512x64xf32, #tpu.memory_space<vmem>>, vector<1x1x16xf32>,
      %get3A_657 = arith.constant 1 : i32
      %get3A_658 = arith.index_cast %get3A_657 : i32 to index
      %get3A_659 = arith.index_cast %scan3A_608 : i32 to index
      %get3A_660 = arith.constant 48 : index
      %get3A_661 = tpu.vector_load %arg6[%get3A_658, %get3A_659, %get3A_660] {strides = array<i32>} : memref<2x512x64xf32, #tpu.memory_space<vmem>>, vector<1x1x16xf32>,
      %get3A_662 = vector.shape_cast %get3A_661 : vector<1x1x16xf32> to vector<16xf32>
      %mul3A_663 = arith.constant 8.000000e+00 : f32
      %mul3A_664 = vector.broadcast %mul3A_663 : f32 to vector<16xf32>
      %mul3A_665 = arith.mulf %get3A_662, %mul3A_664 : vector<16xf32>
      %swap3A_666 = arith.constant 1 : i32
      %swap3A_667 = arith.index_cast %swap3A_666 : i32 to index
      %swap3A_668 = arith.index_cast %scan3A_608 : i32 to index
      %swap3A_669 = arith.constant 48 : index
      %swap3A_670 = tpu.vector_load %arg6[%swap3A_667, %swap3A_668, %swap3A_669] {strides = array<i32>} : memref<2x512x64xf32, #tpu.memory_space<vmem>>, vector<1x1x16xf32>,
      %swap3A_671 = vector.shape_cast %swap3A_670 : vector<1x1x16xf32> to vector<16xf32>
      %swap3A_672 = vector.shape_cast %mul3A_665 : vector<16xf32> to vector<1x1x16xf32>
      tpu.vector_store %arg6[%swap3A_667, %swap3A_668, %swap3A_669], %swap3A_672 {strides = array<i32>} : memref<2x512x64xf32, #tpu.memory_space<vmem>>, vector<1x1x16xf32>,
      %scan3A_673 = arith.constant 7 : i32
      %scan3A_674 = arith.addi %scan3A_214, %scan3A_673 : i32
      %get3A_675 = arith.constant 1 : i32
      %get3A_676 = arith.index_cast %get3A_675 : i32 to index
      %get3A_677 = arith.index_cast %scan3A_674 : i32 to index
      %get3A_678 = arith.constant 0 : index
      %get3A_679 = tpu.vector_load %arg6[%get3A_676, %get3A_677, %get3A_678] {strides = array<i32>} : memref<2x512x64xf32, #tpu.memory_space<vmem>>, vector<1x1x16xf32>,
      %get3A_680 = vector.shape_cast %get3A_679 : vector<1x1x16xf32> to vector<16xf32>
      %mul3A_681 = arith.constant 8.000000e+00 : f32
      %mul3A_682 = vector.broadcast %mul3A_681 : f32 to vector<16xf32>
      %mul3A_683 = arith.mulf %get3A_680, %mul3A_682 : vector<16xf32>
      %swap3A_684 = arith.constant 1 : i32
      %swap3A_685 = arith.index_cast %swap3A_684 : i32 to index
      %swap3A_686 = arith.index_cast %scan3A_674 : i32 to index
      %swap3A_687 = arith.constant 0 : index
      %swap3A_688 = tpu.vector_load %arg6[%swap3A_685, %swap3A_686, %swap3A_687] {strides = array<i32>} : memref<2x512x64xf32, #tpu.memory_space<vmem>>, vector<1x1x16xf32>,
      %swap3A_689 = vector.shape_cast %swap3A_688 : vector<1x1x16xf32> to vector<16xf32>
      %swap3A_690 = vector.shape_cast %mul3A_683 : vector<16xf32> to vector<1x1x16xf32>
      tpu.vector_store %arg6[%swap3A_685, %swap3A_686, %swap3A_687], %swap3A_690 {strides = array<i32>} : memref<2x512x64xf32, #tpu.memory_space<vmem>>, vector<1x1x16xf32>,
      %get3A_691 = arith.constant 1 : i32
      %get3A_692 = arith.index_cast %get3A_691 : i32 to index
      %get3A_693 = arith.index_cast %scan3A_674 : i32 to index
      %get3A_694 = arith.constant 16 : index
      %get3A_695 = tpu.vector_load %arg6[%get3A_692, %get3A_693, %get3A_694] {strides = array<i32>} : memref<2x512x64xf32, #tpu.memory_space<vmem>>, vector<1x1x16xf32>,
      %get3A_696 = vector.shape_cast %get3A_695 : vector<1x1x16xf32> to vector<16xf32>
      %mul3A_697 = arith.constant 8.000000e+00 : f32
      %mul3A_698 = vector.broadcast %mul3A_697 : f32 to vector<16xf32>
      %mul3A_699 = arith.mulf %get3A_696, %mul3A_698 : vector<16xf32>
      %swap3A_700 = arith.constant 1 : i32
      %swap3A_701 = arith.index_cast %swap3A_700 : i32 to index
      %swap3A_702 = arith.index_cast %scan3A_674 : i32 to index
      %swap3A_703 = arith.constant 16 : index
      %swap3A_704 = tpu.vector_load %arg6[%swap3A_701, %swap3A_702, %swap3A_703] {strides = array<i32>} : memref<2x512x64xf32, #tpu.memory_space<vmem>>, vector<1x1x16xf32>,
      %swap3A_705 = vector.shape_cast %swap3A_704 : vector<1x1x16xf32> to vector<16xf32>
      %swap3A_706 = vector.shape_cast %mul3A_699 : vector<16xf32> to vector<1x1x16xf32>
      tpu.vector_store %arg6[%swap3A_701, %swap3A_702, %swap3A_703], %swap3A_706 {strides = array<i32>} : memref<2x512x64xf32, #tpu.memory_space<vmem>>, vector<1x1x16xf32>,
      %get3A_707 = arith.constant 1 : i32
      %get3A_708 = arith.index_cast %get3A_707 : i32 to index
      %get3A_709 = arith.index_cast %scan3A_674 : i32 to index
      %get3A_710 = arith.constant 32 : index
      %get3A_711 = tpu.vector_load %arg6[%get3A_708, %get3A_709, %get3A_710] {strides = array<i32>} : memref<2x512x64xf32, #tpu.memory_space<vmem>>, vector<1x1x16xf32>,
      %get3A_712 = vector.shape_cast %get3A_711 : vector<1x1x16xf32> to vector<16xf32>
      %mul3A_713 = arith.constant 8.000000e+00 : f32
      %mul3A_714 = vector.broadcast %mul3A_713 : f32 to vector<16xf32>
      %mul3A_715 = arith.mulf %get3A_712, %mul3A_714 : vector<16xf32>
      %swap3A_716 = arith.constant 1 : i32
      %swap3A_717 = arith.index_cast %swap3A_716 : i32 to index
      %swap3A_718 = arith.index_cast %scan3A_674 : i32 to index
      %swap3A_719 = arith.constant 32 : index
      %swap3A_720 = tpu.vector_load %arg6[%swap3A_717, %swap3A_718, %swap3A_719] {strides = array<i32>} : memref<2x512x64xf32, #tpu.memory_space<vmem>>, vector<1x1x16xf32>,
      %swap3A_721 = vector.shape_cast %swap3A_720 : vector<1x1x16xf32> to vector<16xf32>
      %swap3A_722 = vector.shape_cast %mul3A_715 : vector<16xf32> to vector<1x1x16xf32>
      tpu.vector_store %arg6[%swap3A_717, %swap3A_718, %swap3A_719], %swap3A_722 {strides = array<i32>} : memref<2x512x64xf32, #tpu.memory_space<vmem>>, vector<1x1x16xf32>,
      %get3A_723 = arith.constant 1 : i32
      %get3A_724 = arith.index_cast %get3A_723 : i32 to index
      %get3A_725 = arith.index_cast %scan3A_674 : i32 to index
      %get3A_726 = arith.constant 48 : index
      %get3A_727 = tpu.vector_load %arg6[%get3A_724, %get3A_725, %get3A_726] {strides = array<i32>} : memref<2x512x64xf32, #tpu.memory_space<vmem>>, vector<1x1x16xf32>,
      %get3A_728 = vector.shape_cast %get3A_727 : vector<1x1x16xf32> to vector<16xf32>
      %mul3A_729 = arith.constant 8.000000e+00 : f32
      %mul3A_730 = vector.broadcast %mul3A_729 : f32 to vector<16xf32>
      %mul3A_731 = arith.mulf %get3A_728, %mul3A_730 : vector<16xf32>
      %swap3A_732 = arith.constant 1 : i32
      %swap3A_733 = arith.index_cast %swap3A_732 : i32 to index
      %swap3A_734 = arith.index_cast %scan3A_674 : i32 to index
      %swap3A_735 = arith.constant 48 : index
      %swap3A_736 = tpu.vector_load %arg6[%swap3A_733, %swap3A_734, %swap3A_735] {strides = array<i32>} : memref<2x512x64xf32, #tpu.memory_space<vmem>>, vector<1x1x16xf32>,
      %swap3A_737 = vector.shape_cast %swap3A_736 : vector<1x1x16xf32> to vector<16xf32>
      %swap3A_738 = vector.shape_cast %mul3A_731 : vector<16xf32> to vector<1x1x16xf32>
      tpu.vector_store %arg6[%swap3A_733, %swap3A_734, %swap3A_735], %swap3A_738 {strides = array<i32>} : memref<2x512x64xf32, #tpu.memory_space<vmem>>, vector<1x1x16xf32>,
    }
    %scan3A_208 = arith.constant 512 : i32
    %mul3A_209 = arith.constant 25600 : i32
    %mul3A_210 = arith.muli %add3A, %mul3A_209 : i32
    %add3A_211 = arith.constant 25088 : i32
    %add3A_212 = arith.addi %mul3A_210, %add3A_211 : i32
    %run_scoped3A_213 = arith.constant 1 : i32
    "tpu.region"() ({
      %run_scoped3A_214 = tpu.sem_alloc : memref<!tpu.dma_semaphore, #tpu.memory_space<semaphore_mem>>
      %dma_start3A_215 = arith.constant 0 : i32
      %dma_start3A_216 = arith.constant 0 : i32
      %dma_start3A_217 = tpu.memref_slice %arg6[%run_scoped3A_213, %dma_start3A_215, %dma_start3A_216] : memref<2x512x64xf32, #tpu.memory_space<vmem>> -> memref<1x512x64xf32, #tpu.memory_space<vmem>>
      %dma_start3A_218 = tpu.memref_squeeze %dma_start3A_217 : memref<1x512x64xf32, #tpu.memory_space<vmem>> -> memref<512x64xf32, #tpu.memory_space<vmem>>
      %dma_start3A_219 = arith.constant 0 : i32
      %dma_start3A_220 = tpu.memref_slice %arg4[%add3A_212, %dma_start3A_219] : memref<819200x128xf32, #tpu.memory_space<hbm>> -> memref<512x64xf32, #tpu.memory_space<hbm>>
      %dma_start3A_221 = arith.constant 0 : i32
      %dma_start3A_222 = tpu.memref_slice %arg4[%add3A_212, %dma_start3A_221] : memref<819200x128xf32, #tpu.memory_space<hbm>> -> memref<512x64xf32, #tpu.memory_space<hbm>>
      %dma_start3A_223 = arith.constant 0 : i32
      %dma_start3A_224 = arith.constant 0 : i32
      %dma_start3A_225 = tpu.memref_slice %arg6[%run_scoped3A_213, %dma_start3A_223, %dma_start3A_224] : memref<2x512x64xf32, #tpu.memory_space<vmem>> -> memref<1x512x64xf32, #tpu.memory_space<vmem>>
      %dma_start3A_226 = tpu.memref_squeeze %dma_start3A_225 : memref<1x512x64xf32, #tpu.memory_space<vmem>> -> memref<512x64xf32, #tpu.memory_space<vmem>>
      tpu.enqueue_dma source(%dma_start3A_226 : memref<512x64xf32, #tpu.memory_space<vmem>>) target(%dma_start3A_222 : memref<512x64xf32, #tpu.memory_space<hbm>>) target_semaphore(%run_scoped3A_214 : memref<!tpu.dma_semaphore, #tpu.memory_space<semaphore_mem>>)
      %dma_wait3A_227 = arith.constant 0 : i32
      %dma_wait3A_228 = arith.constant 0 : i32
      %dma_wait3A_229 = tpu.memref_slice %arg6[%run_scoped3A_213, %dma_wait3A_227, %dma_wait3A_228] : memref<2x512x64xf32, #tpu.memory_space<vmem>> -> memref<1x512x64xf32, #tpu.memory_space<vmem>>
      %dma_wait3A_230 = tpu.memref_squeeze %dma_wait3A_229 : memref<1x512x64xf32, #tpu.memory_space<vmem>> -> memref<512x64xf32, #tpu.memory_space<vmem>>
      %dma_wait3A_231 = arith.constant 0 : i32
      %dma_wait3A_232 = tpu.memref_slice %arg4[%add3A_212, %dma_wait3A_231] : memref<819200x128xf32, #tpu.memory_space<hbm>> -> memref<512x64xf32, #tpu.memory_space<hbm>>
      %dma_wait3A_233 = arith.constant 0 : i32
      %dma_wait3A_234 = tpu.memref_slice %arg4[%add3A_212, %dma_wait3A_233] : memref<819200x128xf32, #tpu.memory_space<hbm>> -> memref<512x64xf32, #tpu.memory_space<hbm>>
      %dma_wait3A_235 = arith.constant 0 : i32
      %dma_wait3A_236 = arith.constant 0 : i32
      %dma_wait3A_237 = tpu.memref_slice %arg6[%run_scoped3A_213, %dma_wait3A_235, %dma_wait3A_236] : memref<2x512x64xf32, #tpu.memory_space<vmem>> -> memref<1x512x64xf32, #tpu.memory_space<vmem>>
      %dma_wait3A_238 = tpu.memref_squeeze %dma_wait3A_237 : memref<1x512x64xf32, #tpu.memory_space<vmem>> -> memref<512x64xf32, #tpu.memory_space<vmem>>
      tpu.wait_dma2 semaphore(%run_scoped3A_214 : memref<!tpu.dma_semaphore, #tpu.memory_space<semaphore_mem>>) src(%dma_wait3A_238 : memref<512x64xf32, #tpu.memory_space<vmem>>) dst(%dma_wait3A_234 : memref<512x64xf32, #tpu.memory_space<hbm>>)
      tpu.yield
    }) : () -> ()
    return
  }
}

</mosaic_0001>

<sc_bundles>
// kernel: _emb_lookup.3.cloned.1.call-start
scs
__scs_entry_jumppad:
0x0: {  	(pc) =	sbr.rel $0x88, $3  }
0x1: {  	(tag) =	ssettag $0x0;
	lr =	simm.s32 $0x1  }
0x2: {  	[smem:$0x3F9F] =	sst lr;
	_ =	strace $0xD0000000  }
0x3: {  	_ = 	snop  }
0x4: {  	_ = 	snop  }
0x5: {  	_ = 	snop  }
0x6: {  	_ = 	snop  }
0x7: {  	_ = 	snop  }
__scs_overlays_trampoline_lowered:
0x8: {  	[smem:$0x3FAE] =	sst s0  }
0x9: {  	[smem:$0x3FAF] =	sst s1  }
0xa: {  	[smem:$0x3FB0] =	sst s2  }
0xb: {  	[smem:$0x3FB1] =	sst s3  }
0xc: {  	[smem:$0x3FB2] =	sst s4  }
0xd: {  	[smem:$0x3FB3] =	sst s5  }
0xe: {  	[smem:$0x3FB4] =	sst s6  }
0xf: {  	[smem:$0x3FB5] =	sst s7  }
0x10: {  	[smem:$0x3FB6] =	sst s8  }
0x11: {  	[smem:$0x3FB7] =	sst s9;
	s0 =	simm.s32 @!p0 $0x0  }
0x12: {  	s1 =	sld [smem:$0x3F9D];
	s0 =	simm.s32 @p0 $0x1  }
0x13: {  	[smem:$0x3FB8] =	sst s0;
	s0 =	simm.s32 @!p1 $0x0  }
0x14: {  	s2 =	sld [smem:$0x3F9C];
	s0 =	simm.s32 @p1 $0x1  }
0x15: {  	[smem:$0x3FB9] =	sst s0;
	s0 =	simm.s32 @!p2 $0x0  }
0x16: {  	s3 =	sld [smem:$0x3FDB];
	s0 =	simm.s32 @p2 $0x1  }
0x17: {  	s4 =	simm.s32 $0x1BF5;
	[smem:$0x3FBB] =	sst s0  }
0x18: {  	s0 =	sld [smem:$0x3F9E];
	_ =	swait.ge [sflag:s4], $0x0  }
0x19: {  	s7 =	sld [smem:$0x3F9F]  }
0x1a: {  	s8 =	sadd.s32 $0xFFFFE003, lr  }
0x1b: {  	s9 =	sadd.s32 $0xFFFFFEF7, lr;
	s5 =	simm.s32 $0xFFFFFFFF;
	p2 =	slt.u32 s8, $0xFFFFF086  }
0x1c: {  	p1 =	slt.u32 s9, $0xF7A;
	s5 =	simm.s32 @!p2 $0x0  }
0x1d: {  	s5 =	simm.s32 @p1 $0x1;
	p0 =	seq.s32 s7, s2  }
0x1e: {  	s7 =	smul.u32 @!p0 $0xF7A, s2;
	p2 =	seq.s32 @!p0 s5, $0x0  }
0x1f: {  	s9 =	smul.u32 $0xF7A, s1;
	s8 =	simm.s32 @!p0 $0x1BF5;
	p2 =	por !p2, p0  }
0x20: {  	[sflag:s8] =	ssyncset.s32 @!p0 $0xFFFFF086;
	s6 =	sadd.s32 @!p0 s3, s7;
	s7 =	simm.s32 @!p0 $0x108  }
0x21: {  	s3 =	sadd.s32 s3, s9;
	s6 =	sadd.s32 @!p0 $0x88, s6;
	s7 =	simm.s32 @p2 $0x1082  }
0x22: {  	[simem:s7], [sflag:s8] =	dma.local @!p0 [hbm:s6], $0xF7A  }
0x23: {  	s9 =	sor.u32 $0xD0000000, s2;
	s6 =	simm.s32 $0x108;
	_ =	swait.ge @!p0 [sflag:s8], $0x0  }
0x24: {  	s3 =	sadd.s32 $0x88, s3;
	s6 =	simm.s32 @!p1 $0x1082;
	[sflag:s4] =	ssyncset.s32 $0xFFFFF086  }
0x25: {  	[simem:s6], [sflag:s4] =	dma.local [hbm:s3], $0xF7A  }
0x26: {  	[smem:$0x3F9F] =	sst s1;
	(tag) =	ssettag s2;
	_ =	strace s9  }
0x27: {  	s1 =	sld [smem:$0x3FAF]  }
0x28: {  	s2 =	sld [smem:$0x3FB0]  }
0x29: {  	s4 =	sld [smem:$0x3FB2]  }
0x2a: {  	p0 =	seq.s32 s5, $0x0;
	s5 =	sld [smem:$0x3FB3]  }
0x2b: {  	s6 =	sld [smem:$0x3FB4]  }
0x2c: {  	s7 =	sld [smem:$0x3FB5]  }
0x2d: {  	s3 =	simm.s32 $0x108;
	s8 =	sld [smem:$0x3FB6]  }
0x2e: {  	s3 =	simm.s32 @!p0 $0x1082;
	s9 =	sld [smem:$0x3FB7]  }
0x2f: {  	lr =	sadd.s32 s0, s3;
	s0 =	sld [smem:$0x3FAE]  }
0x30: {  	s3 =	sld [smem:$0x3FB1]  }
0x31: {  	[smem:$0x3FBA] =	sst s10  }
0x32: {  	s10 =	sld [smem:$0x3FB8];
	_ =	sdelay $0x3  }
0x33: {  	p0 =	seq.s32 s10, $0x1;
	s10 =	sld [smem:$0x3FBA];
	_ =	sdelay $0x3  }
0x34: {  	[smem:$0x3FBA] =	sst s10  }
0x35: {  	s10 =	sld [smem:$0x3FB9];
	_ =	sdelay $0x3  }
0x36: {  	p1 =	seq.s32 s10, $0x1;
	s10 =	sld [smem:$0x3FBA];
	_ =	sdelay $0x3  }
0x37: {  	[smem:$0x3FBA] =	sst s10  }
0x38: {  	s10 =	sld [smem:$0x3FBB]  }
0x39: {  	_ = 	snop;
	(pc) =	sbr.ind lr, $3  }
0x3a: {  	_ = 	snop  }
0x3b: {  	_ = 	snop  }
0x3c: {  	p2 =	seq.s32 s10, $0x1;
	s10 =	sld [smem:$0x3FBA]  }
0x3d: {  	_ =	shalt  }
0x3e: {  	_ =	shalt  }
0x3f: {  	_ =	shalt  }
0x40: {  	_ =	shalt  }
0x41: {  	_ =	shalt  }
0x42: {  	_ =	shalt  }
0x43: {  	_ =	shalt  }
0x44: {  	_ =	shalt  }
0x45: {  	_ =	shalt  }
0x46: {  	_ =	shalt  }
0x47: {  	_ =	shalt  }
0x48: {  	_ =	shalt  }
0x49: {  	_ =	shalt  }
0x4a: {  	_ =	shalt  }
0x4b: {  	_ =	shalt  }
0x4c: {  	_ =	shalt  }
0x4d: {  	_ =	shalt  }
0x4e: {  	_ =	shalt  }
0x4f: {  	_ =	shalt  }
0x50: {  	_ =	shalt  }
0x51: {  	_ =	shalt  }
0x52: {  	_ =	shalt  }
0x53: {  	_ =	shalt  }
0x54: {  	_ =	shalt  }
0x55: {  	_ =	shalt  }
0x56: {  	_ =	shalt  }
0x57: {  	_ =	shalt  }
0x58: {  	_ =	shalt  }
0x59: {  	_ =	shalt  }
0x5a: {  	_ =	shalt  }
0x5b: {  	_ =	shalt  }
0x5c: {  	_ =	shalt  }
0x5d: {  	_ =	shalt  }
0x5e: {  	_ =	shalt  }
0x5f: {  	_ =	shalt  }
0x60: {  	_ =	shalt  }
0x61: {  	_ =	shalt  }
0x62: {  	_ =	shalt  }
0x63: {  	_ =	shalt  }
0x64: {  	_ =	shalt  }
0x65: {  	_ =	shalt  }
0x66: {  	_ =	shalt  }
0x67: {  	_ =	shalt  }
0x68: {  	_ =	shalt  }
0x69: {  	_ =	shalt  }
0x6a: {  	_ =	shalt  }
0x6b: {  	_ =	shalt  }
0x6c: {  	_ =	shalt  }
0x6d: {  	_ =	shalt  }
0x6e: {  	_ =	shalt  }
0x6f: {  	_ =	shalt  }
0x70: {  	_ =	shalt  }
0x71: {  	_ =	shalt  }
0x72: {  	_ =	shalt  }
0x73: {  	_ =	shalt  }
0x74: {  	_ =	shalt  }
0x75: {  	_ =	shalt  }
0x76: {  	_ =	shalt  }
0x77: {  	_ =	shalt  }
0x78: {  	_ =	shalt  }
0x79: {  	_ =	shalt  }
0x7a: {  	_ =	shalt  }
0x7b: {  	_ =	shalt  }
0x7c: {  	_ =	shalt  }
0x7d: {  	_ =	shalt  }
0x7e: {  	_ =	shalt  }
0x7f: {  	_ =	shalt  }
0x80: {  	_ =	shalt  }
0x81: {  	_ =	shalt  }
0x82: {  	_ =	shalt  }
0x83: {  	_ =	shalt  }
0x84: {  	_ =	shalt  }
0x85: {  	_ =	shalt  }
0x86: {  	_ =	shalt  }
0x87: {  	_ =	shalt  }
.Lfunc_end0:
.L_simem_size_0:
called_computation_lowered:
.L_overlay_start_0:
0x88: {  	s2 =	sld [smem:$0x3FD9]  }
0x89: {  	s3 =	sld [smem:$0x3FFE];
	_ =	sdelay $0x1  }
0x8a: {  	s1 =	srdreg.scid  }
0x8b: {  	s0 =	sand.u32 $0x1, s1  }
0x8c: {  	s17 =	sshll.u32 s0, $0xA;
	s2 =	sadd.s32 s3, s2  }
0x8d: {  	s2 =	sadd.s32 s2, s17  }
0x8e: {  	[smem:$0x3FC6] =	sst s2  }
0x8f: {  	_ = 	snop  }
0x90: {  	s2 =	sld [smem:$0x3FC9]  }
0x91: {  	s18 =	sld [smem:$0x3FD0];
	(tm) =	ssettm $0x1  }
0x92: {  	s4 =	sld [smem:$0x3FFB];
	_ =	sdelay $0x3  }
0x93: {  	_ =	strace s4  }
0x94: {  	s4 =	sld [smem:$0x3FFC];
	_ =	sdelay $0x3  }
0x95: {  	_ =	strace s4  }
0x96: {  	s4 =	sld [smem:$0x3FFD];
	_ =	sdelay $0x3  }
0x97: {  	_ =	strace s4  }
0x98: {  	_ =	strace $0x8FFFFFFF  }
0x99: {  	s19 =	sld [smem:$0x3FDB];
	_ =	sdelay $0x1  }
0x9a: {  	s5 =	simm.s32 $_scs_section_size  }
0x9b: {  	s6 =	simm.s32 $_size__tile_overlayer_lowered;
	s7 =	simm.s32 $_tile_overlayer_lowered  }
0x9c: {  	s22 =	simm.s32 $0x1BFF;
	s21 =	sshll.u32 s7, $0x1;
	s4 =	sadd.s32 s5, s19  }
0x9d: {  	s8 =	simm.s32 $0x0;
	s20 =	sshll.u32 s6, $0x1;
	s6 =	sadd.s32 s21, s4  }
0x9e: {  	[timem:s8], [sflag:s22] =	dma.local [hbm:s6], s20  }
0x9f: {  	_ =	swait.ge [sflag:s22], s20  }
0xa0: {  	s5 =	ssub.s32 $0x0, s20;
	[sflag:s22] =	ssyncset.done $0x0  }
0xa1: {  	[sflag:s22] =	ssyncadd.s32 s5;
	_ =	sdelay $0x1  }
0xa2: {  	s23 =	simm.s32 $0x1B8B  }
0xa3: {  	_ =	swait.ge [sflag:s23], $0x1  }
0xa4: {  	[sflag:s23] =	ssyncset.done $0x0  }
0xa5: {  	s25 =	simm.s32 $0x1B8E;
	s24 =	sld [smem:$0x3FFE];
	[sflag:s23] =	ssyncadd.s32 $0xFFFFFFFF  }
0xa6: {  	s26 =	simm.s32 $execute0_lowered;
	[smem:$0x3FD2] =	sst s25  }
0xa7: {  	s6 =	sshll.u32 s26, $0x1;
	_ =	strace $0x80000046;
	[dreg:$0x1] =	wrdreg $0xFFFFFFFF  }
0xa8: {  	s28 =	simm.s32 $_size_execute0_lowered;
	s4 =	sadd.s32 s4, s6;
	[dreg:$0x0] =	wrdreg $0x0  }
0xa9: {  	s6 =	sshll.u32 s28, $0x1;
	[dreg:$0x2] =	wrdreg s4  }
0xaa: {  	[dreg:$0x3] =	wrdreg s6  }
0xab: {  	[dreg:$0x4] =	wrdreg $0xC0  }
0xac: {  	_ =	task [dreg:s8], $0x5FFFF  }
0xad: {  	[dreg:$0x1] =	wrdreg $0xFFFFFFFF  }
0xae: {  	[dreg:$0x0] =	wrdreg $0x60  }
0xaf: {  	[dreg:$0x2] =	wrdreg s2  }
0xb0: {  	[dreg:$0x3] =	wrdreg s24  }
0xb1: {  	[dreg:$0x4] =	wrdreg s18  }
0xb2: {  	[dreg:$0x5] =	wrdreg $0x9  }
0xb3: {  	_ =	task.clear_ibuf [dreg:s8], $0x6FFFF;
	_ =	strace $0x90000046  }
0xb4: {  	s29 =	simm.s32 $0x9;
	_ =	strace $0x80000048  }
0xb5: {  	_ =	swait.ge [sflag:s29], $0x1  }
0xb6: {  	[sflag:s29] =	ssyncadd.s32 $0xFFFFFFFF  }
0xb7: {  	_ =	strace $0x90000048  }
0xb8: {  	_ =	sfence  }
0xb9: {  	s30 =	sld [smem:$0x0];
	_ =	sdelay $0x2  }
0xba: {  	s31 =	sshll.u32 s1, $0xD;
	s1 =	sshrl.u32 s1, $0x2  }
0xbb: {  	s3 =	sand.u32 $0x4000, s31;
	s1 =	sadd.s32 s1, s30  }
0xbc: {  	s0 =	sor.u32 s3, s0;
	s1 =	sshll.u32 s1, $0x11  }
0xbd: {  	s0 =	sor.u32 s1, s0  }
0xbe: {  	s0 =	sadd.s32 $0x8F2B, s0  }
0xbf: {  	[sflag:s0] =	ssyncadd.remote.s32 $0x1  }
0xc0: {  	_ =	sfence.sel $0xFFFF  }
0xc1: {  	[dreg:$0x0] =	wrdreg $0xFFFFFFFF;
	(pc) =	sbr.abs _section_cstart, $3  }
0xc2: {  	[dreg:$0x1] =	wrdreg $0xFFFFFFFF  }
0xc3: {  	_ =	task.clear_ibuf [dreg:s8], $0x2FFFF;
	_ =	strace $0x9FFFFFFF  }
0xc4: {  	(tm) =	ssettm $0x7FFFFFFF  }
0xc5: {  	_ =	shalt  }
tec
execute0_lowered:
.L_overlay_start_1:
0x0: {  	(tag) =	ssettag $0x1  }
0x1: {  	s0 =	rddreg [dreg:$0x0]  }
0x2: {  	s1 =	rddreg [dreg:$0x1]  }
0x3: {  	s3 =	srdreg.scid;
	s4 =	stileid.u32  }
0x4: {  	s2 =	rddreg [dreg:$0x2];
	s11 =	simm.s32 $0x3;
	s12 =	simm.s32 $0x80  }
0x5: {  	s13 =	simm.s32 $0x6400;
	s14 =	simm.s32 $0x8400;
	s16 =	simm.s32 $0xA400  }
0x6: {  	s18 =	simm.s32 $0xC400;
	s20 =	simm.s32 $0xE400;
	s21 =	simm.s32 $0x280  }
0x7: {  	s22 =	simm.s32 $0x10400;
	s23 =	simm.s32 $0x300;
	s28 =	simm.s32 $0x1  }
0x8: {  	s29 =	simm.s32 $0x40;
	s6 =	sand.u32 $0x1, s3;
	s4 =	sshll.u32 s4, $0x1  }
0x9: {  	s30 =	simm.s32 $0x2;
	s31 =	simm.s32 $0x0;
	s7 =	sor.u32 s6, s4  }
0xa: {  	s3 =	simm.s32 $0x0;
	s5 =	sadd.s32 $0xF42800, s1;
	s4 =	smul.u32 $0x320000, s7  }
0xb: {  	[smem:$0x7FF] =	sst s3;
	s24 =	ssub.s32 $0x2, s6;
	s25 =	smul.u32 $0xC80, s7  }
0xc: {  	_ =	strace $0x80000047;
	s9 =	sshrl.u32 s24, $0x1;
	s10 =	smul.u32 $0x64000, s7  }
0xd: {  	s1 =	ssub.s32 s24, s9;
	s24 =	simm.s32 $0x12400;
	s8 =	sshrl.u32 s4, $0x3  }
0xe: {  	s6 =	sadd.s32 s0, s25;
	s9 =	smax.u32 s1, $0x1;
	s26 =	sadd.s32 s10, s2  }
0xf: {  	s25 =	simm.s32 $0x380;
	s8 =	sadd.s32 s2, s8;
	s10 =	sadd.s32 $0x2000, s26  }
0x10: {  	s26 =	simm.s32 $0x14400;
	s7 =	sadd.s32 $0x60000, s8;
	s8 =	sadd.s32 $0x62000, s8  }
.LBB2_1:
0x11: {  	[tilespmem:s3], [sflag:$0x3] =	stream.linear.gather [hbm4b:s6+s3], $0x6400, $0x38;
	[tilespmem:$0x16400] =	vst v63  }
0x12: {  	_ =	swait.ge [sflag:s11], $0x6400  }
0x13: {  	[sflag:s11] =	ssyncset.done $0x0  }
0x14: {  	[sflag:s11] =	ssyncadd.s32 $0xFFFF9C00  }
0x15: {  	[tilespmem:s13], [sflag:$0x1] =	stream.indirect.gather [hbm4b:s5+s12], $0x40, s3, s12, $0xb8;
	[tilespmem:$0x16400] =	vst v63  }
0x16: {  	_ = 	snop  }
0x17: {  	[tilespmem:s14], [sflag:$0x1] =	stream.indirect.gather [hbm4b:s5+s12], $0x40, s12, s12, $0xb8;
	[tilespmem:$0x16400] =	vst v63  }
0x18: {  	s0 =	simm.s32 $0x100  }
0x19: {  	[tilespmem:s16], [sflag:$0x1] =	stream.indirect.gather [hbm4b:s5+s12], $0x40, s0, s12, $0xb8;
	[tilespmem:$0x16400] =	vst v63  }
0x1a: {  	s17 =	simm.s32 $0x180  }
0x1b: {  	[tilespmem:s18], [sflag:$0x1] =	stream.indirect.gather [hbm4b:s5+s12], $0x40, s17, s12, $0xb8;
	[tilespmem:$0x16400] =	vst v63  }
0x1c: {  	s19 =	simm.s32 $0x200  }
0x1d: {  	[tilespmem:s20], [sflag:$0x2] =	stream.indirect.gather [hbm4b:s5+s12], $0x40, s19, s12, $0xb8;
	[tilespmem:$0x16400] =	vst v63  }
0x1e: {  	_ = 	snop  }
0x1f: {  	[tilespmem:s22], [sflag:$0x2] =	stream.indirect.gather [hbm4b:s5+s12], $0x40, s21, s12, $0xb8;
	[tilespmem:$0x16400] =	vst v63  }
0x20: {  	_ = 	snop  }
0x21: {  	[tilespmem:s24], [sflag:$0x2] =	stream.indirect.gather [hbm4b:s5+s12], $0x40, s23, s12, $0xb8;
	[tilespmem:$0x16400] =	vst v63  }
0x22: {  	s1 =	simm.s32 $0x0  }
0x23: {  	[tilespmem:s26], [sflag:$0x2] =	stream.indirect.gather [hbm4b:s5+s12], $0x40, s25, s12, $0xb8;
	[tilespmem:$0x16400] =	vst v63  }
.LBB2_2:
0x24: {  	_ =	swait.ge [sflag:s28], $0x2000  }
0x25: {  	[sflag:s28] =	ssyncset.done $0x0  }
0x26: {  	[sflag:s28] =	ssyncadd.s32 $0xFFFFE000  }
0x27: {  	_ =	swait.ge [sflag:s28], $0x2000  }
0x28: {  	[sflag:s28] =	ssyncset.done $0x0  }
0x29: {  	[sflag:s28] =	ssyncadd.s32 $0xFFFFE000  }
0x2a: {  	_ =	swait.ge [sflag:s28], $0x2000  }
0x2b: {  	[sflag:s28] =	ssyncset.done $0x0  }
0x2c: {  	[sflag:s28] =	ssyncadd.s32 $0xFFFFE000  }
0x2d: {  	_ =	swait.ge [sflag:s28], $0x2000  }
0x2e: {  	[sflag:s28] =	ssyncset.done $0x0  }
0x2f: {  	s0 =	simm.s32 $0x6500;
	[sflag:s28] =	ssyncadd.s32 $0xFFFFE000  }
0x30: {  	v0 =	vld [tilespmem:s0+$0xFFFFFF00]  }
0x31: {  	v1 =	vld [tilespmem:s0+$0xFFFFFF10]  }
0x32: {  	v2 =	vld [tilespmem:s0+$0xFFFFFF20]  }
0x33: {  	v3 =	vld [tilespmem:s0+$0xFFFFFF30]  }
0x34: {  	v4 =	vld [tilespmem:s0+$0xFFFFFF40]  }
0x35: {  	v5 =	vld [tilespmem:s0+$0xFFFFFF50];
	v0 =	vmul.f32 $8.000000000e+00, v0  }
0x36: {  	v6 =	vld [tilespmem:s0+$0xFFFFFF60];
	v1 =	vmul.f32 $8.000000000e+00, v1  }
0x37: {  	[tilespmem:s0+$0xFFFFFF00] =	vst v0;
	v0 =	vmul.f32 $8.000000000e+00, v2;
	v2 =	vld [tilespmem:s0+$0xFFFFFF70]  }
0x38: {  	[tilespmem:s0+$0xFFFFFF10] =	vst v1;
	v1 =	vmul.f32 $8.000000000e+00, v3;
	v3 =	vld [tilespmem:s0+$0xFFFFFF80]  }
0x39: {  	[tilespmem:s0+$0xFFFFFF20] =	vst v0;
	v0 =	vmul.f32 $8.000000000e+00, v4;
	v4 =	vld [tilespmem:s0+$0xFFFFFF90]  }
0x3a: {  	[tilespmem:s0+$0xFFFFFF30] =	vst v1;
	v1 =	vmul.f32 $8.000000000e+00, v5;
	v5 =	vld [tilespmem:s0+$0xFFFFFFA0]  }
0x3b: {  	[tilespmem:s0+$0xFFFFFF40] =	vst v0;
	v0 =	vmul.f32 $8.000000000e+00, v6;
	v6 =	vld [tilespmem:s0+$0xFFFFFFB0]  }
0x3c: {  	[tilespmem:s0+$0xFFFFFF50] =	vst v1;
	v1 =	vmul.f32 $8.000000000e+00, v2;
	v2 =	vld [tilespmem:s0+$0xFFFFFFC0]  }
0x3d: {  	[tilespmem:s0+$0xFFFFFF60] =	vst v0;
	v0 =	vmul.f32 $8.000000000e+00, v3;
	v3 =	vld [tilespmem:s0+$0xFFFFFFD0]  }
0x3e: {  	[tilespmem:s0+$0xFFFFFF70] =	vst v1;
	v1 =	vmul.f32 $8.000000000e+00, v4;
	v4 =	vld [tilespmem:s0+$0xFFFFFFE0]  }
0x3f: {  	[tilespmem:s0+$0xFFFFFF80] =	vst v0;
	v0 =	vmul.f32 $8.000000000e+00, v5;
	v5 =	vld [tilespmem:s0+$0x0]  }
0x40: {  	[tilespmem:s0+$0xFFFFFF90] =	vst v1;
	v1 =	vmul.f32 $8.000000000e+00, v6;
	v6 =	vld [tilespmem:s0+$0x10]  }
0x41: {  	[tilespmem:s0+$0xFFFFFFA0] =	vst v0;
	v0 =	vmul.f32 $8.000000000e+00, v2;
	v2 =	vld [tilespmem:s0+$0x20]  }
0x42: {  	[tilespmem:s0+$0xFFFFFFB0] =	vst v1;
	v1 =	vmul.f32 $8.000000000e+00, v3;
	v3 =	vld [tilespmem:s0+$0x30]  }
0x43: {  	[tilespmem:s0+$0xFFFFFFC0] =	vst v0;
	v0 =	vmul.f32 $8.000000000e+00, v4;
	v4 =	vld [tilespmem:s0+$0x40]  }
0x44: {  	[tilespmem:s0+$0xFFFFFFD0] =	vst v1;
	v1 =	vmul.f32 $8.000000000e+00, v5;
	v5 =	vld [tilespmem:s0+$0x50]  }
0x45: {  	[tilespmem:s0+$0xFFFFFFE0] =	vst v0;
	v0 =	vmul.f32 $8.000000000e+00, v6;
	v6 =	vld [tilespmem:s0+$0x60]  }
0x46: {  	[tilespmem:s0+$0x0] =	vst v1;
	v1 =	vmul.f32 $8.000000000e+00, v2;
	v2 =	vld [tilespmem:s0+$0x70]  }
0x47: {  	[tilespmem:s0+$0x10] =	vst v0;
	v0 =	vmul.f32 $8.000000000e+00, v3;
	v3 =	vld [tilespmem:s0+$0x80]  }
0x48: {  	[tilespmem:s0+$0x20] =	vst v1;
	v1 =	vmul.f32 $8.000000000e+00, v4;
	v4 =	vld [tilespmem:s0+$0x90]  }
0x49: {  	[tilespmem:s0+$0x30] =	vst v0;
	v0 =	vmul.f32 $8.000000000e+00, v5;
	v5 =	vld [tilespmem:s0+$0xA0]  }
0x4a: {  	[tilespmem:s0+$0x40] =	vst v1;
	v1 =	vmul.f32 $8.000000000e+00, v6;
	v6 =	vld [tilespmem:s0+$0xB0]  }
0x4b: {  	[tilespmem:s0+$0x50] =	vst v0;
	v2 =	vmul.f32 $8.000000000e+00, v2;
	v0 =	vld [tilespmem:s0+$0xC0]  }
0x4c: {  	[tilespmem:s0+$0x60] =	vst v1;
	v3 =	vmul.f32 $8.000000000e+00, v3;
	v1 =	vld [tilespmem:s0+$0xD0]  }
0x4d: {  	[tilespmem:s0+$0x70] =	vst v2;
	v7 =	vmul.f32 $8.000000000e+00, v4;
	v2 =	vld [tilespmem:s0+$0xE0]  }
0x4e: {  	[tilespmem:s0+$0x80] =	vst v3;
	v3 =	vld [tilespmem:s0+$0xF0];
	v5 =	vmul.f32 $8.000000000e+00, v5  }
0x4f: {  	s15 =	simm.s32 $0x0;
	s17 =	simm.s32 $0x6700;
	v4 =	vld [tilespmem:s0+$0xFFFFFFF0];
	[tilespmem:s0+$0x90] =	vst v7;
	v6 =	vmul.f32 $8.000000000e+00, v6  }
.LBB2_3:
0x50: {  	v7 =	vld [tilespmem:s17+$0xFFFFFF00];
	[tilespmem:s0+$0xA0] =	vst v5;
	v0 =	vmul.f32 $8.000000000e+00, v0  }
0x51: {  	v5 =	vld [tilespmem:s17+$0xFFFFFF10];
	[tilespmem:s0+$0xB0] =	vst v6;
	v1 =	vmul.f32 $8.000000000e+00, v1  }
0x52: {  	v6 =	vld [tilespmem:s17+$0xFFFFFF20];
	[tilespmem:s0+$0xC0] =	vst v0;
	v0 =	vmul.f32 $8.000000000e+00, v2  }
0x53: {  	v2 =	vld [tilespmem:s17+$0xFFFFFF30];
	[tilespmem:s0+$0xD0] =	vst v1;
	v1 =	vmul.f32 $8.000000000e+00, v3  }
0x54: {  	v3 =	vld [tilespmem:s17+$0xFFFFFF40];
	v4 =	vmul.f32 $8.000000000e+00, v4;
	[tilespmem:s0+$0xE0] =	vst v0  }
0x55: {  	v0 =	vmul.f32 $8.000000000e+00, v7;
	v7 =	vld [tilespmem:s17+$0xFFFFFF50];
	[tilespmem:s0+$0xF0] =	vst v1  }
0x56: {  	v1 =	vmul.f32 $8.000000000e+00, v5;
	v5 =	vld [tilespmem:s17+$0xFFFFFF60];
	[tilespmem:s0+$0xFFFFFFF0] =	vst v4;
	s0 =	smov.u32 s17  }
0x57: {  	[tilespmem:s17+$0xFFFFFF00] =	vst v0;
	v0 =	vmul.f32 $8.000000000e+00, v6;
	v4 =	vld [tilespmem:s17+$0xFFFFFF70]  }
0x58: {  	[tilespmem:s17+$0xFFFFFF10] =	vst v1;
	v1 =	vmul.f32 $8.000000000e+00, v2;
	v2 =	vld [tilespmem:s17+$0xFFFFFF80]  }
0x59: {  	[tilespmem:s17+$0xFFFFFF20] =	vst v0;
	v0 =	vmul.f32 $8.000000000e+00, v3;
	v3 =	vld [tilespmem:s17+$0xFFFFFF90]  }
0x5a: {  	[tilespmem:s17+$0xFFFFFF30] =	vst v1;
	v1 =	vmul.f32 $8.000000000e+00, v7;
	v6 =	vld [tilespmem:s17+$0xFFFFFFA0]  }
0x5b: {  	[tilespmem:s17+$0xFFFFFF40] =	vst v0;
	v0 =	vmul.f32 $8.000000000e+00, v5;
	v5 =	vld [tilespmem:s17+$0xFFFFFFB0]  }
0x5c: {  	[tilespmem:s17+$0xFFFFFF50] =	vst v1;
	v1 =	vmul.f32 $8.000000000e+00, v4;
	v4 =	vld [tilespmem:s17+$0xFFFFFFC0]  }
0x5d: {  	[tilespmem:s17+$0xFFFFFF60] =	vst v0;
	v0 =	vmul.f32 $8.000000000e+00, v2;
	v2 =	vld [tilespmem:s17+$0xFFFFFFD0]  }
0x5e: {  	[tilespmem:s17+$0xFFFFFF70] =	vst v1;
	v1 =	vmul.f32 $8.000000000e+00, v3;
	v3 =	vld [tilespmem:s17+$0xFFFFFFE0]  }
0x5f: {  	[tilespmem:s17+$0xFFFFFF80] =	vst v0;
	v0 =	vmul.f32 $8.000000000e+00, v6;
	v6 =	vld [tilespmem:s17+$0x0]  }
0x60: {  	[tilespmem:s17+$0xFFFFFF90] =	vst v1;
	v1 =	vmul.f32 $8.000000000e+00, v5;
	v5 =	vld [tilespmem:s17+$0x10]  }
0x61: {  	[tilespmem:s17+$0xFFFFFFA0] =	vst v0;
	v0 =	vmul.f32 $8.000000000e+00, v4;
	v4 =	vld [tilespmem:s17+$0x20]  }
0x62: {  	[tilespmem:s17+$0xFFFFFFB0] =	vst v1;
	v1 =	vmul.f32 $8.000000000e+00, v2;
	v2 =	vld [tilespmem:s17+$0x30]  }
0x63: {  	[tilespmem:s17+$0xFFFFFFC0] =	vst v0;
	v0 =	vmul.f32 $8.000000000e+00, v3;
	v3 =	vld [tilespmem:s17+$0x40]  }
0x64: {  	[tilespmem:s17+$0xFFFFFFD0] =	vst v1;
	v1 =	vmul.f32 $8.000000000e+00, v6;
	v6 =	vld [tilespmem:s17+$0x50]  }
0x65: {  	[tilespmem:s17+$0xFFFFFFE0] =	vst v0;
	v0 =	vmul.f32 $8.000000000e+00, v5;
	v5 =	vld [tilespmem:s17+$0x60]  }
0x66: {  	[tilespmem:s17+$0x0] =	vst v1;
	v1 =	vmul.f32 $8.000000000e+00, v4;
	v4 =	vld [tilespmem:s17+$0x70]  }
0x67: {  	[tilespmem:s17+$0x10] =	vst v0;
	v0 =	vmul.f32 $8.000000000e+00, v2;
	v2 =	vld [tilespmem:s17+$0x80]  }
0x68: {  	[tilespmem:s17+$0x20] =	vst v1;
	v1 =	vmul.f32 $8.000000000e+00, v3;
	v3 =	vld [tilespmem:s17+$0x90]  }
0x69: {  	s15 =	sadd.s32 $0x8, s15;
	[tilespmem:s17+$0x30] =	vst v0;
	v0 =	vmul.f32 $8.000000000e+00, v6;
	v6 =	vld [tilespmem:s17+$0xA0]  }
0x6a: {  	p0 =	slt.u32 s15, $0x1F8;
	[tilespmem:s17+$0x40] =	vst v1;
	v1 =	vmul.f32 $8.000000000e+00, v5;
	v7 =	vld [tilespmem:s17+$0xB0]  }
.Ltmp0:
0x6b: {  	[tilespmem:s17+$0x50] =	vst v0;
	v4 =	vmul.f32 $8.000000000e+00, v4;
	v0 =	vld [tilespmem:s17+$0xC0];
	(pc) =	sbr.rel @p0 .LBB2_3-.Ltmp0, $4  }
0x6c: {  	[tilespmem:s17+$0x60] =	vst v1;
	v5 =	vmul.f32 $8.000000000e+00, v2;
	v1 =	vld [tilespmem:s17+$0xD0]  }
0x6d: {  	[tilespmem:s17+$0x70] =	vst v4;
	v8 =	vmul.f32 $8.000000000e+00, v3;
	v2 =	vld [tilespmem:s17+$0xE0]  }
0x6e: {  	[tilespmem:s17+$0x80] =	vst v5;
	v5 =	vmul.f32 $8.000000000e+00, v6;
	v3 =	vld [tilespmem:s17+$0xF0]  }
0x6f: {  	s17 =	sadd.s32 $0x200, s17;
	v4 =	vld [tilespmem:s0+$0xFFFFFFF0];
	[tilespmem:s0+$0x90] =	vst v8;
	v6 =	vmul.f32 $8.000000000e+00, v7  }
0x70: {  	[tilespmem:s0+$0xA0] =	vst v5;
	v0 =	vmul.f32 $8.000000000e+00, v0  }
0x71: {  	[tilespmem:s0+$0xB0] =	vst v6;
	v1 =	vmul.f32 $8.000000000e+00, v1  }
0x72: {  	[tilespmem:s0+$0xC0] =	vst v0;
	v0 =	vmul.f32 $8.000000000e+00, v2  }
0x73: {  	s15 =	sshll.u32 s1, $0x11;
	[tilespmem:s0+$0xD0] =	vst v1;
	v1 =	vmul.f32 $8.000000000e+00, v3  }
0x74: {  	s15 =	sadd.s32 s4, s15;
	v2 =	vmul.f32 $8.000000000e+00, v4;
	[tilespmem:s0+$0xE0] =	vst v0  }
0x75: {  	s15 =	sshrl.u32 s15, $0x3;
	[tilespmem:s0+$0xF0] =	vst v1  }
0x76: {  	s19 =	sadd.s32 s2, s15;
	[tilespmem:s0+$0xFFFFFFF0] =	vst v2  }
0x77: {  	[hbm4b:s19+s29] =	stream.strided.scatter [tilespmem:s13], [sflag:$0x3], $0x8000, s12, s29, $0x38;
	[tilespmem:$0x16400] =	vst v63  }
0x78: {  	s15 =	sshll.u32 s1, $0xA;
	_ =	swait.ge [sflag:s11], $0x8000  }
0x79: {  	s0 =	sand.u32 $0x3FFFFC00, s15;
	[sflag:s11] =	ssyncset.done $0x0  }
0x7a: {  	s17 =	sadd.s32 $0x400, s0;
	[sflag:s11] =	ssyncadd.s32 $0xFFFF8000  }
0x7b: {  	[tilespmem:s13], [sflag:$0x1] =	stream.indirect.gather [hbm4b:s5+s12], $0x40, s17, s12, $0xb8;
	[tilespmem:$0x16400] =	vst v63  }
0x7c: {  	s19 =	sadd.s32 $0x480, s0  }
0x7d: {  	[tilespmem:s14], [sflag:$0x1] =	stream.indirect.gather [hbm4b:s5+s12], $0x40, s19, s12, $0xb8;
	[tilespmem:$0x16400] =	vst v63  }
0x7e: {  	s17 =	sadd.s32 $0x500, s0  }
0x7f: {  	[tilespmem:s16], [sflag:$0x1] =	stream.indirect.gather [hbm4b:s5+s12], $0x40, s17, s12, $0xb8;
	[tilespmem:$0x16400] =	vst v63  }
0x80: {  	s19 =	sadd.s32 $0x580, s0  }
0x81: {  	[tilespmem:s18], [sflag:$0x1] =	stream.indirect.gather [hbm4b:s5+s12], $0x40, s19, s12, $0xb8;
	[tilespmem:$0x16400] =	vst v63  }
0x82: {  	_ =	swait.ge [sflag:s30], $0x2000  }
0x83: {  	[sflag:s30] =	ssyncset.done $0x0  }
0x84: {  	[sflag:s30] =	ssyncadd.s32 $0xFFFFE000  }
0x85: {  	_ =	swait.ge [sflag:s30], $0x2000  }
0x86: {  	[sflag:s30] =	ssyncset.done $0x0  }
0x87: {  	[sflag:s30] =	ssyncadd.s32 $0xFFFFE000  }
0x88: {  	_ =	swait.ge [sflag:s30], $0x2000  }
0x89: {  	[sflag:s30] =	ssyncset.done $0x0  }
0x8a: {  	[sflag:s30] =	ssyncadd.s32 $0xFFFFE000  }
0x8b: {  	_ =	swait.ge [sflag:s30], $0x2000  }
0x8c: {  	[sflag:s30] =	ssyncset.done $0x0  }
0x8d: {  	s15 =	simm.s32 $0xE400;
	[sflag:s30] =	ssyncadd.s32 $0xFFFFE000  }
0x8e: {  	v0 =	vld [tilespmem:s15+$0x1A0]  }
0x8f: {  	v1 =	vld [tilespmem:s15+$0xA0]  }
0x90: {  	v2 =	vld [tilespmem:s15+$0x90]  }
0x91: {  	v3 =	vld [tilespmem:s15+$0x80]  }
0x92: {  	v4 =	vld [tilespmem:s15+$0xB0]  }
0x93: {  	v5 =	vld [tilespmem:s15+$0x70]  }
0x94: {  	v6 =	vld [tilespmem:s15+$0xC0]  }
0x95: {  	v12 =	vld [tilespmem:s15+$0x60]  }
0x96: {  	v7 =	vld [tilespmem:s15+$0xD0]  }
0x97: {  	v8 =	vld [tilespmem:s15+$0xE0]  }
0x98: {  	v9 =	vld [tilespmem:s15+$0x1D0]  }
0x99: {  	v10 =	vld [tilespmem:s15+$0x1E0]  }
0x9a: {  	v11 =	vld [tilespmem:s15+$0x0]  }
0x9b: {  	v13 =	vld [tilespmem:s15+$0xF0]  }
0x9c: {  	v14 =	vld [tilespmem:s15+$0x100];
	v0 =	vmul.f32 $8.000000000e+00, v0  }
0x9d: {  	v15 =	vld [tilespmem:s15+$0x110];
	v9 =	vmul.f32 $8.000000000e+00, v9  }
0x9e: {  	v16 =	vld [tilespmem:s15+$0x120];
	v17 =	vmul.f32 $8.000000000e+00, v8;
	[tilespmem:s15+$0x1A0] =	vst v0  }
0x9f: {  	v18 =	vld [tilespmem:s15+$0x30];
	v6 =	vmul.f32 $8.000000000e+00, v6;
	[tilespmem:s15+$0x1D0] =	vst v9  }
0xa0: {  	v21 =	vld [tilespmem:s15+$0x1B0];
	v0 =	vmul.f32 $8.000000000e+00, v10;
	[tilespmem:s15+$0xE0] =	vst v17  }
0xa1: {  	v10 =	vmul.f32 $8.000000000e+00, v11;
	v11 =	vld [tilespmem:s15+$0x130];
	[tilespmem:s15+$0xC0] =	vst v6  }
0xa2: {  	v9 =	vmul.f32 $8.000000000e+00, v13;
	v13 =	vld [tilespmem:s15+$0x140];
	[tilespmem:s15+$0x1E0] =	vst v0  }
0xa3: {  	[tilespmem:s15+$0x0] =	vst v10;
	v0 =	vmul.f32 $8.000000000e+00, v14;
	v10 =	vld [tilespmem:s15+$0x150]  }
0xa4: {  	[tilespmem:s15+$0xF0] =	vst v9;
	v9 =	vmul.f32 $8.000000000e+00, v15;
	v14 =	vld [tilespmem:s15+$0x1F0]  }
0xa5: {  	v19 =	vld [tilespmem:s15+$0x20];
	v8 =	vmul.f32 $8.000000000e+00, v1;
	[tilespmem:s15+$0x100] =	vst v0;
	v0 =	vmul.f32 $8.000000000e+00, v16  }
0xa6: {  	v20 =	vld [tilespmem:s15+$0x10];
	v1 =	vmul.f32 $8.000000000e+00, v18;
	[tilespmem:s15+$0x110] =	vst v9;
	v9 =	vmul.f32 $8.000000000e+00, v11  }
0xa7: {  	v6 =	vmul.f32 $8.000000000e+00, v21;
	v15 =	vld [tilespmem:s15+$0x50];
	[tilespmem:s15+$0x120] =	vst v0;
	v0 =	vmul.f32 $8.000000000e+00, v13  }
0xa8: {  	v16 =	vld [tilespmem:s15+$0x40];
	v13 =	vmul.f32 $8.000000000e+00, v7;
	[tilespmem:s15+$0x130] =	vst v9;
	v7 =	vmul.f32 $8.000000000e+00, v10  }
0xa9: {  	v11 =	vld [tilespmem:s15+$0x190];
	v9 =	vmul.f32 $8.000000000e+00, v2;
	[tilespmem:s15+$0x140] =	vst v0;
	v0 =	vmul.f32 $8.000000000e+00, v14  }
0xaa: {  	[tilespmem:s15+$0x150] =	vst v7;
	v7 =	vmul.f32 $8.000000000e+00, v5;
	v5 =	vmul.f32 $8.000000000e+00, v12;
	v12 =	vld [tilespmem:s15+$0x1C0]  }
0xab: {  	v10 =	vmul.f32 $8.000000000e+00, v3;
	v14 =	vmul.f32 $8.000000000e+00, v4;
	[tilespmem:s15+$0xD0] =	vst v13;
	v13 =	vld [tilespmem:s15+$0x180]  }
0xac: {  	v2 =	vmul.f32 $8.000000000e+00, v15;
	v3 =	vmul.f32 $8.000000000e+00, v19;
	v15 =	vld [tilespmem:s15+$0x170];
	[tilespmem:s15+$0x1F0] =	vst v0  }
0xad: {  	s17 =	simm.s32 $0x0;
	s19 =	simm.s32 $0xE600;
	v4 =	vmul.f32 $8.000000000e+00, v20;
	v0 =	vmul.f32 $8.000000000e+00, v16;
	[tilespmem:s15+$0xB0] =	vst v14;
	v14 =	vld [tilespmem:s15+$0x160]  }
.LBB2_5:
0xae: {  	v16 =	vld [tilespmem:s19+$0x1A0];
	s17 =	sadd.s32 $0x8, s17;
	[tilespmem:s15+$0xA0] =	vst v8;
	v8 =	vmul.f32 $8.000000000e+00, v11  }
0xaf: {  	v11 =	vld [tilespmem:s19+$0xA0];
	p0 =	slt.u32 s17, $0x1F8;
	[tilespmem:s15+$0x90] =	vst v9;
	v9 =	vmul.f32 $8.000000000e+00, v12  }
0xb0: {  	v12 =	vld [tilespmem:s19+$0x90];
	[tilespmem:s15+$0x80] =	vst v10;
	v10 =	vmul.f32 $8.000000000e+00, v13  }
0xb1: {  	v13 =	vld [tilespmem:s19+$0x80];
	v15 =	vmul.f32 $8.000000000e+00, v15;
	[tilespmem:s15+$0x1C0] =	vst v9  }
0xb2: {  	v9 =	vld [tilespmem:s19+$0xB0];
	[tilespmem:s15+$0x70] =	vst v7;
	v7 =	vmul.f32 $8.000000000e+00, v14  }
0xb3: {  	v14 =	vld [tilespmem:s19+$0x70];
	v16 =	vmul.f32 $8.000000000e+00, v16;
	[tilespmem:s15+$0x180] =	vst v10  }
0xb4: {  	v10 =	vld [tilespmem:s19+$0xC0];
	[tilespmem:s15+$0x60] =	vst v5  }
0xb5: {  	v5 =	vld [tilespmem:s19+$0x60];
	[tilespmem:s15+$0x170] =	vst v15  }
0xb6: {  	v15 =	vld [tilespmem:s19+$0xD0];
	[tilespmem:s15+$0x50] =	vst v2  }
0xb7: {  	v2 =	vld [tilespmem:s19+$0xE0];
	[tilespmem:s15+$0x160] =	vst v7  }
0xb8: {  	v7 =	vld [tilespmem:s19+$0x1D0];
	[tilespmem:s15+$0x40] =	vst v0  }
0xb9: {  	v0 =	vld [tilespmem:s19+$0x1E0];
	[tilespmem:s15+$0x30] =	vst v1  }
0xba: {  	v1 =	vld [tilespmem:s19+$0x0];
	[tilespmem:s15+$0x20] =	vst v3  }
0xbb: {  	v3 =	vld [tilespmem:s19+$0xF0];
	[tilespmem:s15+$0x190] =	vst v8  }
0xbc: {  	v8 =	vld [tilespmem:s19+$0x100];
	[tilespmem:s15+$0x10] =	vst v4  }
0xbd: {  	v4 =	vld [tilespmem:s19+$0x110];
	v7 =	vmul.f32 $8.000000000e+00, v7;
	[tilespmem:s15+$0x1B0] =	vst v6;
	s15 =	smov.u32 s19  }
0xbe: {  	v6 =	vld [tilespmem:s19+$0x120];
	[tilespmem:s19+$0x1A0] =	vst v16;
	v0 =	vmul.f32 $8.000000000e+00, v0  }
0xbf: {  	v16 =	vmul.f32 $8.000000000e+00, v2;
	v1 =	vmul.f32 $8.000000000e+00, v1;
	v2 =	vld [tilespmem:s19+$0x130];
	[tilespmem:s19+$0x1D0] =	vst v7  }
0xc0: {  	v15 =	vmul.f32 $8.000000000e+00, v15;
	v3 =	vmul.f32 $8.000000000e+00, v3;
	v7 =	vld [tilespmem:s19+$0x140];
	[tilespmem:s19+$0x1E0] =	vst v0  }
0xc1: {  	v17 =	vmul.f32 $8.000000000e+00, v10;
	[tilespmem:s19+$0x0] =	vst v1;
	v0 =	vmul.f32 $8.000000000e+00, v8;
	v1 =	vld [tilespmem:s19+$0x150]  }
0xc2: {  	v18 =	vmul.f32 $8.000000000e+00, v9;
	[tilespmem:s19+$0xF0] =	vst v3;
	v3 =	vmul.f32 $8.000000000e+00, v4;
	v4 =	vld [tilespmem:s19+$0x1F0]  }
0xc3: {  	v8 =	vmul.f32 $8.000000000e+00, v11;
	v19 =	vld [tilespmem:s19+$0x50];
	[tilespmem:s19+$0x100] =	vst v0;
	v0 =	vmul.f32 $8.000000000e+00, v6  }
0xc4: {  	v9 =	vmul.f32 $8.000000000e+00, v12;
	v6 =	vld [tilespmem:s19+$0x40];
	[tilespmem:s19+$0x110] =	vst v3;
	v2 =	vmul.f32 $8.000000000e+00, v2  }
0xc5: {  	v10 =	vmul.f32 $8.000000000e+00, v13;
	v3 =	vld [tilespmem:s19+$0x30];
	[tilespmem:s19+$0x120] =	vst v0;
	v0 =	vmul.f32 $8.000000000e+00, v7  }
0xc6: {  	v7 =	vmul.f32 $8.000000000e+00, v14;
	v13 =	vld [tilespmem:s19+$0x20];
	[tilespmem:s19+$0x130] =	vst v2;
	v1 =	vmul.f32 $8.000000000e+00, v1  }
0xc7: {  	v5 =	vmul.f32 $8.000000000e+00, v5;
	v14 =	vld [tilespmem:s19+$0x10];
	[tilespmem:s19+$0x140] =	vst v0;
	v4 =	vmul.f32 $8.000000000e+00, v4  }
0xc8: {  	v2 =	vmul.f32 $8.000000000e+00, v19;
	[tilespmem:s19+$0x150] =	vst v1;
	v19 =	vld [tilespmem:s19+$0x1B0]  }
.Ltmp1:
0xc9: {  	v0 =	vmul.f32 $8.000000000e+00, v6;
	v11 =	vld [tilespmem:s19+$0x190];
	[tilespmem:s19+$0x1F0] =	vst v4;
	(pc) =	sbr.rel @p0 .LBB2_5-.Ltmp1, $4  }
0xca: {  	v1 =	vmul.f32 $8.000000000e+00, v3;
	[tilespmem:s19+$0xE0] =	vst v16;
	v12 =	vld [tilespmem:s19+$0x1C0]  }
0xcb: {  	v3 =	vmul.f32 $8.000000000e+00, v13;
	[tilespmem:s19+$0xD0] =	vst v15;
	v13 =	vld [tilespmem:s19+$0x180]  }
0xcc: {  	v4 =	vmul.f32 $8.000000000e+00, v14;
	[tilespmem:s19+$0xC0] =	vst v17;
	v15 =	vld [tilespmem:s19+$0x170]  }
0xcd: {  	s19 =	sadd.s32 $0x200, s19;
	[tilespmem:s15+$0xB0] =	vst v18;
	v14 =	vld [tilespmem:s15+$0x160];
	v6 =	vmul.f32 $8.000000000e+00, v19  }
0xce: {  	[tilespmem:s15+$0xA0] =	vst v8  }
0xcf: {  	[tilespmem:s15+$0x90] =	vst v9  }
0xd0: {  	[tilespmem:s15+$0x80] =	vst v10  }
0xd1: {  	[tilespmem:s15+$0x70] =	vst v7  }
0xd2: {  	[tilespmem:s15+$0x60] =	vst v5  }
0xd3: {  	[tilespmem:s15+$0x50] =	vst v2  }
0xd4: {  	[tilespmem:s15+$0x40] =	vst v0  }
0xd5: {  	[tilespmem:s15+$0x30] =	vst v1  }
0xd6: {  	[tilespmem:s15+$0x20] =	vst v3  }
0xd7: {  	v63 =	vmul.f32 $8.000000000e+00, v11;
	[tilespmem:s15+$0x10] =	vst v4  }
0xd8: {  	v59 =	vmul.f32 $8.000000000e+00, v12;
	[tilespmem:s15+$0x1B0] =	vst v6  }
0xd9: {  	v60 =	vmul.f32 $8.000000000e+00, v13;
	[tilespmem:s15+$0x190] =	vst v63  }
0xda: {  	[tilespmem:s15+$0x1C0] =	vst v59;
	v61 =	vmul.f32 $8.000000000e+00, v15  }
0xdb: {  	[tilespmem:s15+$0x180] =	vst v60;
	v62 =	vmul.f32 $8.000000000e+00, v14  }
0xdc: {  	s17 =	sshll.u32 s1, $0xE;
	[tilespmem:s15+$0x170] =	vst v61  }
0xdd: {  	s19 =	sadd.s32 s10, s17;
	[tilespmem:s15+$0x160] =	vst v62  }
0xde: {  	[hbm4b:s19+s29] =	stream.strided.scatter [tilespmem:s20], [sflag:$0x3], $0x8000, s12, s29, $0x38;
	[tilespmem:$0x16400] =	vst v63  }
0xdf: {  	_ =	swait.ge [sflag:s11], $0x8000  }
0xe0: {  	[sflag:s11] =	ssyncset.done $0x0  }
0xe1: {  	s1 =	sadd.s32 $0x1, s1;
	s17 =	sadd.s32 $0x600, s0;
	[sflag:s11] =	ssyncadd.s32 $0xFFFF8000  }
0xe2: {  	[tilespmem:s20], [sflag:$0x2] =	stream.indirect.gather [hbm4b:s5+s12], $0x40, s17, s12, $0xb8;
	[tilespmem:$0x16400] =	vst v63  }
0xe3: {  	p0 =	sne.s32 s1, $0x18;
	s19 =	sadd.s32 $0x680, s0  }
0xe4: {  	[tilespmem:s22], [sflag:$0x2] =	stream.indirect.gather [hbm4b:s5+s12], $0x40, s19, s12, $0xb8;
	[tilespmem:$0x16400] =	vst v63  }
.Ltmp2:
0xe5: {  	_ = 	snop;
	(pc) =	sbr.rel @p0 .LBB2_2-.Ltmp2, $4  }
0xe6: {  	s17 =	sadd.s32 $0x700, s0  }
0xe7: {  	[tilespmem:s24], [sflag:$0x2] =	stream.indirect.gather [hbm4b:s5+s12], $0x40, s17, s12, $0xb8;
	[tilespmem:$0x16400] =	vst v63  }
0xe8: {  	s19 =	sadd.s32 $0x780, s0  }
0xe9: {  	[tilespmem:s26], [sflag:$0x2] =	stream.indirect.gather [hbm4b:s5+s12], $0x40, s19, s12, $0xb8;
	[tilespmem:$0x16400] =	vst v63  }
0xea: {  	_ =	swait.ge [sflag:s28], $0x2000  }
0xeb: {  	[sflag:s28] =	ssyncset.done $0x0  }
0xec: {  	[sflag:s28] =	ssyncadd.s32 $0xFFFFE000  }
0xed: {  	_ =	swait.ge [sflag:s28], $0x2000  }
0xee: {  	[sflag:s28] =	ssyncset.done $0x0  }
0xef: {  	[sflag:s28] =	ssyncadd.s32 $0xFFFFE000  }
0xf0: {  	_ =	swait.ge [sflag:s28], $0x2000  }
0xf1: {  	[sflag:s28] =	ssyncset.done $0x0  }
0xf2: {  	[sflag:s28] =	ssyncadd.s32 $0xFFFFE000  }
0xf3: {  	_ =	swait.ge [sflag:s28], $0x2000  }
0xf4: {  	[sflag:s28] =	ssyncset.done $0x0  }
0xf5: {  	s0 =	simm.s32 $0x6500;
	[sflag:s28] =	ssyncadd.s32 $0xFFFFE000  }
0xf6: {  	v0 =	vld [tilespmem:s0+$0xFFFFFF00]  }
0xf7: {  	v1 =	vld [tilespmem:s0+$0xFFFFFF10]  }
0xf8: {  	v2 =	vld [tilespmem:s0+$0xFFFFFF20]  }
0xf9: {  	v3 =	vld [tilespmem:s0+$0xFFFFFF30]  }
0xfa: {  	v4 =	vld [tilespmem:s0+$0xFFFFFF40]  }
0xfb: {  	v5 =	vld [tilespmem:s0+$0xFFFFFF50];
	v0 =	vmul.f32 $8.000000000e+00, v0  }
0xfc: {  	v6 =	vld [tilespmem:s0+$0xFFFFFF60];
	v1 =	vmul.f32 $8.000000000e+00, v1  }
0xfd: {  	[tilespmem:s0+$0xFFFFFF00] =	vst v0;
	v0 =	vmul.f32 $8.000000000e+00, v2;
	v2 =	vld [tilespmem:s0+$0xFFFFFF70]  }
0xfe: {  	[tilespmem:s0+$0xFFFFFF10] =	vst v1;
	v1 =	vmul.f32 $8.000000000e+00, v3;
	v3 =	vld [tilespmem:s0+$0xFFFFFF80]  }
0xff: {  	[tilespmem:s0+$0xFFFFFF20] =	vst v0;
	v0 =	vmul.f32 $8.000000000e+00, v4;
	v4 =	vld [tilespmem:s0+$0xFFFFFF90]  }
0x100: {  	[tilespmem:s0+$0xFFFFFF30] =	vst v1;
	v1 =	vmul.f32 $8.000000000e+00, v5;
	v5 =	vld [tilespmem:s0+$0xFFFFFFA0]  }
0x101: {  	[tilespmem:s0+$0xFFFFFF40] =	vst v0;
	v0 =	vmul.f32 $8.000000000e+00, v6;
	v6 =	vld [tilespmem:s0+$0xFFFFFFB0]  }
0x102: {  	[tilespmem:s0+$0xFFFFFF50] =	vst v1;
	v1 =	vmul.f32 $8.000000000e+00, v2;
	v2 =	vld [tilespmem:s0+$0xFFFFFFC0]  }
0x103: {  	[tilespmem:s0+$0xFFFFFF60] =	vst v0;
	v0 =	vmul.f32 $8.000000000e+00, v3;
	v3 =	vld [tilespmem:s0+$0xFFFFFFD0]  }
0x104: {  	[tilespmem:s0+$0xFFFFFF70] =	vst v1;
	v1 =	vmul.f32 $8.000000000e+00, v4;
	v4 =	vld [tilespmem:s0+$0xFFFFFFE0]  }
0x105: {  	[tilespmem:s0+$0xFFFFFF80] =	vst v0;
	v0 =	vmul.f32 $8.000000000e+00, v5;
	v5 =	vld [tilespmem:s0+$0x0]  }
0x106: {  	[tilespmem:s0+$0xFFFFFF90] =	vst v1;
	v1 =	vmul.f32 $8.000000000e+00, v6;
	v6 =	vld [tilespmem:s0+$0x10]  }
0x107: {  	[tilespmem:s0+$0xFFFFFFA0] =	vst v0;
	v0 =	vmul.f32 $8.000000000e+00, v2;
	v2 =	vld [tilespmem:s0+$0x20]  }
0x108: {  	[tilespmem:s0+$0xFFFFFFB0] =	vst v1;
	v1 =	vmul.f32 $8.000000000e+00, v3;
	v3 =	vld [tilespmem:s0+$0x30]  }
0x109: {  	[tilespmem:s0+$0xFFFFFFC0] =	vst v0;
	v0 =	vmul.f32 $8.000000000e+00, v4;
	v4 =	vld [tilespmem:s0+$0x40]  }
0x10a: {  	[tilespmem:s0+$0xFFFFFFD0] =	vst v1;
	v1 =	vmul.f32 $8.000000000e+00, v5;
	v5 =	vld [tilespmem:s0+$0x50]  }
0x10b: {  	[tilespmem:s0+$0xFFFFFFE0] =	vst v0;
	v0 =	vmul.f32 $8.000000000e+00, v6;
	v6 =	vld [tilespmem:s0+$0x60]  }
0x10c: {  	[tilespmem:s0+$0x0] =	vst v1;
	v1 =	vmul.f32 $8.000000000e+00, v2;
	v2 =	vld [tilespmem:s0+$0x70]  }
0x10d: {  	[tilespmem:s0+$0x10] =	vst v0;
	v0 =	vmul.f32 $8.000000000e+00, v3;
	v3 =	vld [tilespmem:s0+$0x80]  }
0x10e: {  	[tilespmem:s0+$0x20] =	vst v1;
	v1 =	vmul.f32 $8.000000000e+00, v4;
	v4 =	vld [tilespmem:s0+$0x90]  }
0x10f: {  	[tilespmem:s0+$0x30] =	vst v0;
	v0 =	vmul.f32 $8.000000000e+00, v5;
	v5 =	vld [tilespmem:s0+$0xA0]  }
0x110: {  	[tilespmem:s0+$0x40] =	vst v1;
	v1 =	vmul.f32 $8.000000000e+00, v6;
	v6 =	vld [tilespmem:s0+$0xB0]  }
0x111: {  	[tilespmem:s0+$0x50] =	vst v0;
	v2 =	vmul.f32 $8.000000000e+00, v2;
	v0 =	vld [tilespmem:s0+$0xC0]  }
0x112: {  	[tilespmem:s0+$0x60] =	vst v1;
	v3 =	vmul.f32 $8.000000000e+00, v3;
	v1 =	vld [tilespmem:s0+$0xD0]  }
0x113: {  	[tilespmem:s0+$0x70] =	vst v2;
	v7 =	vmul.f32 $8.000000000e+00, v4;
	v2 =	vld [tilespmem:s0+$0xE0]  }
0x114: {  	[tilespmem:s0+$0x80] =	vst v3;
	v3 =	vld [tilespmem:s0+$0xF0];
	v5 =	vmul.f32 $8.000000000e+00, v5  }
0x115: {  	s1 =	simm.s32 $0x0;
	s15 =	simm.s32 $0x6700;
	v4 =	vld [tilespmem:s0+$0xFFFFFFF0];
	[tilespmem:s0+$0x90] =	vst v7;
	v6 =	vmul.f32 $8.000000000e+00, v6  }
.LBB2_8:
0x116: {  	v7 =	vld [tilespmem:s15+$0xFFFFFF00];
	[tilespmem:s0+$0xA0] =	vst v5;
	v0 =	vmul.f32 $8.000000000e+00, v0  }
0x117: {  	v5 =	vld [tilespmem:s15+$0xFFFFFF10];
	[tilespmem:s0+$0xB0] =	vst v6;
	v1 =	vmul.f32 $8.000000000e+00, v1  }
0x118: {  	v6 =	vld [tilespmem:s15+$0xFFFFFF20];
	[tilespmem:s0+$0xC0] =	vst v0;
	v0 =	vmul.f32 $8.000000000e+00, v2  }
0x119: {  	v2 =	vld [tilespmem:s15+$0xFFFFFF30];
	[tilespmem:s0+$0xD0] =	vst v1;
	v1 =	vmul.f32 $8.000000000e+00, v3  }
0x11a: {  	v3 =	vld [tilespmem:s15+$0xFFFFFF40];
	v4 =	vmul.f32 $8.000000000e+00, v4;
	[tilespmem:s0+$0xE0] =	vst v0  }
0x11b: {  	v0 =	vmul.f32 $8.000000000e+00, v7;
	v7 =	vld [tilespmem:s15+$0xFFFFFF50];
	[tilespmem:s0+$0xF0] =	vst v1  }
0x11c: {  	v1 =	vmul.f32 $8.000000000e+00, v5;
	v5 =	vld [tilespmem:s15+$0xFFFFFF60];
	[tilespmem:s0+$0xFFFFFFF0] =	vst v4;
	s0 =	smov.u32 s15  }
0x11d: {  	[tilespmem:s15+$0xFFFFFF00] =	vst v0;
	v0 =	vmul.f32 $8.000000000e+00, v6;
	v4 =	vld [tilespmem:s15+$0xFFFFFF70]  }
0x11e: {  	[tilespmem:s15+$0xFFFFFF10] =	vst v1;
	v1 =	vmul.f32 $8.000000000e+00, v2;
	v2 =	vld [tilespmem:s15+$0xFFFFFF80]  }
0x11f: {  	[tilespmem:s15+$0xFFFFFF20] =	vst v0;
	v0 =	vmul.f32 $8.000000000e+00, v3;
	v3 =	vld [tilespmem:s15+$0xFFFFFF90]  }
0x120: {  	[tilespmem:s15+$0xFFFFFF30] =	vst v1;
	v1 =	vmul.f32 $8.000000000e+00, v7;
	v6 =	vld [tilespmem:s15+$0xFFFFFFA0]  }
0x121: {  	[tilespmem:s15+$0xFFFFFF40] =	vst v0;
	v0 =	vmul.f32 $8.000000000e+00, v5;
	v5 =	vld [tilespmem:s15+$0xFFFFFFB0]  }
0x122: {  	[tilespmem:s15+$0xFFFFFF50] =	vst v1;
	v1 =	vmul.f32 $8.000000000e+00, v4;
	v4 =	vld [tilespmem:s15+$0xFFFFFFC0]  }
0x123: {  	[tilespmem:s15+$0xFFFFFF60] =	vst v0;
	v0 =	vmul.f32 $8.000000000e+00, v2;
	v2 =	vld [tilespmem:s15+$0xFFFFFFD0]  }
0x124: {  	[tilespmem:s15+$0xFFFFFF70] =	vst v1;
	v1 =	vmul.f32 $8.000000000e+00, v3;
	v3 =	vld [tilespmem:s15+$0xFFFFFFE0]  }
0x125: {  	[tilespmem:s15+$0xFFFFFF80] =	vst v0;
	v0 =	vmul.f32 $8.000000000e+00, v6;
	v6 =	vld [tilespmem:s15+$0x0]  }
0x126: {  	[tilespmem:s15+$0xFFFFFF90] =	vst v1;
	v1 =	vmul.f32 $8.000000000e+00, v5;
	v5 =	vld [tilespmem:s15+$0x10]  }
0x127: {  	[tilespmem:s15+$0xFFFFFFA0] =	vst v0;
	v0 =	vmul.f32 $8.000000000e+00, v4;
	v4 =	vld [tilespmem:s15+$0x20]  }
0x128: {  	[tilespmem:s15+$0xFFFFFFB0] =	vst v1;
	v1 =	vmul.f32 $8.000000000e+00, v2;
	v2 =	vld [tilespmem:s15+$0x30]  }
0x129: {  	[tilespmem:s15+$0xFFFFFFC0] =	vst v0;
	v0 =	vmul.f32 $8.000000000e+00, v3;
	v3 =	vld [tilespmem:s15+$0x40]  }
0x12a: {  	[tilespmem:s15+$0xFFFFFFD0] =	vst v1;
	v1 =	vmul.f32 $8.000000000e+00, v6;
	v6 =	vld [tilespmem:s15+$0x50]  }
0x12b: {  	[tilespmem:s15+$0xFFFFFFE0] =	vst v0;
	v0 =	vmul.f32 $8.000000000e+00, v5;
	v5 =	vld [tilespmem:s15+$0x60]  }
0x12c: {  	[tilespmem:s15+$0x0] =	vst v1;
	v1 =	vmul.f32 $8.000000000e+00, v4;
	v4 =	vld [tilespmem:s15+$0x70]  }
0x12d: {  	[tilespmem:s15+$0x10] =	vst v0;
	v0 =	vmul.f32 $8.000000000e+00, v2;
	v2 =	vld [tilespmem:s15+$0x80]  }
0x12e: {  	[tilespmem:s15+$0x20] =	vst v1;
	v1 =	vmul.f32 $8.000000000e+00, v3;
	v3 =	vld [tilespmem:s15+$0x90]  }
0x12f: {  	s1 =	sadd.s32 $0x8, s1;
	[tilespmem:s15+$0x30] =	vst v0;
	v0 =	vmul.f32 $8.000000000e+00, v6;
	v6 =	vld [tilespmem:s15+$0xA0]  }
0x130: {  	p0 =	slt.u32 s1, $0x1F8;
	[tilespmem:s15+$0x40] =	vst v1;
	v1 =	vmul.f32 $8.000000000e+00, v5;
	v7 =	vld [tilespmem:s15+$0xB0]  }
.Ltmp3:
0x131: {  	[tilespmem:s15+$0x50] =	vst v0;
	v4 =	vmul.f32 $8.000000000e+00, v4;
	v0 =	vld [tilespmem:s15+$0xC0];
	(pc) =	sbr.rel @p0 .LBB2_8-.Ltmp3, $4  }
0x132: {  	[tilespmem:s15+$0x60] =	vst v1;
	v5 =	vmul.f32 $8.000000000e+00, v2;
	v1 =	vld [tilespmem:s15+$0xD0]  }
0x133: {  	[tilespmem:s15+$0x70] =	vst v4;
	v8 =	vmul.f32 $8.000000000e+00, v3;
	v2 =	vld [tilespmem:s15+$0xE0]  }
0x134: {  	[tilespmem:s15+$0x80] =	vst v5;
	v5 =	vmul.f32 $8.000000000e+00, v6;
	v3 =	vld [tilespmem:s15+$0xF0]  }
0x135: {  	s15 =	sadd.s32 $0x200, s15;
	v4 =	vld [tilespmem:s0+$0xFFFFFFF0];
	[tilespmem:s0+$0x90] =	vst v8;
	v6 =	vmul.f32 $8.000000000e+00, v7  }
0x136: {  	[tilespmem:s0+$0xA0] =	vst v5;
	v0 =	vmul.f32 $8.000000000e+00, v0  }
0x137: {  	[tilespmem:s0+$0xB0] =	vst v6;
	v1 =	vmul.f32 $8.000000000e+00, v1  }
0x138: {  	[tilespmem:s0+$0xC0] =	vst v0;
	v0 =	vmul.f32 $8.000000000e+00, v2  }
0x139: {  	[tilespmem:s0+$0xD0] =	vst v1;
	v1 =	vmul.f32 $8.000000000e+00, v3  }
0x13a: {  	v2 =	vmul.f32 $8.000000000e+00, v4;
	[tilespmem:s0+$0xE0] =	vst v0  }
0x13b: {  	[tilespmem:s0+$0xF0] =	vst v1  }
0x13c: {  	[tilespmem:s0+$0xFFFFFFF0] =	vst v2  }
0x13d: {  	[hbm4b:s7+s29] =	stream.strided.scatter [tilespmem:s13], [sflag:$0x3], $0x8000, s12, s29, $0x38;
	[tilespmem:$0x16400] =	vst v63  }
0x13e: {  	_ =	swait.ge [sflag:s11], $0x8000  }
0x13f: {  	[sflag:s11] =	ssyncset.done $0x0  }
0x140: {  	[sflag:s11] =	ssyncadd.s32 $0xFFFF8000  }
0x141: {  	_ =	swait.ge [sflag:s30], $0x2000  }
0x142: {  	[sflag:s30] =	ssyncset.done $0x0  }
0x143: {  	[sflag:s30] =	ssyncadd.s32 $0xFFFFE000  }
0x144: {  	_ =	swait.ge [sflag:s30], $0x2000  }
0x145: {  	[sflag:s30] =	ssyncset.done $0x0  }
0x146: {  	[sflag:s30] =	ssyncadd.s32 $0xFFFFE000  }
0x147: {  	_ =	swait.ge [sflag:s30], $0x2000  }
0x148: {  	[sflag:s30] =	ssyncset.done $0x0  }
0x149: {  	[sflag:s30] =	ssyncadd.s32 $0xFFFFE000  }
0x14a: {  	_ =	swait.ge [sflag:s30], $0x2000  }
0x14b: {  	[sflag:s30] =	ssyncset.done $0x0  }
0x14c: {  	s0 =	simm.s32 $0xE400;
	[sflag:s30] =	ssyncadd.s32 $0xFFFFE000  }
0x14d: {  	v0 =	vld [tilespmem:s0+$0x1A0]  }
0x14e: {  	v1 =	vld [tilespmem:s0+$0xA0]  }
0x14f: {  	v2 =	vld [tilespmem:s0+$0x90]  }
0x150: {  	v3 =	vld [tilespmem:s0+$0x80]  }
0x151: {  	v4 =	vld [tilespmem:s0+$0xB0]  }
0x152: {  	v5 =	vld [tilespmem:s0+$0x70]  }
0x153: {  	v6 =	vld [tilespmem:s0+$0xC0]  }
0x154: {  	v12 =	vld [tilespmem:s0+$0x60]  }
0x155: {  	v7 =	vld [tilespmem:s0+$0xD0]  }
0x156: {  	v8 =	vld [tilespmem:s0+$0xE0]  }
0x157: {  	v9 =	vld [tilespmem:s0+$0x1D0]  }
0x158: {  	v10 =	vld [tilespmem:s0+$0x1E0]  }
0x159: {  	v11 =	vld [tilespmem:s0+$0x0]  }
0x15a: {  	v13 =	vld [tilespmem:s0+$0xF0]  }
0x15b: {  	v14 =	vld [tilespmem:s0+$0x100];
	v0 =	vmul.f32 $8.000000000e+00, v0  }
0x15c: {  	v15 =	vld [tilespmem:s0+$0x110];
	v9 =	vmul.f32 $8.000000000e+00, v9  }
0x15d: {  	v16 =	vld [tilespmem:s0+$0x120];
	v17 =	vmul.f32 $8.000000000e+00, v8;
	[tilespmem:s0+$0x1A0] =	vst v0  }
0x15e: {  	v18 =	vld [tilespmem:s0+$0x30];
	v6 =	vmul.f32 $8.000000000e+00, v6;
	[tilespmem:s0+$0x1D0] =	vst v9  }
0x15f: {  	v21 =	vld [tilespmem:s0+$0x1B0];
	v0 =	vmul.f32 $8.000000000e+00, v10;
	[tilespmem:s0+$0xE0] =	vst v17  }
0x160: {  	v10 =	vmul.f32 $8.000000000e+00, v11;
	v11 =	vld [tilespmem:s0+$0x130];
	[tilespmem:s0+$0xC0] =	vst v6  }
0x161: {  	v9 =	vmul.f32 $8.000000000e+00, v13;
	v13 =	vld [tilespmem:s0+$0x140];
	[tilespmem:s0+$0x1E0] =	vst v0  }
0x162: {  	[tilespmem:s0+$0x0] =	vst v10;
	v0 =	vmul.f32 $8.000000000e+00, v14;
	v10 =	vld [tilespmem:s0+$0x150]  }
0x163: {  	[tilespmem:s0+$0xF0] =	vst v9;
	v9 =	vmul.f32 $8.000000000e+00, v15;
	v14 =	vld [tilespmem:s0+$0x1F0]  }
0x164: {  	v19 =	vld [tilespmem:s0+$0x20];
	v8 =	vmul.f32 $8.000000000e+00, v1;
	[tilespmem:s0+$0x100] =	vst v0;
	v0 =	vmul.f32 $8.000000000e+00, v16  }
0x165: {  	v20 =	vld [tilespmem:s0+$0x10];
	v1 =	vmul.f32 $8.000000000e+00, v18;
	[tilespmem:s0+$0x110] =	vst v9;
	v9 =	vmul.f32 $8.000000000e+00, v11  }
0x166: {  	v6 =	vmul.f32 $8.000000000e+00, v21;
	v15 =	vld [tilespmem:s0+$0x50];
	[tilespmem:s0+$0x120] =	vst v0;
	v0 =	vmul.f32 $8.000000000e+00, v13  }
0x167: {  	v16 =	vld [tilespmem:s0+$0x40];
	v13 =	vmul.f32 $8.000000000e+00, v7;
	[tilespmem:s0+$0x130] =	vst v9;
	v7 =	vmul.f32 $8.000000000e+00, v10  }
0x168: {  	v11 =	vld [tilespmem:s0+$0x190];
	v9 =	vmul.f32 $8.000000000e+00, v2;
	[tilespmem:s0+$0x140] =	vst v0;
	v0 =	vmul.f32 $8.000000000e+00, v14  }
0x169: {  	[tilespmem:s0+$0x150] =	vst v7;
	v7 =	vmul.f32 $8.000000000e+00, v5;
	v5 =	vmul.f32 $8.000000000e+00, v12;
	v12 =	vld [tilespmem:s0+$0x1C0]  }
0x16a: {  	v10 =	vmul.f32 $8.000000000e+00, v3;
	v14 =	vmul.f32 $8.000000000e+00, v4;
	[tilespmem:s0+$0xD0] =	vst v13;
	v13 =	vld [tilespmem:s0+$0x180]  }
0x16b: {  	v2 =	vmul.f32 $8.000000000e+00, v15;
	v3 =	vmul.f32 $8.000000000e+00, v19;
	v15 =	vld [tilespmem:s0+$0x170];
	[tilespmem:s0+$0x1F0] =	vst v0  }
0x16c: {  	s1 =	simm.s32 $0x0;
	s15 =	simm.s32 $0xE600;
	v4 =	vmul.f32 $8.000000000e+00, v20;
	v0 =	vmul.f32 $8.000000000e+00, v16;
	[tilespmem:s0+$0xB0] =	vst v14;
	v14 =	vld [tilespmem:s0+$0x160]  }
.LBB2_10:
0x16d: {  	v16 =	vld [tilespmem:s15+$0x1A0];
	s1 =	sadd.s32 $0x8, s1;
	[tilespmem:s0+$0xA0] =	vst v8;
	v8 =	vmul.f32 $8.000000000e+00, v11  }
0x16e: {  	v11 =	vld [tilespmem:s15+$0xA0];
	p0 =	slt.u32 s1, $0x1F8;
	[tilespmem:s0+$0x90] =	vst v9;
	v9 =	vmul.f32 $8.000000000e+00, v12  }
0x16f: {  	v12 =	vld [tilespmem:s15+$0x90];
	[tilespmem:s0+$0x80] =	vst v10;
	v10 =	vmul.f32 $8.000000000e+00, v13  }
0x170: {  	v13 =	vld [tilespmem:s15+$0x80];
	v15 =	vmul.f32 $8.000000000e+00, v15;
	[tilespmem:s0+$0x1C0] =	vst v9  }
0x171: {  	v9 =	vld [tilespmem:s15+$0xB0];
	[tilespmem:s0+$0x70] =	vst v7;
	v7 =	vmul.f32 $8.000000000e+00, v14  }
0x172: {  	v14 =	vld [tilespmem:s15+$0x70];
	v16 =	vmul.f32 $8.000000000e+00, v16;
	[tilespmem:s0+$0x180] =	vst v10  }
0x173: {  	v10 =	vld [tilespmem:s15+$0xC0];
	[tilespmem:s0+$0x60] =	vst v5  }
0x174: {  	v5 =	vld [tilespmem:s15+$0x60];
	[tilespmem:s0+$0x170] =	vst v15  }
0x175: {  	v15 =	vld [tilespmem:s15+$0xD0];
	[tilespmem:s0+$0x50] =	vst v2  }
0x176: {  	v2 =	vld [tilespmem:s15+$0xE0];
	[tilespmem:s0+$0x160] =	vst v7  }
0x177: {  	v7 =	vld [tilespmem:s15+$0x1D0];
	[tilespmem:s0+$0x40] =	vst v0  }
0x178: {  	v0 =	vld [tilespmem:s15+$0x1E0];
	[tilespmem:s0+$0x30] =	vst v1  }
0x179: {  	v1 =	vld [tilespmem:s15+$0x0];
	[tilespmem:s0+$0x20] =	vst v3  }
0x17a: {  	v3 =	vld [tilespmem:s15+$0xF0];
	[tilespmem:s0+$0x190] =	vst v8  }
0x17b: {  	v8 =	vld [tilespmem:s15+$0x100];
	[tilespmem:s0+$0x10] =	vst v4  }
0x17c: {  	v4 =	vld [tilespmem:s15+$0x110];
	v7 =	vmul.f32 $8.000000000e+00, v7;
	[tilespmem:s0+$0x1B0] =	vst v6;
	s0 =	smov.u32 s15  }
0x17d: {  	v6 =	vld [tilespmem:s15+$0x120];
	[tilespmem:s15+$0x1A0] =	vst v16;
	v0 =	vmul.f32 $8.000000000e+00, v0  }
0x17e: {  	v16 =	vmul.f32 $8.000000000e+00, v2;
	v1 =	vmul.f32 $8.000000000e+00, v1;
	v2 =	vld [tilespmem:s15+$0x130];
	[tilespmem:s15+$0x1D0] =	vst v7  }
0x17f: {  	v15 =	vmul.f32 $8.000000000e+00, v15;
	v3 =	vmul.f32 $8.000000000e+00, v3;
	v7 =	vld [tilespmem:s15+$0x140];
	[tilespmem:s15+$0x1E0] =	vst v0  }
0x180: {  	v17 =	vmul.f32 $8.000000000e+00, v10;
	[tilespmem:s15+$0x0] =	vst v1;
	v0 =	vmul.f32 $8.000000000e+00, v8;
	v1 =	vld [tilespmem:s15+$0x150]  }
0x181: {  	v18 =	vmul.f32 $8.000000000e+00, v9;
	[tilespmem:s15+$0xF0] =	vst v3;
	v3 =	vmul.f32 $8.000000000e+00, v4;
	v4 =	vld [tilespmem:s15+$0x1F0]  }
0x182: {  	v8 =	vmul.f32 $8.000000000e+00, v11;
	v19 =	vld [tilespmem:s15+$0x50];
	[tilespmem:s15+$0x100] =	vst v0;
	v0 =	vmul.f32 $8.000000000e+00, v6  }
0x183: {  	v9 =	vmul.f32 $8.000000000e+00, v12;
	v6 =	vld [tilespmem:s15+$0x40];
	[tilespmem:s15+$0x110] =	vst v3;
	v2 =	vmul.f32 $8.000000000e+00, v2  }
0x184: {  	v10 =	vmul.f32 $8.000000000e+00, v13;
	v3 =	vld [tilespmem:s15+$0x30];
	[tilespmem:s15+$0x120] =	vst v0;
	v0 =	vmul.f32 $8.000000000e+00, v7  }
0x185: {  	v7 =	vmul.f32 $8.000000000e+00, v14;
	v13 =	vld [tilespmem:s15+$0x20];
	[tilespmem:s15+$0x130] =	vst v2;
	v1 =	vmul.f32 $8.000000000e+00, v1  }
0x186: {  	v5 =	vmul.f32 $8.000000000e+00, v5;
	v14 =	vld [tilespmem:s15+$0x10];
	[tilespmem:s15+$0x140] =	vst v0;
	v4 =	vmul.f32 $8.000000000e+00, v4  }
0x187: {  	v2 =	vmul.f32 $8.000000000e+00, v19;
	[tilespmem:s15+$0x150] =	vst v1;
	v19 =	vld [tilespmem:s15+$0x1B0]  }
.Ltmp4:
0x188: {  	v0 =	vmul.f32 $8.000000000e+00, v6;
	v11 =	vld [tilespmem:s15+$0x190];
	[tilespmem:s15+$0x1F0] =	vst v4;
	(pc) =	sbr.rel @p0 .LBB2_10-.Ltmp4, $4  }
0x189: {  	v1 =	vmul.f32 $8.000000000e+00, v3;
	[tilespmem:s15+$0xE0] =	vst v16;
	v12 =	vld [tilespmem:s15+$0x1C0]  }
0x18a: {  	v3 =	vmul.f32 $8.000000000e+00, v13;
	[tilespmem:s15+$0xD0] =	vst v15;
	v13 =	vld [tilespmem:s15+$0x180]  }
0x18b: {  	v4 =	vmul.f32 $8.000000000e+00, v14;
	[tilespmem:s15+$0xC0] =	vst v17;
	v15 =	vld [tilespmem:s15+$0x170]  }
0x18c: {  	s15 =	sadd.s32 $0x200, s15;
	[tilespmem:s0+$0xB0] =	vst v18;
	v14 =	vld [tilespmem:s0+$0x160];
	v6 =	vmul.f32 $8.000000000e+00, v19  }
0x18d: {  	[tilespmem:s0+$0xA0] =	vst v8  }
0x18e: {  	[tilespmem:s0+$0x90] =	vst v9  }
0x18f: {  	[tilespmem:s0+$0x80] =	vst v10  }
0x190: {  	[tilespmem:s0+$0x70] =	vst v7  }
0x191: {  	[tilespmem:s0+$0x60] =	vst v5  }
0x192: {  	[tilespmem:s0+$0x50] =	vst v2  }
0x193: {  	[tilespmem:s0+$0x40] =	vst v0  }
0x194: {  	[tilespmem:s0+$0x30] =	vst v1  }
0x195: {  	[tilespmem:s0+$0x20] =	vst v3  }
0x196: {  	v63 =	vmul.f32 $8.000000000e+00, v11;
	[tilespmem:s0+$0x10] =	vst v4  }
0x197: {  	v59 =	vmul.f32 $8.000000000e+00, v12;
	[tilespmem:s0+$0x1B0] =	vst v6  }
0x198: {  	v60 =	vmul.f32 $8.000000000e+00, v13;
	[tilespmem:s0+$0x190] =	vst v63  }
0x199: {  	[tilespmem:s0+$0x1C0] =	vst v59;
	v61 =	vmul.f32 $8.000000000e+00, v15  }
0x19a: {  	s31 =	sadd.s32 $0x1, s31;
	[tilespmem:s0+$0x180] =	vst v60;
	v62 =	vmul.f32 $8.000000000e+00, v14  }
0x19b: {  	p0 =	sne.s32 s31, s9;
	[tilespmem:s0+$0x170] =	vst v61  }
.Ltmp5:
0x19c: {  	[tilespmem:s0+$0x160] =	vst v62;
	(pc) =	sbr.rel @p0 .LBB2_1-.Ltmp5, $4  }
0x19d: {  	[hbm4b:s8+s29] =	stream.strided.scatter [tilespmem:s20], [sflag:$0x3], $0x8000, s12, s29, $0x38;
	[tilespmem:$0x16400] =	vst v63  }
0x19e: {  	_ =	swait.ge [sflag:s11], $0x8000  }
0x19f: {  	[sflag:s11] =	ssyncset.done $0x0  }
0x1a0: {  	[sflag:s11] =	ssyncadd.s32 $0xFFFF8000  }
0x1a1: {  	_ =	sfence.sel $0x180000  }
0x1a2: {  	[bflag:$0x0] =	sbarrier.arrive $0xFFFF  }
0x1a3: {  	_ =	strace $0x90000047  }
0x1a4: {  	s0 =	stileid.u32;
	[bflag:$0x2] =	sbarrier.arrive $0xFFFF  }
0x1a5: {  	p0 =	sne.s32 s0, $0x0;
	s0 =	rddreg [dreg:$0x3]  }
0x1a6: {  	s0 =	sadd.s32 @!p0 $0x100000, s0  }
0x1a7: {  	[sflag:s0] =	ssyncadd.tile.s32 @!p0 $0x1;
	_ =	shalt  }
.Lfunc_end2:
_tile_overlayer_lowered:
.L_overlay_start_2:
0x1a8: {  	(tag) =	ssettag $0x2  }
0x1a9: {  	s0 =	rddreg [dreg:$0x0];
	s2 =	stileid.u32  }
0x1aa: {  	s1 =	rddreg [dreg:$0x1];
	p0 =	sne.s32 s2, $0x0  }
0x1ab: {  	s3 =	rddreg [dreg:$0x2];
	[bflag:$0x3] =	sbarrier.arrive $0xFFFF;
	s2 =	simm.s32 @!p0 $0x1C03  }
0x1ac: {  	[timem:s3], [sflag:s2] =	dma.local @!p0 [hbm:s0], s1  }
0x1ad: {  	s0 =	simm.s32 @!p0 $0x3  }
0x1ae: {  	_ =	swait.ge @!p0 [sflag:s0], s1  }
0x1af: {  	s1 =	ssub.s32 @!p0 $0x0, s1;
	[sflag:s0] =	ssyncset.done @!p0 $0x0  }
0x1b0: {  	[sflag:s0] =	ssyncadd.s32 @!p0 s1  }
0x1b1: {  	[bflag:$0x3] =	sbarrier.arrive $0xFFFF  }
0x1b2: {  	_ =	shalt  }

</sc_bundles>
